<compile_context>
chip_gen: v7x
topology: tpu7x:2x2x1
jax: 0.10.2.dev20260603
libtpu: 0.0.44.dev20260713+nightly
codegen_flags: <defaults>
</compile_context>

<pallas_src>
import functools

import jax
import jax.numpy as jnp
from jax import lax
from jax.experimental import pallas as pl
from jax.experimental.pallas import tpu as pltpu
from jax.experimental.pallas import tpu_sc as plsc

N_NODES = 10000
N_EDGES = 320000
D = 128

NC = 2
NS = 16
NW = NC * NS
GB = 80
E_PER_TILE = N_EDGES // NW
STEPS = E_PER_TILE // GB
N_ACC = 10240
ROWS_PER_TILE = N_ACC // NS

_mesh = lambda: plsc.VectorSubcoreMesh(core_axis_name="c", subcore_axis_name="s")


DEG_R = 40
DEG_C = 256


@functools.partial(
    pl.kernel,
    mesh=_mesh(),
    out_type=jax.ShapeDtypeStruct((NW, DEG_R, DEG_C), jnp.float32),
    scratch_types=[
        pltpu.VMEM((STEPS, 1, GB), jnp.int32),
        pltpu.VMEM((DEG_R, DEG_C), jnp.float32),
    ],
    compiler_params=pltpu.CompilerParams(needs_layout_passes=False),
)
def _deg_sc(idx_hbm, out_hbm, dst_v, deg_v):
    c = lax.axis_index("c")
    s = lax.axis_index("s")
    wid = c * NS + s
    pltpu.sync_copy(idx_hbm.at[1, wid], dst_v)

    zeros16 = jnp.zeros((16,), jnp.float32)

    def zbody(i, _):
        deg_v[lax.div(i, 16), pl.ds(lax.rem(i, 16) * 16, 16)] = zeros16
        return 0

    lax.fori_loop(0, DEG_R * 16, zbody, 0)

    ones16 = jnp.ones((16,), jnp.float32)

    def body(r, _):
        for k in range(GB // 16):
            d = dst_v[r, 0, pl.ds(k * 16, 16)]
            row = lax.shift_right_logical(d, 8)
            col = lax.bitwise_and(d, 255)
            plsc.addupdate_scatter(deg_v, [row, col], ones16)
        return 0

    lax.fori_loop(0, STEPS, body, 0)
    pltpu.sync_copy(deg_v, out_hbm.at[wid])


NSLOT = 4


@functools.partial(
    pl.kernel,
    mesh=_mesh(),
    out_type=jax.ShapeDtypeStruct((NC, NS, ROWS_PER_TILE, D), jnp.float32),
    scratch_types=[
        pltpu.VMEM((NSLOT, 2, 1, GB), jnp.int32),
        pltpu.VMEM((NSLOT, GB, D), jnp.float32),
        pltpu.VMEM_SHARED((N_ACC, D), jnp.float32),
        pltpu.SemaphoreType.DMA((NSLOT,)),
        pltpu.SemaphoreType.DMA((NSLOT,)),
    ],
    compiler_params=pltpu.CompilerParams(needs_layout_passes=False),
)
def _scatter_sc(h_hbm, idx_hbm, out_hbm, idx_v, rows_v, acc_sh, isem, gsem):
    c = lax.axis_index("c")
    s = lax.axis_index("s")
    wid = c * NS + s

    zeros16 = jnp.zeros((16,), jnp.float32)

    def zbody(i, _):
        rows_v[0, lax.div(i, 8), pl.ds(lax.rem(i, 8) * 16, 16)] = zeros16
        return 0

    lax.fori_loop(0, GB * 8, zbody, 0)
    for k in range(ROWS_PER_TILE // GB):
        pltpu.async_copy(
            rows_v.at[0], acc_sh.at[pl.ds(s * ROWS_PER_TILE + k * GB, GB)],
            isem.at[0])
    for k in range(ROWS_PER_TILE // GB):
        pltpu.make_async_copy(
            rows_v.at[0], acc_sh.at[pl.ds(s * ROWS_PER_TILE + k * GB, GB)],
            isem.at[0]).wait()

    def istart(j, slot):
        pltpu.async_copy(idx_hbm.at[:, wid, j], idx_v.at[slot], isem.at[slot])

    def iwait(j, slot):
        pltpu.make_async_copy(
            idx_hbm.at[:, wid, j], idx_v.at[slot], isem.at[slot]
        ).wait()

    def gstart(j, slot):
        pltpu.async_copy(h_hbm.at[idx_v.at[slot, 0, 0]], rows_v.at[slot],
                         gsem.at[slot])

    def gwait(j, slot):
        pltpu.make_async_copy(
            h_hbm.at[idx_v.at[slot, 0, 0]], rows_v.at[slot], gsem.at[slot]
        ).wait()

    def scat(j, slot):
        pltpu.sync_copy(rows_v.at[slot], acc_sh.at[idx_v.at[slot, 1, 0]],
                        add=True)

    plsc.subcore_barrier()

    for k in range(NSLOT):
        istart(k, k)
    for k in range(3):
        iwait(k, k)
        gstart(k, k)

    def step(j, _):
        slot = lax.rem(j, NSLOT)
        gwait(j, slot)
        scat(j, slot)

        @pl.when(j + NSLOT < STEPS)
        def _():
            istart(j + NSLOT, slot)

        @pl.when(j + 3 < STEPS)
        def _():
            slot3 = lax.rem(j + 3, NSLOT)
            iwait(j + 3, slot3)
            gstart(j + 3, slot3)

        return 0

    lax.fori_loop(0, STEPS, step, 0)
    plsc.subcore_barrier()
    pltpu.sync_copy(
        acc_sh.at[pl.ds(s * ROWS_PER_TILE, ROWS_PER_TILE)],
        out_hbm.at[c, s],
    )


RB = 1000
NBLK = N_NODES // RB


def _tc1_body(degp_ref, x_ref, w_ref, dinv_ref, h1p_ref):
    dinv = lax.rsqrt(degp_ref[...] + 1.0)
    h = jnp.dot(x_ref[...], w_ref[...], preferred_element_type=jnp.float32)
    dinv_ref[...] = dinv
    h1p_ref[...] = h * dinv


def _tc1(deg_col, x, W1):
    return pl.pallas_call(
        _tc1_body,
        grid=(NBLK,),
        in_specs=[
            pl.BlockSpec((RB, 1), lambda i: (i, 0)),
            pl.BlockSpec((RB, D), lambda i: (i, 0)),
            pl.BlockSpec((D, D), lambda i: (0, 0)),
        ],
        out_specs=[
            pl.BlockSpec((RB, 1), lambda i: (i, 0)),
            pl.BlockSpec((RB, D), lambda i: (i, 0)),
        ],
        out_shape=[
            jax.ShapeDtypeStruct((N_NODES, 1), jnp.float32),
            jax.ShapeDtypeStruct((N_NODES, D), jnp.float32),
        ],
    )(deg_col, x, W1)


def _tc2_body(acc_ref, hp_ref, dinv_ref, b_ref, w_ref, out_ref):
    dinv = dinv_ref[...]
    z = dinv * (acc_ref[0] + acc_ref[1] + hp_ref[...]) + b_ref[...]
    z = jnp.maximum(z, 0.0)
    h = jnp.dot(z, w_ref[...], preferred_element_type=jnp.float32)
    out_ref[...] = h * dinv


def _tc2(acc, hp, dinv, b, W2):
    return pl.pallas_call(
        _tc2_body,
        grid=(NBLK,),
        in_specs=[
            pl.BlockSpec((NC, RB, D), lambda i: (0, i, 0)),
            pl.BlockSpec((RB, D), lambda i: (i, 0)),
            pl.BlockSpec((RB, 1), lambda i: (i, 0)),
            pl.BlockSpec((1, D), lambda i: (0, 0)),
            pl.BlockSpec((D, D), lambda i: (0, 0)),
        ],
        out_specs=pl.BlockSpec((RB, D), lambda i: (i, 0)),
        out_shape=jax.ShapeDtypeStruct((N_NODES, D), jnp.float32),
    )(acc, hp, dinv, b, W2)


def _tc3_body(acc_ref, hp_ref, dinv_ref, b_ref, wl_ref, bl_ref, out_ref):
    dinv = dinv_ref[...]
    z = dinv * (acc_ref[0] + acc_ref[1] + hp_ref[...]) + b_ref[...]
    z = jnp.maximum(z, 0.0)
    out = lax.dot_general(z, wl_ref[...], (((1,), (1,)), ((), ())),
                          preferred_element_type=jnp.float32)
    out_ref[...] = out + bl_ref[...]


def _tc3(acc, hp, dinv, b, Wl, bl):
    ncls = Wl.shape[0]
    return pl.pallas_call(
        _tc3_body,
        grid=(NBLK,),
        in_specs=[
            pl.BlockSpec((NC, RB, D), lambda i: (0, i, 0)),
            pl.BlockSpec((RB, D), lambda i: (i, 0)),
            pl.BlockSpec((RB, 1), lambda i: (i, 0)),
            pl.BlockSpec((1, D), lambda i: (0, 0)),
            pl.BlockSpec((ncls, D), lambda i: (0, 0)),
            pl.BlockSpec((1, ncls), lambda i: (0, 0)),
        ],
        out_specs=pl.BlockSpec((RB, ncls), lambda i: (i, 0)),
        out_shape=jax.ShapeDtypeStruct((N_NODES, ncls), jnp.float32),
    )(acc, hp, dinv, b, Wl, bl)


def kernel(x, edge_index, W1, b1, W2, b2, Wl, bl):
    idx = edge_index.reshape(2, NW, STEPS, 1, GB)

    deg_parts = _deg_sc(idx)
    deg_col = deg_parts.sum(axis=0).reshape(DEG_R * DEG_C)[:N_NODES]
    dinv, h1p = _tc1(deg_col.reshape(N_NODES, 1), x, W1)
    acc1 = _scatter_sc(h1p, idx).reshape(NC, N_ACC, D)
    h2p = _tc2(acc1, h1p, dinv, b1.reshape(1, D), W2)
    acc2 = _scatter_sc(h2p, idx).reshape(NC, N_ACC, D)
    out = _tc3(acc2, h2p, dinv, b2.reshape(1, D), Wl, bl.reshape(1, Wl.shape[0]))
    return out

# --- scband reference (transcript-rebuilt; emitter-appended) ---
"""Pipeline reference for scband-gcnmodel-61538291417125 (READ-ONLY COPY).

The authoritative reference and input builder live on the scoring server;
editing this copy changes nothing except your own understanding.
"""

import jax, jax.numpy as jnp
import numpy as np

N_NODES = 10000
N_EDGES = 320000
D_IN = 128
H1 = 128
H2 = 128
N_CLASSES = 40


def setup_inputs(seed: int = 0) -> dict:
    key = jax.random.key(seed)
    ks = jax.random.split(key, 8)
    x = jax.random.normal(ks[0], (N_NODES, D_IN), dtype=jnp.float32)
    edge_index = jax.random.randint(ks[1], (2, N_EDGES), 0, N_NODES, dtype=jnp.int64 if jax.config.jax_enable_x64 else jnp.int32).astype(jnp.int32)
    # GCNConv weights (PyG stores lin weight as [in, out] applied as x @ W)
    W1 = jax.random.normal(ks[2], (D_IN, H1), dtype=jnp.float32) * (1.0 / np.sqrt(D_IN))
    b1 = jnp.zeros((H1,), dtype=jnp.float32)
    W2 = jax.random.normal(ks[3], (H1, H2), dtype=jnp.float32) * (1.0 / np.sqrt(H1))
    b2 = jnp.zeros((H2,), dtype=jnp.float32)
    # nn.Linear weight [out, in], bias [out]
    Wl = jax.random.normal(ks[4], (N_CLASSES, H2), dtype=jnp.float32) * (1.0 / np.sqrt(H2))
    bl = jnp.zeros((N_CLASSES,), dtype=jnp.float32)
    return {"x": x, "edge_index": edge_index, "W1": W1, "b1": b1, "W2": W2, "b2": b2, "Wl": Wl, "bl": bl}


def _gcn_conv(x, src, dst, W, b, n_nodes):
    # PyG GCNConv with add_self_loops=True, normalize=True (sym norm)
    h = x @ W
    deg = jnp.zeros((n_nodes,), dtype=h.dtype).at[dst].add(1.0)
    dinv = jnp.where(deg > 0, jax.lax.rsqrt(deg), 0.0)
    norm = dinv[src] * dinv[dst]
    msgs = h[src] * norm[:, None]
    out = jnp.zeros((n_nodes, h.shape[1]), dtype=h.dtype).at[dst].add(msgs)
    return out + b


def reference(x, edge_index, W1, b1, W2, b2, Wl, bl):
    n = x.shape[0]
    self_idx = jnp.arange(n, dtype=edge_index.dtype)
    src = jnp.concatenate([edge_index[0], self_idx])
    dst = jnp.concatenate([edge_index[1], self_idx])
    h = _gcn_conv(x, src, dst, W1, b1, n)
    h = jax.nn.relu(h)
    # dropout is identity in eval mode
    h = _gcn_conv(h, src, dst, W2, b2, n)
    h = jax.nn.relu(h)
    out = h @ Wl.T + bl
    return out

if __name__ == "__main__":
    import jax
    _d = setup_inputs()
    print(jax.jit(kernel)(*tuple(_d.values())))

</pallas_src>

<mosaic_0001>
#map = affine_map<(d0, d1) -> (0, 0, 0, 0, 0)>
#map1 = affine_map<(d0, d1) -> (0, 0, 0)>
module attributes {stable_mosaic.version = 14 : i64} {
  func.func @_deg_sc(%arg0: i32, %arg1: i32, %arg2: memref<2x32x125x1x80xi32, #tpu.memory_space<hbm>>, %arg3: memref<32x40x256xf32, #tpu.memory_space<hbm>>, %arg4: memref<125x1x80xi32, #tpu.memory_space<vmem>>, %arg5: memref<40x256xf32, #tpu.memory_space<vmem>>) attributes {dimension_semantics = [#tpu.dimension_semantics<core_parallel>, #tpu.dimension_semantics<subcore_parallel>], iteration_bounds = array<i64: 2, 16>, scalar_prefetch = 0 : i64, scratch_operands = 2 : i64, tpu.core_type = #tpu.core_type<sc_vector_subcore>, window_params = [{transform_indices = #map}, {transform_indices = #map1}]} {
    %mul3A = arith.constant 16 : i32
    %mul3A_0 = arith.muli %arg0, %mul3A : i32
    %add3A = arith.addi %mul3A_0, %arg1 : i32
    %run_scoped3A = arith.constant 1 : i32
    "tpu.region"() ({
      %run_scoped3A_17 = tpu.sem_alloc : memref<!tpu.dma_semaphore, #tpu.memory_space<semaphore_mem>>
      %dma_start3A = arith.constant 0 : i32
      %dma_start3A_18 = arith.constant 0 : i32
      %dma_start3A_19 = arith.constant 0 : i32
      %dma_start3A_20 = tpu.memref_slice %arg2[%run_scoped3A, %add3A, %dma_start3A, %dma_start3A_18, %dma_start3A_19] : memref<2x32x125x1x80xi32, #tpu.memory_space<hbm>> -> memref<1x1x125x1x80xi32, #tpu.memory_space<hbm>>
      %dma_start3A_21 = tpu.memref_squeeze %dma_start3A_20 : memref<1x1x125x1x80xi32, #tpu.memory_space<hbm>> -> memref<125x1x80xi32, #tpu.memory_space<hbm>>
      %dma_start3A_22 = arith.constant 0 : i32
      %dma_start3A_23 = arith.constant 0 : i32
      %dma_start3A_24 = arith.constant 0 : i32
      %dma_start3A_25 = tpu.memref_slice %arg2[%run_scoped3A, %add3A, %dma_start3A_22, %dma_start3A_23, %dma_start3A_24] : memref<2x32x125x1x80xi32, #tpu.memory_space<hbm>> -> memref<1x1x125x1x80xi32, #tpu.memory_space<hbm>>
      %dma_start3A_26 = tpu.memref_squeeze %dma_start3A_25 : memref<1x1x125x1x80xi32, #tpu.memory_space<hbm>> -> memref<125x1x80xi32, #tpu.memory_space<hbm>>
      tpu.enqueue_dma source(%dma_start3A_26 : memref<125x1x80xi32, #tpu.memory_space<hbm>>) target(%arg4 : memref<125x1x80xi32, #tpu.memory_space<vmem>>) target_semaphore(%run_scoped3A_17 : memref<!tpu.dma_semaphore, #tpu.memory_space<semaphore_mem>>)
      %dma_wait3A = arith.constant 0 : i32
      %dma_wait3A_27 = arith.constant 0 : i32
      %dma_wait3A_28 = arith.constant 0 : i32
      %dma_wait3A_29 = tpu.memref_slice %arg2[%run_scoped3A, %add3A, %dma_wait3A, %dma_wait3A_27, %dma_wait3A_28] : memref<2x32x125x1x80xi32, #tpu.memory_space<hbm>> -> memref<1x1x125x1x80xi32, #tpu.memory_space<hbm>>
      %dma_wait3A_30 = tpu.memref_squeeze %dma_wait3A_29 : memref<1x1x125x1x80xi32, #tpu.memory_space<hbm>> -> memref<125x1x80xi32, #tpu.memory_space<hbm>>
      %dma_wait3A_31 = arith.constant 0 : i32
      %dma_wait3A_32 = arith.constant 0 : i32
      %dma_wait3A_33 = arith.constant 0 : i32
      %dma_wait3A_34 = tpu.memref_slice %arg2[%run_scoped3A, %add3A, %dma_wait3A_31, %dma_wait3A_32, %dma_wait3A_33] : memref<2x32x125x1x80xi32, #tpu.memory_space<hbm>> -> memref<1x1x125x1x80xi32, #tpu.memory_space<hbm>>
      %dma_wait3A_35 = tpu.memref_squeeze %dma_wait3A_34 : memref<1x1x125x1x80xi32, #tpu.memory_space<hbm>> -> memref<125x1x80xi32, #tpu.memory_space<hbm>>
      tpu.wait_dma2 semaphore(%run_scoped3A_17 : memref<!tpu.dma_semaphore, #tpu.memory_space<semaphore_mem>>) src(%dma_wait3A_35 : memref<125x1x80xi32, #tpu.memory_space<hbm>>) dst(%arg4 : memref<125x1x80xi32, #tpu.memory_space<vmem>>)
      tpu.yield
    }) : () -> ()
    %broadcast_in_dim3A = arith.constant 0.000000e+00 : f32
    %broadcast_in_dim3A_1 = vector.broadcast %broadcast_in_dim3A : f32 to vector<16xf32>
    %scan3A = arith.constant 0 : i32
    %scan3A_2 = arith.constant 0 : i32
    %scan3A_3 = arith.constant 640 : i32
    %scan3A_4 = arith.addi %scan3A_2, %scan3A_3 : i32
    %scan3A_5 = arith.constant 1 : i32
    %scan3A_6 = scf.for %scan3A_17 = %scan3A_2 to %scan3A_4 step %scan3A_5 iter_args(%scan3A_18 = %scan3A) -> (i32)  : i32 {
      %div3A = arith.constant 16 : i32
      %div3A_19 = arith.divsi %scan3A_17, %div3A : i32
      %rem3A = arith.constant 16 : i32
      %rem3A_20 = arith.remsi %scan3A_17, %rem3A : i32
      %mul3A_21 = arith.constant 16 : i32
      %mul3A_22 = arith.muli %rem3A_20, %mul3A_21 : i32
      %swap3A = arith.index_cast %div3A_19 : i32 to index
      %swap3A_23 = arith.index_cast %mul3A_22 : i32 to index
      %swap3A_24 = tpu.vector_load %arg5[%swap3A, %swap3A_23] {strides = array<i32>} : memref<40x256xf32, #tpu.memory_space<vmem>>, vector<16xf32>,
      tpu.vector_store %arg5[%swap3A, %swap3A_23], %broadcast_in_dim3A_1 {strides = array<i32>} : memref<40x256xf32, #tpu.memory_space<vmem>>, vector<16xf32>,
      %scan3A_25 = arith.constant 0 : i32
      scf.yield %scan3A_25 : i32
    }
    %scan3A_7 = arith.constant 640 : i32
    %broadcast_in_dim3A_8 = arith.constant 1.000000e+00 : f32
    %broadcast_in_dim3A_9 = vector.broadcast %broadcast_in_dim3A_8 : f32 to vector<16xf32>
    %scan3A_10 = arith.constant 0 : i32
    %scan3A_11 = arith.constant 0 : i32
    %scan3A_12 = arith.constant 125 : i32
    %scan3A_13 = arith.addi %scan3A_11, %scan3A_12 : i32
    %scan3A_14 = arith.constant 1 : i32
    %scan3A_15 = scf.for %scan3A_17 = %scan3A_11 to %scan3A_13 step %scan3A_14 iter_args(%scan3A_18 = %scan3A_10) -> (i32)  : i32 {
      %get3A = arith.constant 0 : i32
      %get3A_19 = arith.index_cast %scan3A_17 : i32 to index
      %get3A_20 = arith.index_cast %get3A : i32 to index
      %get3A_21 = arith.constant 0 : index
      %get3A_22 = tpu.vector_load %arg4[%get3A_19, %get3A_20, %get3A_21] {strides = array<i32>} : memref<125x1x80xi32, #tpu.memory_space<vmem>>, vector<16xi32>,
      %shift_right_logical3A = arith.constant 8 : i32
      %shift_right_logical3A_23 = vector.broadcast %shift_right_logical3A : i32 to vector<16xi32>
      %shift_right_logical3A_24 = arith.shrui %get3A_22, %shift_right_logical3A_23 : vector<16xi32>
      %and3A = arith.constant 255 : i32
      %and3A_25 = vector.broadcast %and3A : i32 to vector<16xi32>
      %and3A_26 = arith.andi %get3A_22, %and3A_25 : vector<16xi32>
      tpu.vector_store_idx %arg5[%shift_right_logical3A_24, %and3A_26], %broadcast_in_dim3A_9 {add = true} : memref<40x256xf32, #tpu.memory_space<vmem>>[vector<16xi32>, vector<16xi32>], vector<16xf32>,
      %get3A_27 = arith.constant 0 : i32
      %get3A_28 = arith.index_cast %scan3A_17 : i32 to index
      %get3A_29 = arith.index_cast %get3A_27 : i32 to index
      %get3A_30 = arith.constant 16 : index
      %get3A_31 = tpu.vector_load %arg4[%get3A_28, %get3A_29, %get3A_30] {strides = array<i32>} : memref<125x1x80xi32, #tpu.memory_space<vmem>>, vector<16xi32>,
      %shift_right_logical3A_32 = arith.constant 8 : i32
      %shift_right_logical3A_33 = vector.broadcast %shift_right_logical3A_32 : i32 to vector<16xi32>
      %shift_right_logical3A_34 = arith.shrui %get3A_31, %shift_right_logical3A_33 : vector<16xi32>
      %and3A_35 = arith.constant 255 : i32
      %and3A_36 = vector.broadcast %and3A_35 : i32 to vector<16xi32>
      %and3A_37 = arith.andi %get3A_31, %and3A_36 : vector<16xi32>
      tpu.vector_store_idx %arg5[%shift_right_logical3A_34, %and3A_37], %broadcast_in_dim3A_9 {add = true} : memref<40x256xf32, #tpu.memory_space<vmem>>[vector<16xi32>, vector<16xi32>], vector<16xf32>,
      %get3A_38 = arith.constant 0 : i32
      %get3A_39 = arith.index_cast %scan3A_17 : i32 to index
      %get3A_40 = arith.index_cast %get3A_38 : i32 to index
      %get3A_41 = arith.constant 32 : index
      %get3A_42 = tpu.vector_load %arg4[%get3A_39, %get3A_40, %get3A_41] {strides = array<i32>} : memref<125x1x80xi32, #tpu.memory_space<vmem>>, vector<16xi32>,
      %shift_right_logical3A_43 = arith.constant 8 : i32
      %shift_right_logical3A_44 = vector.broadcast %shift_right_logical3A_43 : i32 to vector<16xi32>
      %shift_right_logical3A_45 = arith.shrui %get3A_42, %shift_right_logical3A_44 : vector<16xi32>
      %and3A_46 = arith.constant 255 : i32
      %and3A_47 = vector.broadcast %and3A_46 : i32 to vector<16xi32>
      %and3A_48 = arith.andi %get3A_42, %and3A_47 : vector<16xi32>
      tpu.vector_store_idx %arg5[%shift_right_logical3A_45, %and3A_48], %broadcast_in_dim3A_9 {add = true} : memref<40x256xf32, #tpu.memory_space<vmem>>[vector<16xi32>, vector<16xi32>], vector<16xf32>,
      %get3A_49 = arith.constant 0 : i32
      %get3A_50 = arith.index_cast %scan3A_17 : i32 to index
      %get3A_51 = arith.index_cast %get3A_49 : i32 to index
      %get3A_52 = arith.constant 48 : index
      %get3A_53 = tpu.vector_load %arg4[%get3A_50, %get3A_51, %get3A_52] {strides = array<i32>} : memref<125x1x80xi32, #tpu.memory_space<vmem>>, vector<16xi32>,
      %shift_right_logical3A_54 = arith.constant 8 : i32
      %shift_right_logical3A_55 = vector.broadcast %shift_right_logical3A_54 : i32 to vector<16xi32>
      %shift_right_logical3A_56 = arith.shrui %get3A_53, %shift_right_logical3A_55 : vector<16xi32>
      %and3A_57 = arith.constant 255 : i32
      %and3A_58 = vector.broadcast %and3A_57 : i32 to vector<16xi32>
      %and3A_59 = arith.andi %get3A_53, %and3A_58 : vector<16xi32>
      tpu.vector_store_idx %arg5[%shift_right_logical3A_56, %and3A_59], %broadcast_in_dim3A_9 {add = true} : memref<40x256xf32, #tpu.memory_space<vmem>>[vector<16xi32>, vector<16xi32>], vector<16xf32>,
      %get3A_60 = arith.constant 0 : i32
      %get3A_61 = arith.index_cast %scan3A_17 : i32 to index
      %get3A_62 = arith.index_cast %get3A_60 : i32 to index
      %get3A_63 = arith.constant 64 : index
      %get3A_64 = tpu.vector_load %arg4[%get3A_61, %get3A_62, %get3A_63] {strides = array<i32>} : memref<125x1x80xi32, #tpu.memory_space<vmem>>, vector<16xi32>,
      %shift_right_logical3A_65 = arith.constant 8 : i32
      %shift_right_logical3A_66 = vector.broadcast %shift_right_logical3A_65 : i32 to vector<16xi32>
      %shift_right_logical3A_67 = arith.shrui %get3A_64, %shift_right_logical3A_66 : vector<16xi32>
      %and3A_68 = arith.constant 255 : i32
      %and3A_69 = vector.broadcast %and3A_68 : i32 to vector<16xi32>
      %and3A_70 = arith.andi %get3A_64, %and3A_69 : vector<16xi32>
      tpu.vector_store_idx %arg5[%shift_right_logical3A_67, %and3A_70], %broadcast_in_dim3A_9 {add = true} : memref<40x256xf32, #tpu.memory_space<vmem>>[vector<16xi32>, vector<16xi32>], vector<16xf32>,
      %scan3A_71 = arith.constant 0 : i32
      scf.yield %scan3A_71 : i32
    }
    %scan3A_16 = arith.constant 125 : i32
    "tpu.region"() ({
      %run_scoped3A_17 = tpu.sem_alloc : memref<!tpu.dma_semaphore, #tpu.memory_space<semaphore_mem>>
      %dma_start3A = arith.constant 0 : i32
      %dma_start3A_18 = arith.constant 0 : i32
      %dma_start3A_19 = tpu.memref_slice %arg3[%add3A, %dma_start3A, %dma_start3A_18] : memref<32x40x256xf32, #tpu.memory_space<hbm>> -> memref<1x40x256xf32, #tpu.memory_space<hbm>>
      %dma_start3A_20 = tpu.memref_squeeze %dma_start3A_19 : memref<1x40x256xf32, #tpu.memory_space<hbm>> -> memref<40x256xf32, #tpu.memory_space<hbm>>
      %dma_start3A_21 = arith.constant 0 : i32
      %dma_start3A_22 = arith.constant 0 : i32
      %dma_start3A_23 = tpu.memref_slice %arg3[%add3A, %dma_start3A_21, %dma_start3A_22] : memref<32x40x256xf32, #tpu.memory_space<hbm>> -> memref<1x40x256xf32, #tpu.memory_space<hbm>>
      %dma_start3A_24 = tpu.memref_squeeze %dma_start3A_23 : memref<1x40x256xf32, #tpu.memory_space<hbm>> -> memref<40x256xf32, #tpu.memory_space<hbm>>
      tpu.enqueue_dma source(%arg5 : memref<40x256xf32, #tpu.memory_space<vmem>>) target(%dma_start3A_24 : memref<40x256xf32, #tpu.memory_space<hbm>>) target_semaphore(%run_scoped3A_17 : memref<!tpu.dma_semaphore, #tpu.memory_space<semaphore_mem>>)
      %dma_wait3A = arith.constant 0 : i32
      %dma_wait3A_25 = arith.constant 0 : i32
      %dma_wait3A_26 = tpu.memref_slice %arg3[%add3A, %dma_wait3A, %dma_wait3A_25] : memref<32x40x256xf32, #tpu.memory_space<hbm>> -> memref<1x40x256xf32, #tpu.memory_space<hbm>>
      %dma_wait3A_27 = tpu.memref_squeeze %dma_wait3A_26 : memref<1x40x256xf32, #tpu.memory_space<hbm>> -> memref<40x256xf32, #tpu.memory_space<hbm>>
      %dma_wait3A_28 = arith.constant 0 : i32
      %dma_wait3A_29 = arith.constant 0 : i32
      %dma_wait3A_30 = tpu.memref_slice %arg3[%add3A, %dma_wait3A_28, %dma_wait3A_29] : memref<32x40x256xf32, #tpu.memory_space<hbm>> -> memref<1x40x256xf32, #tpu.memory_space<hbm>>
      %dma_wait3A_31 = tpu.memref_squeeze %dma_wait3A_30 : memref<1x40x256xf32, #tpu.memory_space<hbm>> -> memref<40x256xf32, #tpu.memory_space<hbm>>
      tpu.wait_dma2 semaphore(%run_scoped3A_17 : memref<!tpu.dma_semaphore, #tpu.memory_space<semaphore_mem>>) src(%arg5 : memref<40x256xf32, #tpu.memory_space<vmem>>) dst(%dma_wait3A_31 : memref<40x256xf32, #tpu.memory_space<hbm>>)
      tpu.yield
    }) : () -> ()
    return
  }
}

#map = affine_map<(d0, d1) -> (0, 0)>
#map1 = affine_map<(d0, d1) -> (0, 0, 0, 0, 0)>
#map2 = affine_map<(d0, d1) -> (0, 0, 0, 0)>
module attributes {stable_mosaic.version = 14 : i64} {
  func.func @_scatter_sc(%arg0: i32, %arg1: i32, %arg2: memref<10000x128xf32, #tpu.memory_space<hbm>>, %arg3: memref<2x32x125x1x80xi32, #tpu.memory_space<hbm>>, %arg4: memref<2x16x640x128xf32, #tpu.memory_space<hbm>>, %arg5: memref<4x2x1x80xi32, #tpu.memory_space<vmem>>, %arg6: memref<4x80x128xf32, #tpu.memory_space<vmem>>, %arg7: memref<10240x128xf32, #tpu.memory_space<vmem_shared>>, %arg8: memref<4x!tpu.dma_semaphore, #tpu.memory_space<semaphore_mem>>, %arg9: memref<4x!tpu.dma_semaphore, #tpu.memory_space<semaphore_mem>>) attributes {dimension_semantics = [#tpu.dimension_semantics<core_parallel>, #tpu.dimension_semantics<subcore_parallel>], iteration_bounds = array<i64: 2, 16>, scalar_prefetch = 0 : i64, scratch_operands = 5 : i64, tpu.core_type = #tpu.core_type<sc_vector_subcore>, window_params = [{transform_indices = #map}, {transform_indices = #map1}, {transform_indices = #map2}]} {
    %mul3A = arith.constant 16 : i32
    %mul3A_0 = arith.muli %arg0, %mul3A : i32
    %add3A = arith.addi %mul3A_0, %arg1 : i32
    %broadcast_in_dim3A = arith.constant 0.000000e+00 : f32
    %broadcast_in_dim3A_1 = vector.broadcast %broadcast_in_dim3A : f32 to vector<16xf32>
    %scan3A = arith.constant 0 : i32
    %scan3A_2 = arith.constant 0 : i32
    %scan3A_3 = arith.constant 640 : i32
    %scan3A_4 = arith.addi %scan3A_2, %scan3A_3 : i32
    %scan3A_5 = arith.constant 1 : i32
    %scan3A_6 = scf.for %scan3A_562 = %scan3A_2 to %scan3A_4 step %scan3A_5 iter_args(%scan3A_563 = %scan3A) -> (i32)  : i32 {
      %div3A = arith.constant 8 : i32
      %div3A_564 = arith.divsi %scan3A_562, %div3A : i32
      %rem3A = arith.constant 8 : i32
      %rem3A_565 = arith.remsi %scan3A_562, %rem3A : i32
      %mul3A_566 = arith.constant 16 : i32
      %mul3A_567 = arith.muli %rem3A_565, %mul3A_566 : i32
      %swap3A = arith.constant 0 : i32
      %swap3A_568 = arith.index_cast %swap3A : i32 to index
      %swap3A_569 = arith.index_cast %div3A_564 : i32 to index
      %swap3A_570 = arith.index_cast %mul3A_567 : i32 to index
      %swap3A_571 = tpu.vector_load %arg6[%swap3A_568, %swap3A_569, %swap3A_570] {strides = array<i32>} : memref<4x80x128xf32, #tpu.memory_space<vmem>>, vector<16xf32>,
      tpu.vector_store %arg6[%swap3A_568, %swap3A_569, %swap3A_570], %broadcast_in_dim3A_1 {strides = array<i32>} : memref<4x80x128xf32, #tpu.memory_space<vmem>>, vector<16xf32>,
      %scan3A_572 = arith.constant 0 : i32
      scf.yield %scan3A_572 : i32
    }
    %scan3A_7 = arith.constant 640 : i32
    %mul3A_8 = arith.constant 640 : i32
    %mul3A_9 = arith.muli %arg1, %mul3A_8 : i32
    %add3A_10 = arith.constant 0 : i32
    %add3A_11 = arith.addi %mul3A_9, %add3A_10 : i32
    %dma_start3A = arith.constant 0 : i32
    %dma_start3A_12 = arith.constant 0 : i32
    %dma_start3A_13 = arith.constant 0 : i32
    %dma_start3A_14 = arith.constant 0 : i32
    %dma_start3A_15 = tpu.memref_slice %arg6[%dma_start3A, %dma_start3A_13, %dma_start3A_14] : memref<4x80x128xf32, #tpu.memory_space<vmem>> -> memref<1x80x128xf32, #tpu.memory_space<vmem>>
    %dma_start3A_16 = tpu.memref_squeeze %dma_start3A_15 : memref<1x80x128xf32, #tpu.memory_space<vmem>> -> memref<80x128xf32, #tpu.memory_space<vmem>>
    %dma_start3A_17 = arith.constant 0 : i32
    %dma_start3A_18 = tpu.memref_slice %arg7[%add3A_11, %dma_start3A_17] : memref<10240x128xf32, #tpu.memory_space<vmem_shared>> -> memref<80x128xf32, #tpu.memory_space<vmem_shared>>
    %dma_start3A_19 = tpu.memref_slice %arg8[%dma_start3A_12] : memref<4x!tpu.dma_semaphore, #tpu.memory_space<semaphore_mem>> -> memref<1x!tpu.dma_semaphore, #tpu.memory_space<semaphore_mem>>
    %dma_start3A_20 = tpu.memref_squeeze %dma_start3A_19 : memref<1x!tpu.dma_semaphore, #tpu.memory_space<semaphore_mem>> -> memref<!tpu.dma_semaphore, #tpu.memory_space<semaphore_mem>>
    %dma_start3A_21 = arith.constant 0 : i32
    %dma_start3A_22 = tpu.memref_slice %arg7[%add3A_11, %dma_start3A_21] : memref<10240x128xf32, #tpu.memory_space<vmem_shared>> -> memref<80x128xf32, #tpu.memory_space<vmem_shared>>
    %dma_start3A_23 = arith.constant 0 : i32
    %dma_start3A_24 = arith.constant 0 : i32
    %dma_start3A_25 = tpu.memref_slice %arg6[%dma_start3A, %dma_start3A_23, %dma_start3A_24] : memref<4x80x128xf32, #tpu.memory_space<vmem>> -> memref<1x80x128xf32, #tpu.memory_space<vmem>>
    %dma_start3A_26 = tpu.memref_squeeze %dma_start3A_25 : memref<1x80x128xf32, #tpu.memory_space<vmem>> -> memref<80x128xf32, #tpu.memory_space<vmem>>
    tpu.enqueue_dma source(%dma_start3A_26 : memref<80x128xf32, #tpu.memory_space<vmem>>) target(%dma_start3A_22 : memref<80x128xf32, #tpu.memory_space<vmem_shared>>) target_semaphore(%dma_start3A_20 : memref<!tpu.dma_semaphore, #tpu.memory_space<semaphore_mem>>)
    %mul3A_27 = arith.constant 640 : i32
    %mul3A_28 = arith.muli %arg1, %mul3A_27 : i32
    %add3A_29 = arith.constant 80 : i32
    %add3A_30 = arith.addi %mul3A_28, %add3A_29 : i32
    %dma_start3A_31 = arith.constant 0 : i32
    %dma_start3A_32 = arith.constant 0 : i32
    %dma_start3A_33 = arith.constant 0 : i32
    %dma_start3A_34 = arith.constant 0 : i32
    %dma_start3A_35 = tpu.memref_slice %arg6[%dma_start3A_31, %dma_start3A_33, %dma_start3A_34] : memref<4x80x128xf32, #tpu.memory_space<vmem>> -> memref<1x80x128xf32, #tpu.memory_space<vmem>>
    %dma_start3A_36 = tpu.memref_squeeze %dma_start3A_35 : memref<1x80x128xf32, #tpu.memory_space<vmem>> -> memref<80x128xf32, #tpu.memory_space<vmem>>
    %dma_start3A_37 = arith.constant 0 : i32
    %dma_start3A_38 = tpu.memref_slice %arg7[%add3A_30, %dma_start3A_37] : memref<10240x128xf32, #tpu.memory_space<vmem_shared>> -> memref<80x128xf32, #tpu.memory_space<vmem_shared>>
    %dma_start3A_39 = tpu.memref_slice %arg8[%dma_start3A_32] : memref<4x!tpu.dma_semaphore, #tpu.memory_space<semaphore_mem>> -> memref<1x!tpu.dma_semaphore, #tpu.memory_space<semaphore_mem>>
    %dma_start3A_40 = tpu.memref_squeeze %dma_start3A_39 : memref<1x!tpu.dma_semaphore, #tpu.memory_space<semaphore_mem>> -> memref<!tpu.dma_semaphore, #tpu.memory_space<semaphore_mem>>
    %dma_start3A_41 = arith.constant 0 : i32
    %dma_start3A_42 = tpu.memref_slice %arg7[%add3A_30, %dma_start3A_41] : memref<10240x128xf32, #tpu.memory_space<vmem_shared>> -> memref<80x128xf32, #tpu.memory_space<vmem_shared>>
    %dma_start3A_43 = arith.constant 0 : i32
    %dma_start3A_44 = arith.constant 0 : i32
    %dma_start3A_45 = tpu.memref_slice %arg6[%dma_start3A_31, %dma_start3A_43, %dma_start3A_44] : memref<4x80x128xf32, #tpu.memory_space<vmem>> -> memref<1x80x128xf32, #tpu.memory_space<vmem>>
    %dma_start3A_46 = tpu.memref_squeeze %dma_start3A_45 : memref<1x80x128xf32, #tpu.memory_space<vmem>> -> memref<80x128xf32, #tpu.memory_space<vmem>>
    tpu.enqueue_dma source(%dma_start3A_46 : memref<80x128xf32, #tpu.memory_space<vmem>>) target(%dma_start3A_42 : memref<80x128xf32, #tpu.memory_space<vmem_shared>>) target_semaphore(%dma_start3A_40 : memref<!tpu.dma_semaphore, #tpu.memory_space<semaphore_mem>>)
    %mul3A_47 = arith.constant 640 : i32
    %mul3A_48 = arith.muli %arg1, %mul3A_47 : i32
    %add3A_49 = arith.constant 160 : i32
    %add3A_50 = arith.addi %mul3A_48, %add3A_49 : i32
    %dma_start3A_51 = arith.constant 0 : i32
    %dma_start3A_52 = arith.constant 0 : i32
    %dma_start3A_53 = arith.constant 0 : i32
    %dma_start3A_54 = arith.constant 0 : i32
    %dma_start3A_55 = tpu.memref_slice %arg6[%dma_start3A_51, %dma_start3A_53, %dma_start3A_54] : memref<4x80x128xf32, #tpu.memory_space<vmem>> -> memref<1x80x128xf32, #tpu.memory_space<vmem>>
    %dma_start3A_56 = tpu.memref_squeeze %dma_start3A_55 : memref<1x80x128xf32, #tpu.memory_space<vmem>> -> memref<80x128xf32, #tpu.memory_space<vmem>>
    %dma_start3A_57 = arith.constant 0 : i32
    %dma_start3A_58 = tpu.memref_slice %arg7[%add3A_50, %dma_start3A_57] : memref<10240x128xf32, #tpu.memory_space<vmem_shared>> -> memref<80x128xf32, #tpu.memory_space<vmem_shared>>
    %dma_start3A_59 = tpu.memref_slice %arg8[%dma_start3A_52] : memref<4x!tpu.dma_semaphore, #tpu.memory_space<semaphore_mem>> -> memref<1x!tpu.dma_semaphore, #tpu.memory_space<semaphore_mem>>
    %dma_start3A_60 = tpu.memref_squeeze %dma_start3A_59 : memref<1x!tpu.dma_semaphore, #tpu.memory_space<semaphore_mem>> -> memref<!tpu.dma_semaphore, #tpu.memory_space<semaphore_mem>>
    %dma_start3A_61 = arith.constant 0 : i32
    %dma_start3A_62 = tpu.memref_slice %arg7[%add3A_50, %dma_start3A_61] : memref<10240x128xf32, #tpu.memory_space<vmem_shared>> -> memref<80x128xf32, #tpu.memory_space<vmem_shared>>
    %dma_start3A_63 = arith.constant 0 : i32
    %dma_start3A_64 = arith.constant 0 : i32
    %dma_start3A_65 = tpu.memref_slice %arg6[%dma_start3A_51, %dma_start3A_63, %dma_start3A_64] : memref<4x80x128xf32, #tpu.memory_space<vmem>> -> memref<1x80x128xf32, #tpu.memory_space<vmem>>
    %dma_start3A_66 = tpu.memref_squeeze %dma_start3A_65 : memref<1x80x128xf32, #tpu.memory_space<vmem>> -> memref<80x128xf32, #tpu.memory_space<vmem>>
    tpu.enqueue_dma source(%dma_start3A_66 : memref<80x128xf32, #tpu.memory_space<vmem>>) target(%dma_start3A_62 : memref<80x128xf32, #tpu.memory_space<vmem_shared>>) target_semaphore(%dma_start3A_60 : memref<!tpu.dma_semaphore, #tpu.memory_space<semaphore_mem>>)
    %mul3A_67 = arith.constant 640 : i32
    %mul3A_68 = arith.muli %arg1, %mul3A_67 : i32
    %add3A_69 = arith.constant 240 : i32
    %add3A_70 = arith.addi %mul3A_68, %add3A_69 : i32
    %dma_start3A_71 = arith.constant 0 : i32
    %dma_start3A_72 = arith.constant 0 : i32
    %dma_start3A_73 = arith.constant 0 : i32
    %dma_start3A_74 = arith.constant 0 : i32
    %dma_start3A_75 = tpu.memref_slice %arg6[%dma_start3A_71, %dma_start3A_73, %dma_start3A_74] : memref<4x80x128xf32, #tpu.memory_space<vmem>> -> memref<1x80x128xf32, #tpu.memory_space<vmem>>
    %dma_start3A_76 = tpu.memref_squeeze %dma_start3A_75 : memref<1x80x128xf32, #tpu.memory_space<vmem>> -> memref<80x128xf32, #tpu.memory_space<vmem>>
    %dma_start3A_77 = arith.constant 0 : i32
    %dma_start3A_78 = tpu.memref_slice %arg7[%add3A_70, %dma_start3A_77] : memref<10240x128xf32, #tpu.memory_space<vmem_shared>> -> memref<80x128xf32, #tpu.memory_space<vmem_shared>>
    %dma_start3A_79 = tpu.memref_slice %arg8[%dma_start3A_72] : memref<4x!tpu.dma_semaphore, #tpu.memory_space<semaphore_mem>> -> memref<1x!tpu.dma_semaphore, #tpu.memory_space<semaphore_mem>>
    %dma_start3A_80 = tpu.memref_squeeze %dma_start3A_79 : memref<1x!tpu.dma_semaphore, #tpu.memory_space<semaphore_mem>> -> memref<!tpu.dma_semaphore, #tpu.memory_space<semaphore_mem>>
    %dma_start3A_81 = arith.constant 0 : i32
    %dma_start3A_82 = tpu.memref_slice %arg7[%add3A_70, %dma_start3A_81] : memref<10240x128xf32, #tpu.memory_space<vmem_shared>> -> memref<80x128xf32, #tpu.memory_space<vmem_shared>>
    %dma_start3A_83 = arith.constant 0 : i32
    %dma_start3A_84 = arith.constant 0 : i32
    %dma_start3A_85 = tpu.memref_slice %arg6[%dma_start3A_71, %dma_start3A_83, %dma_start3A_84] : memref<4x80x128xf32, #tpu.memory_space<vmem>> -> memref<1x80x128xf32, #tpu.memory_space<vmem>>
    %dma_start3A_86 = tpu.memref_squeeze %dma_start3A_85 : memref<1x80x128xf32, #tpu.memory_space<vmem>> -> memref<80x128xf32, #tpu.memory_space<vmem>>
    tpu.enqueue_dma source(%dma_start3A_86 : memref<80x128xf32, #tpu.memory_space<vmem>>) target(%dma_start3A_82 : memref<80x128xf32, #tpu.memory_space<vmem_shared>>) target_semaphore(%dma_start3A_80 : memref<!tpu.dma_semaphore, #tpu.memory_space<semaphore_mem>>)
    %mul3A_87 = arith.constant 640 : i32
    %mul3A_88 = arith.muli %arg1, %mul3A_87 : i32
    %add3A_89 = arith.constant 320 : i32
    %add3A_90 = arith.addi %mul3A_88, %add3A_89 : i32
    %dma_start3A_91 = arith.constant 0 : i32
    %dma_start3A_92 = arith.constant 0 : i32
    %dma_start3A_93 = arith.constant 0 : i32
    %dma_start3A_94 = arith.constant 0 : i32
    %dma_start3A_95 = tpu.memref_slice %arg6[%dma_start3A_91, %dma_start3A_93, %dma_start3A_94] : memref<4x80x128xf32, #tpu.memory_space<vmem>> -> memref<1x80x128xf32, #tpu.memory_space<vmem>>
    %dma_start3A_96 = tpu.memref_squeeze %dma_start3A_95 : memref<1x80x128xf32, #tpu.memory_space<vmem>> -> memref<80x128xf32, #tpu.memory_space<vmem>>
    %dma_start3A_97 = arith.constant 0 : i32
    %dma_start3A_98 = tpu.memref_slice %arg7[%add3A_90, %dma_start3A_97] : memref<10240x128xf32, #tpu.memory_space<vmem_shared>> -> memref<80x128xf32, #tpu.memory_space<vmem_shared>>
    %dma_start3A_99 = tpu.memref_slice %arg8[%dma_start3A_92] : memref<4x!tpu.dma_semaphore, #tpu.memory_space<semaphore_mem>> -> memref<1x!tpu.dma_semaphore, #tpu.memory_space<semaphore_mem>>
    %dma_start3A_100 = tpu.memref_squeeze %dma_start3A_99 : memref<1x!tpu.dma_semaphore, #tpu.memory_space<semaphore_mem>> -> memref<!tpu.dma_semaphore, #tpu.memory_space<semaphore_mem>>
    %dma_start3A_101 = arith.constant 0 : i32
    %dma_start3A_102 = tpu.memref_slice %arg7[%add3A_90, %dma_start3A_101] : memref<10240x128xf32, #tpu.memory_space<vmem_shared>> -> memref<80x128xf32, #tpu.memory_space<vmem_shared>>
    %dma_start3A_103 = arith.constant 0 : i32
    %dma_start3A_104 = arith.constant 0 : i32
    %dma_start3A_105 = tpu.memref_slice %arg6[%dma_start3A_91, %dma_start3A_103, %dma_start3A_104] : memref<4x80x128xf32, #tpu.memory_space<vmem>> -> memref<1x80x128xf32, #tpu.memory_space<vmem>>
    %dma_start3A_106 = tpu.memref_squeeze %dma_start3A_105 : memref<1x80x128xf32, #tpu.memory_space<vmem>> -> memref<80x128xf32, #tpu.memory_space<vmem>>
    tpu.enqueue_dma source(%dma_start3A_106 : memref<80x128xf32, #tpu.memory_space<vmem>>) target(%dma_start3A_102 : memref<80x128xf32, #tpu.memory_space<vmem_shared>>) target_semaphore(%dma_start3A_100 : memref<!tpu.dma_semaphore, #tpu.memory_space<semaphore_mem>>)
    %mul3A_107 = arith.constant 640 : i32
    %mul3A_108 = arith.muli %arg1, %mul3A_107 : i32
    %add3A_109 = arith.constant 400 : i32
    %add3A_110 = arith.addi %mul3A_108, %add3A_109 : i32
    %dma_start3A_111 = arith.constant 0 : i32
    %dma_start3A_112 = arith.constant 0 : i32
    %dma_start3A_113 = arith.constant 0 : i32
    %dma_start3A_114 = arith.constant 0 : i32
    %dma_start3A_115 = tpu.memref_slice %arg6[%dma_start3A_111, %dma_start3A_113, %dma_start3A_114] : memref<4x80x128xf32, #tpu.memory_space<vmem>> -> memref<1x80x128xf32, #tpu.memory_space<vmem>>
    %dma_start3A_116 = tpu.memref_squeeze %dma_start3A_115 : memref<1x80x128xf32, #tpu.memory_space<vmem>> -> memref<80x128xf32, #tpu.memory_space<vmem>>
    %dma_start3A_117 = arith.constant 0 : i32
    %dma_start3A_118 = tpu.memref_slice %arg7[%add3A_110, %dma_start3A_117] : memref<10240x128xf32, #tpu.memory_space<vmem_shared>> -> memref<80x128xf32, #tpu.memory_space<vmem_shared>>
    %dma_start3A_119 = tpu.memref_slice %arg8[%dma_start3A_112] : memref<4x!tpu.dma_semaphore, #tpu.memory_space<semaphore_mem>> -> memref<1x!tpu.dma_semaphore, #tpu.memory_space<semaphore_mem>>
    %dma_start3A_120 = tpu.memref_squeeze %dma_start3A_119 : memref<1x!tpu.dma_semaphore, #tpu.memory_space<semaphore_mem>> -> memref<!tpu.dma_semaphore, #tpu.memory_space<semaphore_mem>>
    %dma_start3A_121 = arith.constant 0 : i32
    %dma_start3A_122 = tpu.memref_slice %arg7[%add3A_110, %dma_start3A_121] : memref<10240x128xf32, #tpu.memory_space<vmem_shared>> -> memref<80x128xf32, #tpu.memory_space<vmem_shared>>
    %dma_start3A_123 = arith.constant 0 : i32
    %dma_start3A_124 = arith.constant 0 : i32
    %dma_start3A_125 = tpu.memref_slice %arg6[%dma_start3A_111, %dma_start3A_123, %dma_start3A_124] : memref<4x80x128xf32, #tpu.memory_space<vmem>> -> memref<1x80x128xf32, #tpu.memory_space<vmem>>
    %dma_start3A_126 = tpu.memref_squeeze %dma_start3A_125 : memref<1x80x128xf32, #tpu.memory_space<vmem>> -> memref<80x128xf32, #tpu.memory_space<vmem>>
    tpu.enqueue_dma source(%dma_start3A_126 : memref<80x128xf32, #tpu.memory_space<vmem>>) target(%dma_start3A_122 : memref<80x128xf32, #tpu.memory_space<vmem_shared>>) target_semaphore(%dma_start3A_120 : memref<!tpu.dma_semaphore, #tpu.memory_space<semaphore_mem>>)
    %mul3A_127 = arith.constant 640 : i32
    %mul3A_128 = arith.muli %arg1, %mul3A_127 : i32
    %add3A_129 = arith.constant 480 : i32
    %add3A_130 = arith.addi %mul3A_128, %add3A_129 : i32
    %dma_start3A_131 = arith.constant 0 : i32
    %dma_start3A_132 = arith.constant 0 : i32
    %dma_start3A_133 = arith.constant 0 : i32
    %dma_start3A_134 = arith.constant 0 : i32
    %dma_start3A_135 = tpu.memref_slice %arg6[%dma_start3A_131, %dma_start3A_133, %dma_start3A_134] : memref<4x80x128xf32, #tpu.memory_space<vmem>> -> memref<1x80x128xf32, #tpu.memory_space<vmem>>
    %dma_start3A_136 = tpu.memref_squeeze %dma_start3A_135 : memref<1x80x128xf32, #tpu.memory_space<vmem>> -> memref<80x128xf32, #tpu.memory_space<vmem>>
    %dma_start3A_137 = arith.constant 0 : i32
    %dma_start3A_138 = tpu.memref_slice %arg7[%add3A_130, %dma_start3A_137] : memref<10240x128xf32, #tpu.memory_space<vmem_shared>> -> memref<80x128xf32, #tpu.memory_space<vmem_shared>>
    %dma_start3A_139 = tpu.memref_slice %arg8[%dma_start3A_132] : memref<4x!tpu.dma_semaphore, #tpu.memory_space<semaphore_mem>> -> memref<1x!tpu.dma_semaphore, #tpu.memory_space<semaphore_mem>>
    %dma_start3A_140 = tpu.memref_squeeze %dma_start3A_139 : memref<1x!tpu.dma_semaphore, #tpu.memory_space<semaphore_mem>> -> memref<!tpu.dma_semaphore, #tpu.memory_space<semaphore_mem>>
    %dma_start3A_141 = arith.constant 0 : i32
    %dma_start3A_142 = tpu.memref_slice %arg7[%add3A_130, %dma_start3A_141] : memref<10240x128xf32, #tpu.memory_space<vmem_shared>> -> memref<80x128xf32, #tpu.memory_space<vmem_shared>>
    %dma_start3A_143 = arith.constant 0 : i32
    %dma_start3A_144 = arith.constant 0 : i32
    %dma_start3A_145 = tpu.memref_slice %arg6[%dma_start3A_131, %dma_start3A_143, %dma_start3A_144] : memref<4x80x128xf32, #tpu.memory_space<vmem>> -> memref<1x80x128xf32, #tpu.memory_space<vmem>>
    %dma_start3A_146 = tpu.memref_squeeze %dma_start3A_145 : memref<1x80x128xf32, #tpu.memory_space<vmem>> -> memref<80x128xf32, #tpu.memory_space<vmem>>
    tpu.enqueue_dma source(%dma_start3A_146 : memref<80x128xf32, #tpu.memory_space<vmem>>) target(%dma_start3A_142 : memref<80x128xf32, #tpu.memory_space<vmem_shared>>) target_semaphore(%dma_start3A_140 : memref<!tpu.dma_semaphore, #tpu.memory_space<semaphore_mem>>)
    %mul3A_147 = arith.constant 640 : i32
    %mul3A_148 = arith.muli %arg1, %mul3A_147 : i32
    %add3A_149 = arith.constant 560 : i32
    %add3A_150 = arith.addi %mul3A_148, %add3A_149 : i32
    %dma_start3A_151 = arith.constant 0 : i32
    %dma_start3A_152 = arith.constant 0 : i32
    %dma_start3A_153 = arith.constant 0 : i32
    %dma_start3A_154 = arith.constant 0 : i32
    %dma_start3A_155 = tpu.memref_slice %arg6[%dma_start3A_151, %dma_start3A_153, %dma_start3A_154] : memref<4x80x128xf32, #tpu.memory_space<vmem>> -> memref<1x80x128xf32, #tpu.memory_space<vmem>>
    %dma_start3A_156 = tpu.memref_squeeze %dma_start3A_155 : memref<1x80x128xf32, #tpu.memory_space<vmem>> -> memref<80x128xf32, #tpu.memory_space<vmem>>
    %dma_start3A_157 = arith.constant 0 : i32
    %dma_start3A_158 = tpu.memref_slice %arg7[%add3A_150, %dma_start3A_157] : memref<10240x128xf32, #tpu.memory_space<vmem_shared>> -> memref<80x128xf32, #tpu.memory_space<vmem_shared>>
    %dma_start3A_159 = tpu.memref_slice %arg8[%dma_start3A_152] : memref<4x!tpu.dma_semaphore, #tpu.memory_space<semaphore_mem>> -> memref<1x!tpu.dma_semaphore, #tpu.memory_space<semaphore_mem>>
    %dma_start3A_160 = tpu.memref_squeeze %dma_start3A_159 : memref<1x!tpu.dma_semaphore, #tpu.memory_space<semaphore_mem>> -> memref<!tpu.dma_semaphore, #tpu.memory_space<semaphore_mem>>
    %dma_start3A_161 = arith.constant 0 : i32
    %dma_start3A_162 = tpu.memref_slice %arg7[%add3A_150, %dma_start3A_161] : memref<10240x128xf32, #tpu.memory_space<vmem_shared>> -> memref<80x128xf32, #tpu.memory_space<vmem_shared>>
    %dma_start3A_163 = arith.constant 0 : i32
    %dma_start3A_164 = arith.constant 0 : i32
    %dma_start3A_165 = tpu.memref_slice %arg6[%dma_start3A_151, %dma_start3A_163, %dma_start3A_164] : memref<4x80x128xf32, #tpu.memory_space<vmem>> -> memref<1x80x128xf32, #tpu.memory_space<vmem>>
    %dma_start3A_166 = tpu.memref_squeeze %dma_start3A_165 : memref<1x80x128xf32, #tpu.memory_space<vmem>> -> memref<80x128xf32, #tpu.memory_space<vmem>>
    tpu.enqueue_dma source(%dma_start3A_166 : memref<80x128xf32, #tpu.memory_space<vmem>>) target(%dma_start3A_162 : memref<80x128xf32, #tpu.memory_space<vmem_shared>>) target_semaphore(%dma_start3A_160 : memref<!tpu.dma_semaphore, #tpu.memory_space<semaphore_mem>>)
    %mul3A_167 = arith.constant 640 : i32
    %mul3A_168 = arith.muli %arg1, %mul3A_167 : i32
    %add3A_169 = arith.constant 0 : i32
    %add3A_170 = arith.addi %mul3A_168, %add3A_169 : i32
    %dma_wait3A = arith.constant 0 : i32
    %dma_wait3A_171 = arith.constant 0 : i32
    %dma_wait3A_172 = arith.constant 0 : i32
    %dma_wait3A_173 = arith.constant 0 : i32
    %dma_wait3A_174 = tpu.memref_slice %arg6[%dma_wait3A, %dma_wait3A_172, %dma_wait3A_173] : memref<4x80x128xf32, #tpu.memory_space<vmem>> -> memref<1x80x128xf32, #tpu.memory_space<vmem>>
    %dma_wait3A_175 = tpu.memref_squeeze %dma_wait3A_174 : memref<1x80x128xf32, #tpu.memory_space<vmem>> -> memref<80x128xf32, #tpu.memory_space<vmem>>
    %dma_wait3A_176 = arith.constant 0 : i32
    %dma_wait3A_177 = tpu.memref_slice %arg7[%add3A_170, %dma_wait3A_176] : memref<10240x128xf32, #tpu.memory_space<vmem_shared>> -> memref<80x128xf32, #tpu.memory_space<vmem_shared>>
    %dma_wait3A_178 = tpu.memref_slice %arg8[%dma_wait3A_171] : memref<4x!tpu.dma_semaphore, #tpu.memory_space<semaphore_mem>> -> memref<1x!tpu.dma_semaphore, #tpu.memory_space<semaphore_mem>>
    %dma_wait3A_179 = tpu.memref_squeeze %dma_wait3A_178 : memref<1x!tpu.dma_semaphore, #tpu.memory_space<semaphore_mem>> -> memref<!tpu.dma_semaphore, #tpu.memory_space<semaphore_mem>>
    %dma_wait3A_180 = arith.constant 0 : i32
    %dma_wait3A_181 = tpu.memref_slice %arg7[%add3A_170, %dma_wait3A_180] : memref<10240x128xf32, #tpu.memory_space<vmem_shared>> -> memref<80x128xf32, #tpu.memory_space<vmem_shared>>
    %dma_wait3A_182 = arith.constant 0 : i32
    %dma_wait3A_183 = arith.constant 0 : i32
    %dma_wait3A_184 = tpu.memref_slice %arg6[%dma_wait3A, %dma_wait3A_182, %dma_wait3A_183] : memref<4x80x128xf32, #tpu.memory_space<vmem>> -> memref<1x80x128xf32, #tpu.memory_space<vmem>>
    %dma_wait3A_185 = tpu.memref_squeeze %dma_wait3A_184 : memref<1x80x128xf32, #tpu.memory_space<vmem>> -> memref<80x128xf32, #tpu.memory_space<vmem>>
    tpu.wait_dma2 semaphore(%dma_wait3A_179 : memref<!tpu.dma_semaphore, #tpu.memory_space<semaphore_mem>>) src(%dma_wait3A_185 : memref<80x128xf32, #tpu.memory_space<vmem>>) dst(%dma_wait3A_181 : memref<80x128xf32, #tpu.memory_space<vmem_shared>>)
    %mul3A_186 = arith.constant 640 : i32
    %mul3A_187 = arith.muli %arg1, %mul3A_186 : i32
    %add3A_188 = arith.constant 80 : i32
    %add3A_189 = arith.addi %mul3A_187, %add3A_188 : i32
    %dma_wait3A_190 = arith.constant 0 : i32
    %dma_wait3A_191 = arith.constant 0 : i32
    %dma_wait3A_192 = arith.constant 0 : i32
    %dma_wait3A_193 = arith.constant 0 : i32
    %dma_wait3A_194 = tpu.memref_slice %arg6[%dma_wait3A_190, %dma_wait3A_192, %dma_wait3A_193] : memref<4x80x128xf32, #tpu.memory_space<vmem>> -> memref<1x80x128xf32, #tpu.memory_space<vmem>>
    %dma_wait3A_195 = tpu.memref_squeeze %dma_wait3A_194 : memref<1x80x128xf32, #tpu.memory_space<vmem>> -> memref<80x128xf32, #tpu.memory_space<vmem>>
    %dma_wait3A_196 = arith.constant 0 : i32
    %dma_wait3A_197 = tpu.memref_slice %arg7[%add3A_189, %dma_wait3A_196] : memref<10240x128xf32, #tpu.memory_space<vmem_shared>> -> memref<80x128xf32, #tpu.memory_space<vmem_shared>>
    %dma_wait3A_198 = tpu.memref_slice %arg8[%dma_wait3A_191] : memref<4x!tpu.dma_semaphore, #tpu.memory_space<semaphore_mem>> -> memref<1x!tpu.dma_semaphore, #tpu.memory_space<semaphore_mem>>
    %dma_wait3A_199 = tpu.memref_squeeze %dma_wait3A_198 : memref<1x!tpu.dma_semaphore, #tpu.memory_space<semaphore_mem>> -> memref<!tpu.dma_semaphore, #tpu.memory_space<semaphore_mem>>
    %dma_wait3A_200 = arith.constant 0 : i32
    %dma_wait3A_201 = tpu.memref_slice %arg7[%add3A_189, %dma_wait3A_200] : memref<10240x128xf32, #tpu.memory_space<vmem_shared>> -> memref<80x128xf32, #tpu.memory_space<vmem_shared>>
    %dma_wait3A_202 = arith.constant 0 : i32
    %dma_wait3A_203 = arith.constant 0 : i32
    %dma_wait3A_204 = tpu.memref_slice %arg6[%dma_wait3A_190, %dma_wait3A_202, %dma_wait3A_203] : memref<4x80x128xf32, #tpu.memory_space<vmem>> -> memref<1x80x128xf32, #tpu.memory_space<vmem>>
    %dma_wait3A_205 = tpu.memref_squeeze %dma_wait3A_204 : memref<1x80x128xf32, #tpu.memory_space<vmem>> -> memref<80x128xf32, #tpu.memory_space<vmem>>
    tpu.wait_dma2 semaphore(%dma_wait3A_199 : memref<!tpu.dma_semaphore, #tpu.memory_space<semaphore_mem>>) src(%dma_wait3A_205 : memref<80x128xf32, #tpu.memory_space<vmem>>) dst(%dma_wait3A_201 : memref<80x128xf32, #tpu.memory_space<vmem_shared>>)
    %mul3A_206 = arith.constant 640 : i32
    %mul3A_207 = arith.muli %arg1, %mul3A_206 : i32
    %add3A_208 = arith.constant 160 : i32
    %add3A_209 = arith.addi %mul3A_207, %add3A_208 : i32
    %dma_wait3A_210 = arith.constant 0 : i32
    %dma_wait3A_211 = arith.constant 0 : i32
    %dma_wait3A_212 = arith.constant 0 : i32
    %dma_wait3A_213 = arith.constant 0 : i32
    %dma_wait3A_214 = tpu.memref_slice %arg6[%dma_wait3A_210, %dma_wait3A_212, %dma_wait3A_213] : memref<4x80x128xf32, #tpu.memory_space<vmem>> -> memref<1x80x128xf32, #tpu.memory_space<vmem>>
    %dma_wait3A_215 = tpu.memref_squeeze %dma_wait3A_214 : memref<1x80x128xf32, #tpu.memory_space<vmem>> -> memref<80x128xf32, #tpu.memory_space<vmem>>
    %dma_wait3A_216 = arith.constant 0 : i32
    %dma_wait3A_217 = tpu.memref_slice %arg7[%add3A_209, %dma_wait3A_216] : memref<10240x128xf32, #tpu.memory_space<vmem_shared>> -> memref<80x128xf32, #tpu.memory_space<vmem_shared>>
    %dma_wait3A_218 = tpu.memref_slice %arg8[%dma_wait3A_211] : memref<4x!tpu.dma_semaphore, #tpu.memory_space<semaphore_mem>> -> memref<1x!tpu.dma_semaphore, #tpu.memory_space<semaphore_mem>>
    %dma_wait3A_219 = tpu.memref_squeeze %dma_wait3A_218 : memref<1x!tpu.dma_semaphore, #tpu.memory_space<semaphore_mem>> -> memref<!tpu.dma_semaphore, #tpu.memory_space<semaphore_mem>>
    %dma_wait3A_220 = arith.constant 0 : i32
    %dma_wait3A_221 = tpu.memref_slice %arg7[%add3A_209, %dma_wait3A_220] : memref<10240x128xf32, #tpu.memory_space<vmem_shared>> -> memref<80x128xf32, #tpu.memory_space<vmem_shared>>
    %dma_wait3A_222 = arith.constant 0 : i32
    %dma_wait3A_223 = arith.constant 0 : i32
    %dma_wait3A_224 = tpu.memref_slice %arg6[%dma_wait3A_210, %dma_wait3A_222, %dma_wait3A_223] : memref<4x80x128xf32, #tpu.memory_space<vmem>> -> memref<1x80x128xf32, #tpu.memory_space<vmem>>
    %dma_wait3A_225 = tpu.memref_squeeze %dma_wait3A_224 : memref<1x80x128xf32, #tpu.memory_space<vmem>> -> memref<80x128xf32, #tpu.memory_space<vmem>>
    tpu.wait_dma2 semaphore(%dma_wait3A_219 : memref<!tpu.dma_semaphore, #tpu.memory_space<semaphore_mem>>) src(%dma_wait3A_225 : memref<80x128xf32, #tpu.memory_space<vmem>>) dst(%dma_wait3A_221 : memref<80x128xf32, #tpu.memory_space<vmem_shared>>)
    %mul3A_226 = arith.constant 640 : i32
    %mul3A_227 = arith.muli %arg1, %mul3A_226 : i32
    %add3A_228 = arith.constant 240 : i32
    %add3A_229 = arith.addi %mul3A_227, %add3A_228 : i32
    %dma_wait3A_230 = arith.constant 0 : i32
    %dma_wait3A_231 = arith.constant 0 : i32
    %dma_wait3A_232 = arith.constant 0 : i32
    %dma_wait3A_233 = arith.constant 0 : i32
    %dma_wait3A_234 = tpu.memref_slice %arg6[%dma_wait3A_230, %dma_wait3A_232, %dma_wait3A_233] : memref<4x80x128xf32, #tpu.memory_space<vmem>> -> memref<1x80x128xf32, #tpu.memory_space<vmem>>
    %dma_wait3A_235 = tpu.memref_squeeze %dma_wait3A_234 : memref<1x80x128xf32, #tpu.memory_space<vmem>> -> memref<80x128xf32, #tpu.memory_space<vmem>>
    %dma_wait3A_236 = arith.constant 0 : i32
    %dma_wait3A_237 = tpu.memref_slice %arg7[%add3A_229, %dma_wait3A_236] : memref<10240x128xf32, #tpu.memory_space<vmem_shared>> -> memref<80x128xf32, #tpu.memory_space<vmem_shared>>
    %dma_wait3A_238 = tpu.memref_slice %arg8[%dma_wait3A_231] : memref<4x!tpu.dma_semaphore, #tpu.memory_space<semaphore_mem>> -> memref<1x!tpu.dma_semaphore, #tpu.memory_space<semaphore_mem>>
    %dma_wait3A_239 = tpu.memref_squeeze %dma_wait3A_238 : memref<1x!tpu.dma_semaphore, #tpu.memory_space<semaphore_mem>> -> memref<!tpu.dma_semaphore, #tpu.memory_space<semaphore_mem>>
    %dma_wait3A_240 = arith.constant 0 : i32
    %dma_wait3A_241 = tpu.memref_slice %arg7[%add3A_229, %dma_wait3A_240] : memref<10240x128xf32, #tpu.memory_space<vmem_shared>> -> memref<80x128xf32, #tpu.memory_space<vmem_shared>>
    %dma_wait3A_242 = arith.constant 0 : i32
    %dma_wait3A_243 = arith.constant 0 : i32
    %dma_wait3A_244 = tpu.memref_slice %arg6[%dma_wait3A_230, %dma_wait3A_242, %dma_wait3A_243] : memref<4x80x128xf32, #tpu.memory_space<vmem>> -> memref<1x80x128xf32, #tpu.memory_space<vmem>>
    %dma_wait3A_245 = tpu.memref_squeeze %dma_wait3A_244 : memref<1x80x128xf32, #tpu.memory_space<vmem>> -> memref<80x128xf32, #tpu.memory_space<vmem>>
    tpu.wait_dma2 semaphore(%dma_wait3A_239 : memref<!tpu.dma_semaphore, #tpu.memory_space<semaphore_mem>>) src(%dma_wait3A_245 : memref<80x128xf32, #tpu.memory_space<vmem>>) dst(%dma_wait3A_241 : memref<80x128xf32, #tpu.memory_space<vmem_shared>>)
    %mul3A_246 = arith.constant 640 : i32
    %mul3A_247 = arith.muli %arg1, %mul3A_246 : i32
    %add3A_248 = arith.constant 320 : i32
    %add3A_249 = arith.addi %mul3A_247, %add3A_248 : i32
    %dma_wait3A_250 = arith.constant 0 : i32
    %dma_wait3A_251 = arith.constant 0 : i32
    %dma_wait3A_252 = arith.constant 0 : i32
    %dma_wait3A_253 = arith.constant 0 : i32
    %dma_wait3A_254 = tpu.memref_slice %arg6[%dma_wait3A_250, %dma_wait3A_252, %dma_wait3A_253] : memref<4x80x128xf32, #tpu.memory_space<vmem>> -> memref<1x80x128xf32, #tpu.memory_space<vmem>>
    %dma_wait3A_255 = tpu.memref_squeeze %dma_wait3A_254 : memref<1x80x128xf32, #tpu.memory_space<vmem>> -> memref<80x128xf32, #tpu.memory_space<vmem>>
    %dma_wait3A_256 = arith.constant 0 : i32
    %dma_wait3A_257 = tpu.memref_slice %arg7[%add3A_249, %dma_wait3A_256] : memref<10240x128xf32, #tpu.memory_space<vmem_shared>> -> memref<80x128xf32, #tpu.memory_space<vmem_shared>>
    %dma_wait3A_258 = tpu.memref_slice %arg8[%dma_wait3A_251] : memref<4x!tpu.dma_semaphore, #tpu.memory_space<semaphore_mem>> -> memref<1x!tpu.dma_semaphore, #tpu.memory_space<semaphore_mem>>
    %dma_wait3A_259 = tpu.memref_squeeze %dma_wait3A_258 : memref<1x!tpu.dma_semaphore, #tpu.memory_space<semaphore_mem>> -> memref<!tpu.dma_semaphore, #tpu.memory_space<semaphore_mem>>
    %dma_wait3A_260 = arith.constant 0 : i32
    %dma_wait3A_261 = tpu.memref_slice %arg7[%add3A_249, %dma_wait3A_260] : memref<10240x128xf32, #tpu.memory_space<vmem_shared>> -> memref<80x128xf32, #tpu.memory_space<vmem_shared>>
    %dma_wait3A_262 = arith.constant 0 : i32
    %dma_wait3A_263 = arith.constant 0 : i32
    %dma_wait3A_264 = tpu.memref_slice %arg6[%dma_wait3A_250, %dma_wait3A_262, %dma_wait3A_263] : memref<4x80x128xf32, #tpu.memory_space<vmem>> -> memref<1x80x128xf32, #tpu.memory_space<vmem>>
    %dma_wait3A_265 = tpu.memref_squeeze %dma_wait3A_264 : memref<1x80x128xf32, #tpu.memory_space<vmem>> -> memref<80x128xf32, #tpu.memory_space<vmem>>
    tpu.wait_dma2 semaphore(%dma_wait3A_259 : memref<!tpu.dma_semaphore, #tpu.memory_space<semaphore_mem>>) src(%dma_wait3A_265 : memref<80x128xf32, #tpu.memory_space<vmem>>) dst(%dma_wait3A_261 : memref<80x128xf32, #tpu.memory_space<vmem_shared>>)
    %mul3A_266 = arith.constant 640 : i32
    %mul3A_267 = arith.muli %arg1, %mul3A_266 : i32
    %add3A_268 = arith.constant 400 : i32
    %add3A_269 = arith.addi %mul3A_267, %add3A_268 : i32
    %dma_wait3A_270 = arith.constant 0 : i32
    %dma_wait3A_271 = arith.constant 0 : i32
    %dma_wait3A_272 = arith.constant 0 : i32
    %dma_wait3A_273 = arith.constant 0 : i32
    %dma_wait3A_274 = tpu.memref_slice %arg6[%dma_wait3A_270, %dma_wait3A_272, %dma_wait3A_273] : memref<4x80x128xf32, #tpu.memory_space<vmem>> -> memref<1x80x128xf32, #tpu.memory_space<vmem>>
    %dma_wait3A_275 = tpu.memref_squeeze %dma_wait3A_274 : memref<1x80x128xf32, #tpu.memory_space<vmem>> -> memref<80x128xf32, #tpu.memory_space<vmem>>
    %dma_wait3A_276 = arith.constant 0 : i32
    %dma_wait3A_277 = tpu.memref_slice %arg7[%add3A_269, %dma_wait3A_276] : memref<10240x128xf32, #tpu.memory_space<vmem_shared>> -> memref<80x128xf32, #tpu.memory_space<vmem_shared>>
    %dma_wait3A_278 = tpu.memref_slice %arg8[%dma_wait3A_271] : memref<4x!tpu.dma_semaphore, #tpu.memory_space<semaphore_mem>> -> memref<1x!tpu.dma_semaphore, #tpu.memory_space<semaphore_mem>>
    %dma_wait3A_279 = tpu.memref_squeeze %dma_wait3A_278 : memref<1x!tpu.dma_semaphore, #tpu.memory_space<semaphore_mem>> -> memref<!tpu.dma_semaphore, #tpu.memory_space<semaphore_mem>>
    %dma_wait3A_280 = arith.constant 0 : i32
    %dma_wait3A_281 = tpu.memref_slice %arg7[%add3A_269, %dma_wait3A_280] : memref<10240x128xf32, #tpu.memory_space<vmem_shared>> -> memref<80x128xf32, #tpu.memory_space<vmem_shared>>
    %dma_wait3A_282 = arith.constant 0 : i32
    %dma_wait3A_283 = arith.constant 0 : i32
    %dma_wait3A_284 = tpu.memref_slice %arg6[%dma_wait3A_270, %dma_wait3A_282, %dma_wait3A_283] : memref<4x80x128xf32, #tpu.memory_space<vmem>> -> memref<1x80x128xf32, #tpu.memory_space<vmem>>
    %dma_wait3A_285 = tpu.memref_squeeze %dma_wait3A_284 : memref<1x80x128xf32, #tpu.memory_space<vmem>> -> memref<80x128xf32, #tpu.memory_space<vmem>>
    tpu.wait_dma2 semaphore(%dma_wait3A_279 : memref<!tpu.dma_semaphore, #tpu.memory_space<semaphore_mem>>) src(%dma_wait3A_285 : memref<80x128xf32, #tpu.memory_space<vmem>>) dst(%dma_wait3A_281 : memref<80x128xf32, #tpu.memory_space<vmem_shared>>)
    %mul3A_286 = arith.constant 640 : i32
    %mul3A_287 = arith.muli %arg1, %mul3A_286 : i32
    %add3A_288 = arith.constant 480 : i32
    %add3A_289 = arith.addi %mul3A_287, %add3A_288 : i32
    %dma_wait3A_290 = arith.constant 0 : i32
    %dma_wait3A_291 = arith.constant 0 : i32
    %dma_wait3A_292 = arith.constant 0 : i32
    %dma_wait3A_293 = arith.constant 0 : i32
    %dma_wait3A_294 = tpu.memref_slice %arg6[%dma_wait3A_290, %dma_wait3A_292, %dma_wait3A_293] : memref<4x80x128xf32, #tpu.memory_space<vmem>> -> memref<1x80x128xf32, #tpu.memory_space<vmem>>
    %dma_wait3A_295 = tpu.memref_squeeze %dma_wait3A_294 : memref<1x80x128xf32, #tpu.memory_space<vmem>> -> memref<80x128xf32, #tpu.memory_space<vmem>>
    %dma_wait3A_296 = arith.constant 0 : i32
    %dma_wait3A_297 = tpu.memref_slice %arg7[%add3A_289, %dma_wait3A_296] : memref<10240x128xf32, #tpu.memory_space<vmem_shared>> -> memref<80x128xf32, #tpu.memory_space<vmem_shared>>
    %dma_wait3A_298 = tpu.memref_slice %arg8[%dma_wait3A_291] : memref<4x!tpu.dma_semaphore, #tpu.memory_space<semaphore_mem>> -> memref<1x!tpu.dma_semaphore, #tpu.memory_space<semaphore_mem>>
    %dma_wait3A_299 = tpu.memref_squeeze %dma_wait3A_298 : memref<1x!tpu.dma_semaphore, #tpu.memory_space<semaphore_mem>> -> memref<!tpu.dma_semaphore, #tpu.memory_space<semaphore_mem>>
    %dma_wait3A_300 = arith.constant 0 : i32
    %dma_wait3A_301 = tpu.memref_slice %arg7[%add3A_289, %dma_wait3A_300] : memref<10240x128xf32, #tpu.memory_space<vmem_shared>> -> memref<80x128xf32, #tpu.memory_space<vmem_shared>>
    %dma_wait3A_302 = arith.constant 0 : i32
    %dma_wait3A_303 = arith.constant 0 : i32
    %dma_wait3A_304 = tpu.memref_slice %arg6[%dma_wait3A_290, %dma_wait3A_302, %dma_wait3A_303] : memref<4x80x128xf32, #tpu.memory_space<vmem>> -> memref<1x80x128xf32, #tpu.memory_space<vmem>>
    %dma_wait3A_305 = tpu.memref_squeeze %dma_wait3A_304 : memref<1x80x128xf32, #tpu.memory_space<vmem>> -> memref<80x128xf32, #tpu.memory_space<vmem>>
    tpu.wait_dma2 semaphore(%dma_wait3A_299 : memref<!tpu.dma_semaphore, #tpu.memory_space<semaphore_mem>>) src(%dma_wait3A_305 : memref<80x128xf32, #tpu.memory_space<vmem>>) dst(%dma_wait3A_301 : memref<80x128xf32, #tpu.memory_space<vmem_shared>>)
    %mul3A_306 = arith.constant 640 : i32
    %mul3A_307 = arith.muli %arg1, %mul3A_306 : i32
    %add3A_308 = arith.constant 560 : i32
    %add3A_309 = arith.addi %mul3A_307, %add3A_308 : i32
    %dma_wait3A_310 = arith.constant 0 : i32
    %dma_wait3A_311 = arith.constant 0 : i32
    %dma_wait3A_312 = arith.constant 0 : i32
    %dma_wait3A_313 = arith.constant 0 : i32
    %dma_wait3A_314 = tpu.memref_slice %arg6[%dma_wait3A_310, %dma_wait3A_312, %dma_wait3A_313] : memref<4x80x128xf32, #tpu.memory_space<vmem>> -> memref<1x80x128xf32, #tpu.memory_space<vmem>>
    %dma_wait3A_315 = tpu.memref_squeeze %dma_wait3A_314 : memref<1x80x128xf32, #tpu.memory_space<vmem>> -> memref<80x128xf32, #tpu.memory_space<vmem>>
    %dma_wait3A_316 = arith.constant 0 : i32
    %dma_wait3A_317 = tpu.memref_slice %arg7[%add3A_309, %dma_wait3A_316] : memref<10240x128xf32, #tpu.memory_space<vmem_shared>> -> memref<80x128xf32, #tpu.memory_space<vmem_shared>>
    %dma_wait3A_318 = tpu.memref_slice %arg8[%dma_wait3A_311] : memref<4x!tpu.dma_semaphore, #tpu.memory_space<semaphore_mem>> -> memref<1x!tpu.dma_semaphore, #tpu.memory_space<semaphore_mem>>
    %dma_wait3A_319 = tpu.memref_squeeze %dma_wait3A_318 : memref<1x!tpu.dma_semaphore, #tpu.memory_space<semaphore_mem>> -> memref<!tpu.dma_semaphore, #tpu.memory_space<semaphore_mem>>
    %dma_wait3A_320 = arith.constant 0 : i32
    %dma_wait3A_321 = tpu.memref_slice %arg7[%add3A_309, %dma_wait3A_320] : memref<10240x128xf32, #tpu.memory_space<vmem_shared>> -> memref<80x128xf32, #tpu.memory_space<vmem_shared>>
    %dma_wait3A_322 = arith.constant 0 : i32
    %dma_wait3A_323 = arith.constant 0 : i32
    %dma_wait3A_324 = tpu.memref_slice %arg6[%dma_wait3A_310, %dma_wait3A_322, %dma_wait3A_323] : memref<4x80x128xf32, #tpu.memory_space<vmem>> -> memref<1x80x128xf32, #tpu.memory_space<vmem>>
    %dma_wait3A_325 = tpu.memref_squeeze %dma_wait3A_324 : memref<1x80x128xf32, #tpu.memory_space<vmem>> -> memref<80x128xf32, #tpu.memory_space<vmem>>
    tpu.wait_dma2 semaphore(%dma_wait3A_319 : memref<!tpu.dma_semaphore, #tpu.memory_space<semaphore_mem>>) src(%dma_wait3A_325 : memref<80x128xf32, #tpu.memory_space<vmem>>) dst(%dma_wait3A_321 : memref<80x128xf32, #tpu.memory_space<vmem_shared>>)
    %barrier3A = arith.constant 0 : index
    tpu.barrier barrier_id(%barrier3A)
    %dma_start3A_326 = arith.constant 0 : i32
    %dma_start3A_327 = arith.constant 0 : i32
    %dma_start3A_328 = arith.constant 0 : i32
    %dma_start3A_329 = arith.constant 0 : i32
    %dma_start3A_330 = arith.constant 0 : i32
    %dma_start3A_331 = arith.constant 0 : i32
    %dma_start3A_332 = tpu.memref_slice %arg5[%dma_start3A_327, %dma_start3A_329, %dma_start3A_330, %dma_start3A_331] : memref<4x2x1x80xi32, #tpu.memory_space<vmem>> -> memref<1x2x1x80xi32, #tpu.memory_space<vmem>>
    %dma_start3A_333 = tpu.memref_squeeze %dma_start3A_332 : memref<1x2x1x80xi32, #tpu.memory_space<vmem>> -> memref<2x1x80xi32, #tpu.memory_space<vmem>>
    %dma_start3A_334 = arith.constant 0 : i32
    %dma_start3A_335 = arith.constant 0 : i32
    %dma_start3A_336 = arith.constant 0 : i32
    %dma_start3A_337 = tpu.memref_slice %arg3[%dma_start3A_334, %add3A, %dma_start3A_326, %dma_start3A_335, %dma_start3A_336] : memref<2x32x125x1x80xi32, #tpu.memory_space<hbm>> -> memref<2x1x1x1x80xi32, #tpu.memory_space<hbm>>
    %dma_start3A_338 = tpu.memref_squeeze %dma_start3A_337 : memref<2x1x1x1x80xi32, #tpu.memory_space<hbm>> -> memref<2x1x80xi32, #tpu.memory_space<hbm>>
    %dma_start3A_339 = tpu.memref_slice %arg8[%dma_start3A_328] : memref<4x!tpu.dma_semaphore, #tpu.memory_space<semaphore_mem>> -> memref<1x!tpu.dma_semaphore, #tpu.memory_space<semaphore_mem>>
    %dma_start3A_340 = tpu.memref_squeeze %dma_start3A_339 : memref<1x!tpu.dma_semaphore, #tpu.memory_space<semaphore_mem>> -> memref<!tpu.dma_semaphore, #tpu.memory_space<semaphore_mem>>
    %dma_start3A_341 = arith.constant 0 : i32
    %dma_start3A_342 = arith.constant 0 : i32
    %dma_start3A_343 = arith.constant 0 : i32
    %dma_start3A_344 = tpu.memref_slice %arg5[%dma_start3A_327, %dma_start3A_341, %dma_start3A_342, %dma_start3A_343] : memref<4x2x1x80xi32, #tpu.memory_space<vmem>> -> memref<1x2x1x80xi32, #tpu.memory_space<vmem>>
    %dma_start3A_345 = tpu.memref_squeeze %dma_start3A_344 : memref<1x2x1x80xi32, #tpu.memory_space<vmem>> -> memref<2x1x80xi32, #tpu.memory_space<vmem>>
    %dma_start3A_346 = arith.constant 0 : i32
    %dma_start3A_347 = arith.constant 0 : i32
    %dma_start3A_348 = arith.constant 0 : i32
    %dma_start3A_349 = tpu.memref_slice %arg3[%dma_start3A_346, %add3A, %dma_start3A_326, %dma_start3A_347, %dma_start3A_348] : memref<2x32x125x1x80xi32, #tpu.memory_space<hbm>> -> memref<2x1x1x1x80xi32, #tpu.memory_space<hbm>>
    %dma_start3A_350 = tpu.memref_squeeze %dma_start3A_349 : memref<2x1x1x1x80xi32, #tpu.memory_space<hbm>> -> memref<2x1x80xi32, #tpu.memory_space<hbm>>
    tpu.enqueue_dma source(%dma_start3A_350 : memref<2x1x80xi32, #tpu.memory_space<hbm>>) target(%dma_start3A_345 : memref<2x1x80xi32, #tpu.memory_space<vmem>>) target_semaphore(%dma_start3A_340 : memref<!tpu.dma_semaphore, #tpu.memory_space<semaphore_mem>>)
    %dma_start3A_351 = arith.constant 1 : i32
    %dma_start3A_352 = arith.constant 1 : i32
    %dma_start3A_353 = arith.constant 1 : i32
    %dma_start3A_354 = arith.constant 0 : i32
    %dma_start3A_355 = arith.constant 0 : i32
    %dma_start3A_356 = arith.constant 0 : i32
    %dma_start3A_357 = tpu.memref_slice %arg5[%dma_start3A_352, %dma_start3A_354, %dma_start3A_355, %dma_start3A_356] : memref<4x2x1x80xi32, #tpu.memory_space<vmem>> -> memref<1x2x1x80xi32, #tpu.memory_space<vmem>>
    %dma_start3A_358 = tpu.memref_squeeze %dma_start3A_357 : memref<1x2x1x80xi32, #tpu.memory_space<vmem>> -> memref<2x1x80xi32, #tpu.memory_space<vmem>>
    %dma_start3A_359 = arith.constant 0 : i32
    %dma_start3A_360 = arith.constant 0 : i32
    %dma_start3A_361 = arith.constant 0 : i32
    %dma_start3A_362 = tpu.memref_slice %arg3[%dma_start3A_359, %add3A, %dma_start3A_351, %dma_start3A_360, %dma_start3A_361] : memref<2x32x125x1x80xi32, #tpu.memory_space<hbm>> -> memref<2x1x1x1x80xi32, #tpu.memory_space<hbm>>
    %dma_start3A_363 = tpu.memref_squeeze %dma_start3A_362 : memref<2x1x1x1x80xi32, #tpu.memory_space<hbm>> -> memref<2x1x80xi32, #tpu.memory_space<hbm>>
    %dma_start3A_364 = tpu.memref_slice %arg8[%dma_start3A_353] : memref<4x!tpu.dma_semaphore, #tpu.memory_space<semaphore_mem>> -> memref<1x!tpu.dma_semaphore, #tpu.memory_space<semaphore_mem>>
    %dma_start3A_365 = tpu.memref_squeeze %dma_start3A_364 : memref<1x!tpu.dma_semaphore, #tpu.memory_space<semaphore_mem>> -> memref<!tpu.dma_semaphore, #tpu.memory_space<semaphore_mem>>
    %dma_start3A_366 = arith.constant 0 : i32
    %dma_start3A_367 = arith.constant 0 : i32
    %dma_start3A_368 = arith.constant 0 : i32
    %dma_start3A_369 = tpu.memref_slice %arg5[%dma_start3A_352, %dma_start3A_366, %dma_start3A_367, %dma_start3A_368] : memref<4x2x1x80xi32, #tpu.memory_space<vmem>> -> memref<1x2x1x80xi32, #tpu.memory_space<vmem>>
    %dma_start3A_370 = tpu.memref_squeeze %dma_start3A_369 : memref<1x2x1x80xi32, #tpu.memory_space<vmem>> -> memref<2x1x80xi32, #tpu.memory_space<vmem>>
    %dma_start3A_371 = arith.constant 0 : i32
    %dma_start3A_372 = arith.constant 0 : i32
    %dma_start3A_373 = arith.constant 0 : i32
    %dma_start3A_374 = tpu.memref_slice %arg3[%dma_start3A_371, %add3A, %dma_start3A_351, %dma_start3A_372, %dma_start3A_373] : memref<2x32x125x1x80xi32, #tpu.memory_space<hbm>> -> memref<2x1x1x1x80xi32, #tpu.memory_space<hbm>>
    %dma_start3A_375 = tpu.memref_squeeze %dma_start3A_374 : memref<2x1x1x1x80xi32, #tpu.memory_space<hbm>> -> memref<2x1x80xi32, #tpu.memory_space<hbm>>
    tpu.enqueue_dma source(%dma_start3A_375 : memref<2x1x80xi32, #tpu.memory_space<hbm>>) target(%dma_start3A_370 : memref<2x1x80xi32, #tpu.memory_space<vmem>>) target_semaphore(%dma_start3A_365 : memref<!tpu.dma_semaphore, #tpu.memory_space<semaphore_mem>>)
    %dma_start3A_376 = arith.constant 2 : i32
    %dma_start3A_377 = arith.constant 2 : i32
    %dma_start3A_378 = arith.constant 2 : i32
    %dma_start3A_379 = arith.constant 0 : i32
    %dma_start3A_380 = arith.constant 0 : i32
    %dma_start3A_381 = arith.constant 0 : i32
    %dma_start3A_382 = tpu.memref_slice %arg5[%dma_start3A_377, %dma_start3A_379, %dma_start3A_380, %dma_start3A_381] : memref<4x2x1x80xi32, #tpu.memory_space<vmem>> -> memref<1x2x1x80xi32, #tpu.memory_space<vmem>>
    %dma_start3A_383 = tpu.memref_squeeze %dma_start3A_382 : memref<1x2x1x80xi32, #tpu.memory_space<vmem>> -> memref<2x1x80xi32, #tpu.memory_space<vmem>>
    %dma_start3A_384 = arith.constant 0 : i32
    %dma_start3A_385 = arith.constant 0 : i32
    %dma_start3A_386 = arith.constant 0 : i32
    %dma_start3A_387 = tpu.memref_slice %arg3[%dma_start3A_384, %add3A, %dma_start3A_376, %dma_start3A_385, %dma_start3A_386] : memref<2x32x125x1x80xi32, #tpu.memory_space<hbm>> -> memref<2x1x1x1x80xi32, #tpu.memory_space<hbm>>
    %dma_start3A_388 = tpu.memref_squeeze %dma_start3A_387 : memref<2x1x1x1x80xi32, #tpu.memory_space<hbm>> -> memref<2x1x80xi32, #tpu.memory_space<hbm>>
    %dma_start3A_389 = tpu.memref_slice %arg8[%dma_start3A_378] : memref<4x!tpu.dma_semaphore, #tpu.memory_space<semaphore_mem>> -> memref<1x!tpu.dma_semaphore, #tpu.memory_space<semaphore_mem>>
    %dma_start3A_390 = tpu.memref_squeeze %dma_start3A_389 : memref<1x!tpu.dma_semaphore, #tpu.memory_space<semaphore_mem>> -> memref<!tpu.dma_semaphore, #tpu.memory_space<semaphore_mem>>
    %dma_start3A_391 = arith.constant 0 : i32
    %dma_start3A_392 = arith.constant 0 : i32
    %dma_start3A_393 = arith.constant 0 : i32
    %dma_start3A_394 = tpu.memref_slice %arg5[%dma_start3A_377, %dma_start3A_391, %dma_start3A_392, %dma_start3A_393] : memref<4x2x1x80xi32, #tpu.memory_space<vmem>> -> memref<1x2x1x80xi32, #tpu.memory_space<vmem>>
    %dma_start3A_395 = tpu.memref_squeeze %dma_start3A_394 : memref<1x2x1x80xi32, #tpu.memory_space<vmem>> -> memref<2x1x80xi32, #tpu.memory_space<vmem>>
    %dma_start3A_396 = arith.constant 0 : i32
    %dma_start3A_397 = arith.constant 0 : i32
    %dma_start3A_398 = arith.constant 0 : i32
    %dma_start3A_399 = tpu.memref_slice %arg3[%dma_start3A_396, %add3A, %dma_start3A_376, %dma_start3A_397, %dma_start3A_398] : memref<2x32x125x1x80xi32, #tpu.memory_space<hbm>> -> memref<2x1x1x1x80xi32, #tpu.memory_space<hbm>>
    %dma_start3A_400 = tpu.memref_squeeze %dma_start3A_399 : memref<2x1x1x1x80xi32, #tpu.memory_space<hbm>> -> memref<2x1x80xi32, #tpu.memory_space<hbm>>
    tpu.enqueue_dma source(%dma_start3A_400 : memref<2x1x80xi32, #tpu.memory_space<hbm>>) target(%dma_start3A_395 : memref<2x1x80xi32, #tpu.memory_space<vmem>>) target_semaphore(%dma_start3A_390 : memref<!tpu.dma_semaphore, #tpu.memory_space<semaphore_mem>>)
    %dma_start3A_401 = arith.constant 3 : i32
    %dma_start3A_402 = arith.constant 3 : i32
    %dma_start3A_403 = arith.constant 3 : i32
    %dma_start3A_404 = arith.constant 0 : i32
    %dma_start3A_405 = arith.constant 0 : i32
    %dma_start3A_406 = arith.constant 0 : i32
    %dma_start3A_407 = tpu.memref_slice %arg5[%dma_start3A_402, %dma_start3A_404, %dma_start3A_405, %dma_start3A_406] : memref<4x2x1x80xi32, #tpu.memory_space<vmem>> -> memref<1x2x1x80xi32, #tpu.memory_space<vmem>>
    %dma_start3A_408 = tpu.memref_squeeze %dma_start3A_407 : memref<1x2x1x80xi32, #tpu.memory_space<vmem>> -> memref<2x1x80xi32, #tpu.memory_space<vmem>>
    %dma_start3A_409 = arith.constant 0 : i32
    %dma_start3A_410 = arith.constant 0 : i32
    %dma_start3A_411 = arith.constant 0 : i32
    %dma_start3A_412 = tpu.memref_slice %arg3[%dma_start3A_409, %add3A, %dma_start3A_401, %dma_start3A_410, %dma_start3A_411] : memref<2x32x125x1x80xi32, #tpu.memory_space<hbm>> -> memref<2x1x1x1x80xi32, #tpu.memory_space<hbm>>
    %dma_start3A_413 = tpu.memref_squeeze %dma_start3A_412 : memref<2x1x1x1x80xi32, #tpu.memory_space<hbm>> -> memref<2x1x80xi32, #tpu.memory_space<hbm>>
    %dma_start3A_414 = tpu.memref_slice %arg8[%dma_start3A_403] : memref<4x!tpu.dma_semaphore, #tpu.memory_space<semaphore_mem>> -> memref<1x!tpu.dma_semaphore, #tpu.memory_space<semaphore_mem>>
    %dma_start3A_415 = tpu.memref_squeeze %dma_start3A_414 : memref<1x!tpu.dma_semaphore, #tpu.memory_space<semaphore_mem>> -> memref<!tpu.dma_semaphore, #tpu.memory_space<semaphore_mem>>
    %dma_start3A_416 = arith.constant 0 : i32
    %dma_start3A_417 = arith.constant 0 : i32
    %dma_start3A_418 = arith.constant 0 : i32
    %dma_start3A_419 = tpu.memref_slice %arg5[%dma_start3A_402, %dma_start3A_416, %dma_start3A_417, %dma_start3A_418] : memref<4x2x1x80xi32, #tpu.memory_space<vmem>> -> memref<1x2x1x80xi32, #tpu.memory_space<vmem>>
    %dma_start3A_420 = tpu.memref_squeeze %dma_start3A_419 : memref<1x2x1x80xi32, #tpu.memory_space<vmem>> -> memref<2x1x80xi32, #tpu.memory_space<vmem>>
    %dma_start3A_421 = arith.constant 0 : i32
    %dma_start3A_422 = arith.constant 0 : i32
    %dma_start3A_423 = arith.constant 0 : i32
    %dma_start3A_424 = tpu.memref_slice %arg3[%dma_start3A_421, %add3A, %dma_start3A_401, %dma_start3A_422, %dma_start3A_423] : memref<2x32x125x1x80xi32, #tpu.memory_space<hbm>> -> memref<2x1x1x1x80xi32, #tpu.memory_space<hbm>>
    %dma_start3A_425 = tpu.memref_squeeze %dma_start3A_424 : memref<2x1x1x1x80xi32, #tpu.memory_space<hbm>> -> memref<2x1x80xi32, #tpu.memory_space<hbm>>
    tpu.enqueue_dma source(%dma_start3A_425 : memref<2x1x80xi32, #tpu.memory_space<hbm>>) target(%dma_start3A_420 : memref<2x1x80xi32, #tpu.memory_space<vmem>>) target_semaphore(%dma_start3A_415 : memref<!tpu.dma_semaphore, #tpu.memory_space<semaphore_mem>>)
    %dma_wait3A_426 = arith.constant 0 : i32
    %dma_wait3A_427 = arith.constant 0 : i32
    %dma_wait3A_428 = arith.constant 0 : i32
    %dma_wait3A_429 = arith.constant 0 : i32
    %dma_wait3A_430 = arith.constant 0 : i32
    %dma_wait3A_431 = arith.constant 0 : i32
    %dma_wait3A_432 = tpu.memref_slice %arg5[%dma_wait3A_427, %dma_wait3A_429, %dma_wait3A_430, %dma_wait3A_431] : memref<4x2x1x80xi32, #tpu.memory_space<vmem>> -> memref<1x2x1x80xi32, #tpu.memory_space<vmem>>
    %dma_wait3A_433 = tpu.memref_squeeze %dma_wait3A_432 : memref<1x2x1x80xi32, #tpu.memory_space<vmem>> -> memref<2x1x80xi32, #tpu.memory_space<vmem>>
    %dma_wait3A_434 = arith.constant 0 : i32
    %dma_wait3A_435 = arith.constant 0 : i32
    %dma_wait3A_436 = arith.constant 0 : i32
    %dma_wait3A_437 = tpu.memref_slice %arg3[%dma_wait3A_434, %add3A, %dma_wait3A_426, %dma_wait3A_435, %dma_wait3A_436] : memref<2x32x125x1x80xi32, #tpu.memory_space<hbm>> -> memref<2x1x1x1x80xi32, #tpu.memory_space<hbm>>
    %dma_wait3A_438 = tpu.memref_squeeze %dma_wait3A_437 : memref<2x1x1x1x80xi32, #tpu.memory_space<hbm>> -> memref<2x1x80xi32, #tpu.memory_space<hbm>>
    %dma_wait3A_439 = tpu.memref_slice %arg8[%dma_wait3A_428] : memref<4x!tpu.dma_semaphore, #tpu.memory_space<semaphore_mem>> -> memref<1x!tpu.dma_semaphore, #tpu.memory_space<semaphore_mem>>
    %dma_wait3A_440 = tpu.memref_squeeze %dma_wait3A_439 : memref<1x!tpu.dma_semaphore, #tpu.memory_space<semaphore_mem>> -> memref<!tpu.dma_semaphore, #tpu.memory_space<semaphore_mem>>
    %dma_wait3A_441 = arith.constant 0 : i32
    %dma_wait3A_442 = arith.constant 0 : i32
    %dma_wait3A_443 = arith.constant 0 : i32
    %dma_wait3A_444 = tpu.memref_slice %arg5[%dma_wait3A_427, %dma_wait3A_441, %dma_wait3A_442, %dma_wait3A_443] : memref<4x2x1x80xi32, #tpu.memory_space<vmem>> -> memref<1x2x1x80xi32, #tpu.memory_space<vmem>>
    %dma_wait3A_445 = tpu.memref_squeeze %dma_wait3A_444 : memref<1x2x1x80xi32, #tpu.memory_space<vmem>> -> memref<2x1x80xi32, #tpu.memory_space<vmem>>
    %dma_wait3A_446 = arith.constant 0 : i32
    %dma_wait3A_447 = arith.constant 0 : i32
    %dma_wait3A_448 = arith.constant 0 : i32
    %dma_wait3A_449 = tpu.memref_slice %arg3[%dma_wait3A_446, %add3A, %dma_wait3A_426, %dma_wait3A_447, %dma_wait3A_448] : memref<2x32x125x1x80xi32, #tpu.memory_space<hbm>> -> memref<2x1x1x1x80xi32, #tpu.memory_space<hbm>>
    %dma_wait3A_450 = tpu.memref_squeeze %dma_wait3A_449 : memref<2x1x1x1x80xi32, #tpu.memory_space<hbm>> -> memref<2x1x80xi32, #tpu.memory_space<hbm>>
    tpu.wait_dma2 semaphore(%dma_wait3A_440 : memref<!tpu.dma_semaphore, #tpu.memory_space<semaphore_mem>>) src(%dma_wait3A_450 : memref<2x1x80xi32, #tpu.memory_space<hbm>>) dst(%dma_wait3A_445 : memref<2x1x80xi32, #tpu.memory_space<vmem>>)
    %dma_start3A_451 = arith.constant 0 : i32
    %dma_start3A_452 = arith.constant 0 : i32
    %dma_start3A_453 = arith.constant 0 : i32
    %dma_start3A_454 = arith.constant 0 : i32
    %dma_start3A_455 = arith.constant 0 : i32
    %dma_start3A_456 = arith.constant 0 : i32
    %dma_start3A_457 = arith.constant 0 : i32
    %dma_start3A_458 = tpu.memref_slice %arg6[%dma_start3A_454, %dma_start3A_456, %dma_start3A_457] : memref<4x80x128xf32, #tpu.memory_space<vmem>> -> memref<1x80x128xf32, #tpu.memory_space<vmem>>
    %dma_start3A_459 = tpu.memref_squeeze %dma_start3A_458 : memref<1x80x128xf32, #tpu.memory_space<vmem>> -> memref<80x128xf32, #tpu.memory_space<vmem>>
    %dma_start3A_460 = arith.constant 0 : i32
    %dma_start3A_461 = tpu.memref_slice %arg5[%dma_start3A_451, %dma_start3A_452, %dma_start3A_453, %dma_start3A_460] : memref<4x2x1x80xi32, #tpu.memory_space<vmem>> -> memref<1x1x1x80xi32, #tpu.memory_space<vmem>>
    %dma_start3A_462 = tpu.memref_squeeze %dma_start3A_461 : memref<1x1x1x80xi32, #tpu.memory_space<vmem>> -> memref<80xi32, #tpu.memory_space<vmem>>
    %dma_start3A_463 = arith.constant 0 : i32
    %dma_start3A_464 = arith.constant 0 : i32
    %dma_start3A_465 = tpu.memref_slice %arg2[%dma_start3A_463, %dma_start3A_464] : memref<10000x128xf32, #tpu.memory_space<hbm>> -> memref<10000x128xf32, #tpu.memory_space<hbm>>
    %dma_start3A_466 = tpu.memref_slice %arg9[%dma_start3A_455] : memref<4x!tpu.dma_semaphore, #tpu.memory_space<semaphore_mem>> -> memref<1x!tpu.dma_semaphore, #tpu.memory_space<semaphore_mem>>
    %dma_start3A_467 = tpu.memref_squeeze %dma_start3A_466 : memref<1x!tpu.dma_semaphore, #tpu.memory_space<semaphore_mem>> -> memref<!tpu.dma_semaphore, #tpu.memory_space<semaphore_mem>>
    tpu.enqueue_indirect_dma source(%dma_start3A_465 : memref<10000x128xf32, #tpu.memory_space<hbm>>) target(%dma_start3A_459 : memref<80x128xf32, #tpu.memory_space<vmem>>) offsets(%dma_start3A_462 : memref<80xi32, #tpu.memory_space<vmem>>) semaphore(%dma_start3A_467 : memref<!tpu.dma_semaphore, #tpu.memory_space<semaphore_mem>>)
    %dma_wait3A_468 = arith.constant 1 : i32
    %dma_wait3A_469 = arith.constant 1 : i32
    %dma_wait3A_470 = arith.constant 1 : i32
    %dma_wait3A_471 = arith.constant 0 : i32
    %dma_wait3A_472 = arith.constant 0 : i32
    %dma_wait3A_473 = arith.constant 0 : i32
    %dma_wait3A_474 = tpu.memref_slice %arg5[%dma_wait3A_469, %dma_wait3A_471, %dma_wait3A_472, %dma_wait3A_473] : memref<4x2x1x80xi32, #tpu.memory_space<vmem>> -> memref<1x2x1x80xi32, #tpu.memory_space<vmem>>
    %dma_wait3A_475 = tpu.memref_squeeze %dma_wait3A_474 : memref<1x2x1x80xi32, #tpu.memory_space<vmem>> -> memref<2x1x80xi32, #tpu.memory_space<vmem>>
    %dma_wait3A_476 = arith.constant 0 : i32
    %dma_wait3A_477 = arith.constant 0 : i32
    %dma_wait3A_478 = arith.constant 0 : i32
    %dma_wait3A_479 = tpu.memref_slice %arg3[%dma_wait3A_476, %add3A, %dma_wait3A_468, %dma_wait3A_477, %dma_wait3A_478] : memref<2x32x125x1x80xi32, #tpu.memory_space<hbm>> -> memref<2x1x1x1x80xi32, #tpu.memory_space<hbm>>
    %dma_wait3A_480 = tpu.memref_squeeze %dma_wait3A_479 : memref<2x1x1x1x80xi32, #tpu.memory_space<hbm>> -> memref<2x1x80xi32, #tpu.memory_space<hbm>>
    %dma_wait3A_481 = tpu.memref_slice %arg8[%dma_wait3A_470] : memref<4x!tpu.dma_semaphore, #tpu.memory_space<semaphore_mem>> -> memref<1x!tpu.dma_semaphore, #tpu.memory_space<semaphore_mem>>
    %dma_wait3A_482 = tpu.memref_squeeze %dma_wait3A_481 : memref<1x!tpu.dma_semaphore, #tpu.memory_space<semaphore_mem>> -> memref<!tpu.dma_semaphore, #tpu.memory_space<semaphore_mem>>
    %dma_wait3A_483 = arith.constant 0 : i32
    %dma_wait3A_484 = arith.constant 0 : i32
    %dma_wait3A_485 = arith.constant 0 : i32
    %dma_wait3A_486 = tpu.memref_slice %arg5[%dma_wait3A_469, %dma_wait3A_483, %dma_wait3A_484, %dma_wait3A_485] : memref<4x2x1x80xi32, #tpu.memory_space<vmem>> -> memref<1x2x1x80xi32, #tpu.memory_space<vmem>>
    %dma_wait3A_487 = tpu.memref_squeeze %dma_wait3A_486 : memref<1x2x1x80xi32, #tpu.memory_space<vmem>> -> memref<2x1x80xi32, #tpu.memory_space<vmem>>
    %dma_wait3A_488 = arith.constant 0 : i32
    %dma_wait3A_489 = arith.constant 0 : i32
    %dma_wait3A_490 = arith.constant 0 : i32
    %dma_wait3A_491 = tpu.memref_slice %arg3[%dma_wait3A_488, %add3A, %dma_wait3A_468, %dma_wait3A_489, %dma_wait3A_490] : memref<2x32x125x1x80xi32, #tpu.memory_space<hbm>> -> memref<2x1x1x1x80xi32, #tpu.memory_space<hbm>>
    %dma_wait3A_492 = tpu.memref_squeeze %dma_wait3A_491 : memref<2x1x1x1x80xi32, #tpu.memory_space<hbm>> -> memref<2x1x80xi32, #tpu.memory_space<hbm>>
    tpu.wait_dma2 semaphore(%dma_wait3A_482 : memref<!tpu.dma_semaphore, #tpu.memory_space<semaphore_mem>>) src(%dma_wait3A_492 : memref<2x1x80xi32, #tpu.memory_space<hbm>>) dst(%dma_wait3A_487 : memref<2x1x80xi32, #tpu.memory_space<vmem>>)
    %dma_start3A_493 = arith.constant 1 : i32
    %dma_start3A_494 = arith.constant 0 : i32
    %dma_start3A_495 = arith.constant 0 : i32
    %dma_start3A_496 = arith.constant 1 : i32
    %dma_start3A_497 = arith.constant 1 : i32
    %dma_start3A_498 = arith.constant 0 : i32
    %dma_start3A_499 = arith.constant 0 : i32
    %dma_start3A_500 = tpu.memref_slice %arg6[%dma_start3A_496, %dma_start3A_498, %dma_start3A_499] : memref<4x80x128xf32, #tpu.memory_space<vmem>> -> memref<1x80x128xf32, #tpu.memory_space<vmem>>
    %dma_start3A_501 = tpu.memref_squeeze %dma_start3A_500 : memref<1x80x128xf32, #tpu.memory_space<vmem>> -> memref<80x128xf32, #tpu.memory_space<vmem>>
    %dma_start3A_502 = arith.constant 0 : i32
    %dma_start3A_503 = tpu.memref_slice %arg5[%dma_start3A_493, %dma_start3A_494, %dma_start3A_495, %dma_start3A_502] : memref<4x2x1x80xi32, #tpu.memory_space<vmem>> -> memref<1x1x1x80xi32, #tpu.memory_space<vmem>>
    %dma_start3A_504 = tpu.memref_squeeze %dma_start3A_503 : memref<1x1x1x80xi32, #tpu.memory_space<vmem>> -> memref<80xi32, #tpu.memory_space<vmem>>
    %dma_start3A_505 = arith.constant 0 : i32
    %dma_start3A_506 = arith.constant 0 : i32
    %dma_start3A_507 = tpu.memref_slice %arg2[%dma_start3A_505, %dma_start3A_506] : memref<10000x128xf32, #tpu.memory_space<hbm>> -> memref<10000x128xf32, #tpu.memory_space<hbm>>
    %dma_start3A_508 = tpu.memref_slice %arg9[%dma_start3A_497] : memref<4x!tpu.dma_semaphore, #tpu.memory_space<semaphore_mem>> -> memref<1x!tpu.dma_semaphore, #tpu.memory_space<semaphore_mem>>
    %dma_start3A_509 = tpu.memref_squeeze %dma_start3A_508 : memref<1x!tpu.dma_semaphore, #tpu.memory_space<semaphore_mem>> -> memref<!tpu.dma_semaphore, #tpu.memory_space<semaphore_mem>>
    tpu.enqueue_indirect_dma source(%dma_start3A_507 : memref<10000x128xf32, #tpu.memory_space<hbm>>) target(%dma_start3A_501 : memref<80x128xf32, #tpu.memory_space<vmem>>) offsets(%dma_start3A_504 : memref<80xi32, #tpu.memory_space<vmem>>) semaphore(%dma_start3A_509 : memref<!tpu.dma_semaphore, #tpu.memory_space<semaphore_mem>>)
    %dma_wait3A_510 = arith.constant 2 : i32
    %dma_wait3A_511 = arith.constant 2 : i32
    %dma_wait3A_512 = arith.constant 2 : i32
    %dma_wait3A_513 = arith.constant 0 : i32
    %dma_wait3A_514 = arith.constant 0 : i32
    %dma_wait3A_515 = arith.constant 0 : i32
    %dma_wait3A_516 = tpu.memref_slice %arg5[%dma_wait3A_511, %dma_wait3A_513, %dma_wait3A_514, %dma_wait3A_515] : memref<4x2x1x80xi32, #tpu.memory_space<vmem>> -> memref<1x2x1x80xi32, #tpu.memory_space<vmem>>
    %dma_wait3A_517 = tpu.memref_squeeze %dma_wait3A_516 : memref<1x2x1x80xi32, #tpu.memory_space<vmem>> -> memref<2x1x80xi32, #tpu.memory_space<vmem>>
    %dma_wait3A_518 = arith.constant 0 : i32
    %dma_wait3A_519 = arith.constant 0 : i32
    %dma_wait3A_520 = arith.constant 0 : i32
    %dma_wait3A_521 = tpu.memref_slice %arg3[%dma_wait3A_518, %add3A, %dma_wait3A_510, %dma_wait3A_519, %dma_wait3A_520] : memref<2x32x125x1x80xi32, #tpu.memory_space<hbm>> -> memref<2x1x1x1x80xi32, #tpu.memory_space<hbm>>
    %dma_wait3A_522 = tpu.memref_squeeze %dma_wait3A_521 : memref<2x1x1x1x80xi32, #tpu.memory_space<hbm>> -> memref<2x1x80xi32, #tpu.memory_space<hbm>>
    %dma_wait3A_523 = tpu.memref_slice %arg8[%dma_wait3A_512] : memref<4x!tpu.dma_semaphore, #tpu.memory_space<semaphore_mem>> -> memref<1x!tpu.dma_semaphore, #tpu.memory_space<semaphore_mem>>
    %dma_wait3A_524 = tpu.memref_squeeze %dma_wait3A_523 : memref<1x!tpu.dma_semaphore, #tpu.memory_space<semaphore_mem>> -> memref<!tpu.dma_semaphore, #tpu.memory_space<semaphore_mem>>
    %dma_wait3A_525 = arith.constant 0 : i32
    %dma_wait3A_526 = arith.constant 0 : i32
    %dma_wait3A_527 = arith.constant 0 : i32
    %dma_wait3A_528 = tpu.memref_slice %arg5[%dma_wait3A_511, %dma_wait3A_525, %dma_wait3A_526, %dma_wait3A_527] : memref<4x2x1x80xi32, #tpu.memory_space<vmem>> -> memref<1x2x1x80xi32, #tpu.memory_space<vmem>>
    %dma_wait3A_529 = tpu.memref_squeeze %dma_wait3A_528 : memref<1x2x1x80xi32, #tpu.memory_space<vmem>> -> memref<2x1x80xi32, #tpu.memory_space<vmem>>
    %dma_wait3A_530 = arith.constant 0 : i32
    %dma_wait3A_531 = arith.constant 0 : i32
    %dma_wait3A_532 = arith.constant 0 : i32
    %dma_wait3A_533 = tpu.memref_slice %arg3[%dma_wait3A_530, %add3A, %dma_wait3A_510, %dma_wait3A_531, %dma_wait3A_532] : memref<2x32x125x1x80xi32, #tpu.memory_space<hbm>> -> memref<2x1x1x1x80xi32, #tpu.memory_space<hbm>>
    %dma_wait3A_534 = tpu.memref_squeeze %dma_wait3A_533 : memref<2x1x1x1x80xi32, #tpu.memory_space<hbm>> -> memref<2x1x80xi32, #tpu.memory_space<hbm>>
    tpu.wait_dma2 semaphore(%dma_wait3A_524 : memref<!tpu.dma_semaphore, #tpu.memory_space<semaphore_mem>>) src(%dma_wait3A_534 : memref<2x1x80xi32, #tpu.memory_space<hbm>>) dst(%dma_wait3A_529 : memref<2x1x80xi32, #tpu.memory_space<vmem>>)
    %dma_start3A_535 = arith.constant 2 : i32
    %dma_start3A_536 = arith.constant 0 : i32
    %dma_start3A_537 = arith.constant 0 : i32
    %dma_start3A_538 = arith.constant 2 : i32
    %dma_start3A_539 = arith.constant 2 : i32
    %dma_start3A_540 = arith.constant 0 : i32
    %dma_start3A_541 = arith.constant 0 : i32
    %dma_start3A_542 = tpu.memref_slice %arg6[%dma_start3A_538, %dma_start3A_540, %dma_start3A_541] : memref<4x80x128xf32, #tpu.memory_space<vmem>> -> memref<1x80x128xf32, #tpu.memory_space<vmem>>
    %dma_start3A_543 = tpu.memref_squeeze %dma_start3A_542 : memref<1x80x128xf32, #tpu.memory_space<vmem>> -> memref<80x128xf32, #tpu.memory_space<vmem>>
    %dma_start3A_544 = arith.constant 0 : i32
    %dma_start3A_545 = tpu.memref_slice %arg5[%dma_start3A_535, %dma_start3A_536, %dma_start3A_537, %dma_start3A_544] : memref<4x2x1x80xi32, #tpu.memory_space<vmem>> -> memref<1x1x1x80xi32, #tpu.memory_space<vmem>>
    %dma_start3A_546 = tpu.memref_squeeze %dma_start3A_545 : memref<1x1x1x80xi32, #tpu.memory_space<vmem>> -> memref<80xi32, #tpu.memory_space<vmem>>
    %dma_start3A_547 = arith.constant 0 : i32
    %dma_start3A_548 = arith.constant 0 : i32
    %dma_start3A_549 = tpu.memref_slice %arg2[%dma_start3A_547, %dma_start3A_548] : memref<10000x128xf32, #tpu.memory_space<hbm>> -> memref<10000x128xf32, #tpu.memory_space<hbm>>
    %dma_start3A_550 = tpu.memref_slice %arg9[%dma_start3A_539] : memref<4x!tpu.dma_semaphore, #tpu.memory_space<semaphore_mem>> -> memref<1x!tpu.dma_semaphore, #tpu.memory_space<semaphore_mem>>
    %dma_start3A_551 = tpu.memref_squeeze %dma_start3A_550 : memref<1x!tpu.dma_semaphore, #tpu.memory_space<semaphore_mem>> -> memref<!tpu.dma_semaphore, #tpu.memory_space<semaphore_mem>>
    tpu.enqueue_indirect_dma source(%dma_start3A_549 : memref<10000x128xf32, #tpu.memory_space<hbm>>) target(%dma_start3A_543 : memref<80x128xf32, #tpu.memory_space<vmem>>) offsets(%dma_start3A_546 : memref<80xi32, #tpu.memory_space<vmem>>) semaphore(%dma_start3A_551 : memref<!tpu.dma_semaphore, #tpu.memory_space<semaphore_mem>>)
    %scan3A_552 = arith.constant 0 : i32
    %scan3A_553 = arith.constant 0 : i32
    %scan3A_554 = arith.constant 125 : i32
    %scan3A_555 = arith.addi %scan3A_553, %scan3A_554 : i32
    %scan3A_556 = arith.constant 1 : i32
    %scan3A_557 = scf.for %scan3A_562 = %scan3A_553 to %scan3A_555 step %scan3A_556 iter_args(%scan3A_563 = %scan3A_552) -> (i32)  : i32 {
      %rem3A = arith.constant 4 : i32
      %rem3A_564 = arith.remsi %scan3A_562, %rem3A : i32
      %dma_wait3A_565 = arith.constant 0 : i32
      %dma_wait3A_566 = arith.constant 0 : i32
      %dma_wait3A_567 = arith.constant 0 : i32
      %dma_wait3A_568 = arith.constant 0 : i32
      %dma_wait3A_569 = tpu.memref_slice %arg6[%rem3A_564, %dma_wait3A_567, %dma_wait3A_568] : memref<4x80x128xf32, #tpu.memory_space<vmem>> -> memref<1x80x128xf32, #tpu.memory_space<vmem>>
      %dma_wait3A_570 = tpu.memref_squeeze %dma_wait3A_569 : memref<1x80x128xf32, #tpu.memory_space<vmem>> -> memref<80x128xf32, #tpu.memory_space<vmem>>
      %dma_wait3A_571 = arith.constant 0 : i32
      %dma_wait3A_572 = tpu.memref_slice %arg5[%rem3A_564, %dma_wait3A_565, %dma_wait3A_566, %dma_wait3A_571] : memref<4x2x1x80xi32, #tpu.memory_space<vmem>> -> memref<1x1x1x80xi32, #tpu.memory_space<vmem>>
      %dma_wait3A_573 = tpu.memref_squeeze %dma_wait3A_572 : memref<1x1x1x80xi32, #tpu.memory_space<vmem>> -> memref<80xi32, #tpu.memory_space<vmem>>
      %dma_wait3A_574 = arith.constant 0 : i32
      %dma_wait3A_575 = arith.constant 0 : i32
      %dma_wait3A_576 = tpu.memref_slice %arg2[%dma_wait3A_574, %dma_wait3A_575] : memref<10000x128xf32, #tpu.memory_space<hbm>> -> memref<10000x128xf32, #tpu.memory_space<hbm>>
      %dma_wait3A_577 = tpu.memref_slice %arg9[%rem3A_564] : memref<4x!tpu.dma_semaphore, #tpu.memory_space<semaphore_mem>> -> memref<1x!tpu.dma_semaphore, #tpu.memory_space<semaphore_mem>>
      %dma_wait3A_578 = tpu.memref_squeeze %dma_wait3A_577 : memref<1x!tpu.dma_semaphore, #tpu.memory_space<semaphore_mem>> -> memref<!tpu.dma_semaphore, #tpu.memory_space<semaphore_mem>>
      tpu.wait_indirect_dma semaphore(%dma_wait3A_578 : memref<!tpu.dma_semaphore, #tpu.memory_space<semaphore_mem>>) src(%dma_wait3A_576 : memref<10000x128xf32, #tpu.memory_space<hbm>>) dst(%dma_wait3A_570 : memref<80x128xf32, #tpu.memory_space<vmem>>)
      %run_scoped3A = arith.constant 1 : i32
      %run_scoped3A_579 = arith.constant 0 : i32
      "tpu.region"() ({
        %run_scoped3A_592 = tpu.sem_alloc : memref<!tpu.dma_semaphore, #tpu.memory_space<semaphore_mem>>
        %dma_start3A_593 = arith.constant 0 : i32
        %dma_start3A_594 = arith.constant 0 : i32
        %dma_start3A_595 = tpu.memref_slice %arg6[%rem3A_564, %dma_start3A_593, %dma_start3A_594] : memref<4x80x128xf32, #tpu.memory_space<vmem>> -> memref<1x80x128xf32, #tpu.memory_space<vmem>>
        %dma_start3A_596 = tpu.memref_squeeze %dma_start3A_595 : memref<1x80x128xf32, #tpu.memory_space<vmem>> -> memref<80x128xf32, #tpu.memory_space<vmem>>
        %dma_start3A_597 = arith.constant 0 : i32
        %dma_start3A_598 = tpu.memref_slice %arg5[%rem3A_564, %run_scoped3A, %run_scoped3A_579, %dma_start3A_597] : memref<4x2x1x80xi32, #tpu.memory_space<vmem>> -> memref<1x1x1x80xi32, #tpu.memory_space<vmem>>
        %dma_start3A_599 = tpu.memref_squeeze %dma_start3A_598 : memref<1x1x1x80xi32, #tpu.memory_space<vmem>> -> memref<80xi32, #tpu.memory_space<vmem>>
        %dma_start3A_600 = arith.constant 0 : i32
        %dma_start3A_601 = arith.constant 0 : i32
        %dma_start3A_602 = tpu.memref_slice %arg7[%dma_start3A_600, %dma_start3A_601] : memref<10240x128xf32, #tpu.memory_space<vmem_shared>> -> memref<10240x128xf32, #tpu.memory_space<vmem_shared>>
        tpu.enqueue_indirect_dma source(%dma_start3A_596 : memref<80x128xf32, #tpu.memory_space<vmem>>) target(%dma_start3A_602 : memref<10240x128xf32, #tpu.memory_space<vmem_shared>>) offsets(%dma_start3A_599 : memref<80xi32, #tpu.memory_space<vmem>>) semaphore(%run_scoped3A_592 : memref<!tpu.dma_semaphore, #tpu.memory_space<semaphore_mem>>) {add = true}
        %dma_wait3A_603 = arith.constant 0 : i32
        %dma_wait3A_604 = arith.constant 0 : i32
        %dma_wait3A_605 = tpu.memref_slice %arg6[%rem3A_564, %dma_wait3A_603, %dma_wait3A_604] : memref<4x80x128xf32, #tpu.memory_space<vmem>> -> memref<1x80x128xf32, #tpu.memory_space<vmem>>
        %dma_wait3A_606 = tpu.memref_squeeze %dma_wait3A_605 : memref<1x80x128xf32, #tpu.memory_space<vmem>> -> memref<80x128xf32, #tpu.memory_space<vmem>>
        %dma_wait3A_607 = arith.constant 0 : i32
        %dma_wait3A_608 = tpu.memref_slice %arg5[%rem3A_564, %run_scoped3A, %run_scoped3A_579, %dma_wait3A_607] : memref<4x2x1x80xi32, #tpu.memory_space<vmem>> -> memref<1x1x1x80xi32, #tpu.memory_space<vmem>>
        %dma_wait3A_609 = tpu.memref_squeeze %dma_wait3A_608 : memref<1x1x1x80xi32, #tpu.memory_space<vmem>> -> memref<80xi32, #tpu.memory_space<vmem>>
        %dma_wait3A_610 = arith.constant 0 : i32
        %dma_wait3A_611 = arith.constant 0 : i32
        %dma_wait3A_612 = tpu.memref_slice %arg7[%dma_wait3A_610, %dma_wait3A_611] : memref<10240x128xf32, #tpu.memory_space<vmem_shared>> -> memref<10240x128xf32, #tpu.memory_space<vmem_shared>>
        tpu.wait_indirect_dma semaphore(%run_scoped3A_592 : memref<!tpu.dma_semaphore, #tpu.memory_space<semaphore_mem>>) src(%dma_wait3A_606 : memref<80x128xf32, #tpu.memory_space<vmem>>) dst(%dma_wait3A_612 : memref<10240x128xf32, #tpu.memory_space<vmem_shared>>)
        tpu.yield
      }) : () -> ()
      %add3A_580 = arith.constant 4 : i32
      %add3A_581 = arith.addi %scan3A_562, %add3A_580 : i32
      %lt3A = arith.constant 125 : i32
      %lt3A_582 = arith.cmpi slt, %add3A_581, %lt3A : i32
      %convert_element_type3A = arith.extui %lt3A_582 : i1 to i32
      %cond3A = arith.constant 0 : i32
      %cond3A_583 = arith.cmpi ne, %convert_element_type3A, %cond3A : i32
      scf.if %cond3A_583 {
        %add3A_592 = arith.constant 4 : i32
        %add3A_593 = arith.addi %scan3A_562, %add3A_592 : i32
        %dma_start3A_594 = arith.constant 0 : i32
        %dma_start3A_595 = arith.constant 0 : i32
        %dma_start3A_596 = arith.constant 0 : i32
        %dma_start3A_597 = tpu.memref_slice %arg5[%rem3A_564, %dma_start3A_594, %dma_start3A_595, %dma_start3A_596] : memref<4x2x1x80xi32, #tpu.memory_space<vmem>> -> memref<1x2x1x80xi32, #tpu.memory_space<vmem>>
        %dma_start3A_598 = tpu.memref_squeeze %dma_start3A_597 : memref<1x2x1x80xi32, #tpu.memory_space<vmem>> -> memref<2x1x80xi32, #tpu.memory_space<vmem>>
        %dma_start3A_599 = arith.constant 0 : i32
        %dma_start3A_600 = arith.constant 0 : i32
        %dma_start3A_601 = arith.constant 0 : i32
        %dma_start3A_602 = tpu.memref_slice %arg3[%dma_start3A_599, %add3A, %add3A_593, %dma_start3A_600, %dma_start3A_601] : memref<2x32x125x1x80xi32, #tpu.memory_space<hbm>> -> memref<2x1x1x1x80xi32, #tpu.memory_space<hbm>>
        %dma_start3A_603 = tpu.memref_squeeze %dma_start3A_602 : memref<2x1x1x1x80xi32, #tpu.memory_space<hbm>> -> memref<2x1x80xi32, #tpu.memory_space<hbm>>
        %dma_start3A_604 = tpu.memref_slice %arg8[%rem3A_564] : memref<4x!tpu.dma_semaphore, #tpu.memory_space<semaphore_mem>> -> memref<1x!tpu.dma_semaphore, #tpu.memory_space<semaphore_mem>>
        %dma_start3A_605 = tpu.memref_squeeze %dma_start3A_604 : memref<1x!tpu.dma_semaphore, #tpu.memory_space<semaphore_mem>> -> memref<!tpu.dma_semaphore, #tpu.memory_space<semaphore_mem>>
        %dma_start3A_606 = arith.constant 0 : i32
        %dma_start3A_607 = arith.constant 0 : i32
        %dma_start3A_608 = arith.constant 0 : i32
        %dma_start3A_609 = tpu.memref_slice %arg5[%rem3A_564, %dma_start3A_606, %dma_start3A_607, %dma_start3A_608] : memref<4x2x1x80xi32, #tpu.memory_space<vmem>> -> memref<1x2x1x80xi32, #tpu.memory_space<vmem>>
        %dma_start3A_610 = tpu.memref_squeeze %dma_start3A_609 : memref<1x2x1x80xi32, #tpu.memory_space<vmem>> -> memref<2x1x80xi32, #tpu.memory_space<vmem>>
        %dma_start3A_611 = arith.constant 0 : i32
        %dma_start3A_612 = arith.constant 0 : i32
        %dma_start3A_613 = arith.constant 0 : i32
        %dma_start3A_614 = tpu.memref_slice %arg3[%dma_start3A_611, %add3A, %add3A_593, %dma_start3A_612, %dma_start3A_613] : memref<2x32x125x1x80xi32, #tpu.memory_space<hbm>> -> memref<2x1x1x1x80xi32, #tpu.memory_space<hbm>>
        %dma_start3A_615 = tpu.memref_squeeze %dma_start3A_614 : memref<2x1x1x1x80xi32, #tpu.memory_space<hbm>> -> memref<2x1x80xi32, #tpu.memory_space<hbm>>
        tpu.enqueue_dma source(%dma_start3A_615 : memref<2x1x80xi32, #tpu.memory_space<hbm>>) target(%dma_start3A_610 : memref<2x1x80xi32, #tpu.memory_space<vmem>>) target_semaphore(%dma_start3A_605 : memref<!tpu.dma_semaphore, #tpu.memory_space<semaphore_mem>>)
      } else {
      }
      %add3A_584 = arith.constant 3 : i32
      %add3A_585 = arith.addi %scan3A_562, %add3A_584 : i32
      %lt3A_586 = arith.constant 125 : i32
      %lt3A_587 = arith.cmpi slt, %add3A_585, %lt3A_586 : i32
      %convert_element_type3A_588 = arith.extui %lt3A_587 : i1 to i32
      %cond3A_589 = arith.constant 0 : i32
      %cond3A_590 = arith.cmpi ne, %convert_element_type3A_588, %cond3A_589 : i32
      scf.if %cond3A_590 {
        %add3A_592 = arith.constant 3 : i32
        %add3A_593 = arith.addi %scan3A_562, %add3A_592 : i32
        %rem3A_594 = arith.constant 4 : i32
        %rem3A_595 = arith.remsi %add3A_593, %rem3A_594 : i32
        %add3A_596 = arith.constant 3 : i32
        %add3A_597 = arith.addi %scan3A_562, %add3A_596 : i32
        %dma_wait3A_598 = arith.constant 0 : i32
        %dma_wait3A_599 = arith.constant 0 : i32
        %dma_wait3A_600 = arith.constant 0 : i32
        %dma_wait3A_601 = tpu.memref_slice %arg5[%rem3A_595, %dma_wait3A_598, %dma_wait3A_599, %dma_wait3A_600] : memref<4x2x1x80xi32, #tpu.memory_space<vmem>> -> memref<1x2x1x80xi32, #tpu.memory_space<vmem>>
        %dma_wait3A_602 = tpu.memref_squeeze %dma_wait3A_601 : memref<1x2x1x80xi32, #tpu.memory_space<vmem>> -> memref<2x1x80xi32, #tpu.memory_space<vmem>>
        %dma_wait3A_603 = arith.constant 0 : i32
        %dma_wait3A_604 = arith.constant 0 : i32
        %dma_wait3A_605 = arith.constant 0 : i32
        %dma_wait3A_606 = tpu.memref_slice %arg3[%dma_wait3A_603, %add3A, %add3A_597, %dma_wait3A_604, %dma_wait3A_605] : memref<2x32x125x1x80xi32, #tpu.memory_space<hbm>> -> memref<2x1x1x1x80xi32, #tpu.memory_space<hbm>>
        %dma_wait3A_607 = tpu.memref_squeeze %dma_wait3A_606 : memref<2x1x1x1x80xi32, #tpu.memory_space<hbm>> -> memref<2x1x80xi32, #tpu.memory_space<hbm>>
        %dma_wait3A_608 = tpu.memref_slice %arg8[%rem3A_595] : memref<4x!tpu.dma_semaphore, #tpu.memory_space<semaphore_mem>> -> memref<1x!tpu.dma_semaphore, #tpu.memory_space<semaphore_mem>>
        %dma_wait3A_609 = tpu.memref_squeeze %dma_wait3A_608 : memref<1x!tpu.dma_semaphore, #tpu.memory_space<semaphore_mem>> -> memref<!tpu.dma_semaphore, #tpu.memory_space<semaphore_mem>>
        %dma_wait3A_610 = arith.constant 0 : i32
        %dma_wait3A_611 = arith.constant 0 : i32
        %dma_wait3A_612 = arith.constant 0 : i32
        %dma_wait3A_613 = tpu.memref_slice %arg5[%rem3A_595, %dma_wait3A_610, %dma_wait3A_611, %dma_wait3A_612] : memref<4x2x1x80xi32, #tpu.memory_space<vmem>> -> memref<1x2x1x80xi32, #tpu.memory_space<vmem>>
        %dma_wait3A_614 = tpu.memref_squeeze %dma_wait3A_613 : memref<1x2x1x80xi32, #tpu.memory_space<vmem>> -> memref<2x1x80xi32, #tpu.memory_space<vmem>>
        %dma_wait3A_615 = arith.constant 0 : i32
        %dma_wait3A_616 = arith.constant 0 : i32
        %dma_wait3A_617 = arith.constant 0 : i32
        %dma_wait3A_618 = tpu.memref_slice %arg3[%dma_wait3A_615, %add3A, %add3A_597, %dma_wait3A_616, %dma_wait3A_617] : memref<2x32x125x1x80xi32, #tpu.memory_space<hbm>> -> memref<2x1x1x1x80xi32, #tpu.memory_space<hbm>>
        %dma_wait3A_619 = tpu.memref_squeeze %dma_wait3A_618 : memref<2x1x1x1x80xi32, #tpu.memory_space<hbm>> -> memref<2x1x80xi32, #tpu.memory_space<hbm>>
        tpu.wait_dma2 semaphore(%dma_wait3A_609 : memref<!tpu.dma_semaphore, #tpu.memory_space<semaphore_mem>>) src(%dma_wait3A_619 : memref<2x1x80xi32, #tpu.memory_space<hbm>>) dst(%dma_wait3A_614 : memref<2x1x80xi32, #tpu.memory_space<vmem>>)
        %add3A_620 = arith.constant 3 : i32
        %add3A_621 = arith.addi %scan3A_562, %add3A_620 : i32
        %dma_start3A_622 = arith.constant 0 : i32
        %dma_start3A_623 = arith.constant 0 : i32
        %dma_start3A_624 = arith.constant 0 : i32
        %dma_start3A_625 = arith.constant 0 : i32
        %dma_start3A_626 = tpu.memref_slice %arg6[%rem3A_595, %dma_start3A_624, %dma_start3A_625] : memref<4x80x128xf32, #tpu.memory_space<vmem>> -> memref<1x80x128xf32, #tpu.memory_space<vmem>>
        %dma_start3A_627 = tpu.memref_squeeze %dma_start3A_626 : memref<1x80x128xf32, #tpu.memory_space<vmem>> -> memref<80x128xf32, #tpu.memory_space<vmem>>
        %dma_start3A_628 = arith.constant 0 : i32
        %dma_start3A_629 = tpu.memref_slice %arg5[%rem3A_595, %dma_start3A_622, %dma_start3A_623, %dma_start3A_628] : memref<4x2x1x80xi32, #tpu.memory_space<vmem>> -> memref<1x1x1x80xi32, #tpu.memory_space<vmem>>
        %dma_start3A_630 = tpu.memref_squeeze %dma_start3A_629 : memref<1x1x1x80xi32, #tpu.memory_space<vmem>> -> memref<80xi32, #tpu.memory_space<vmem>>
        %dma_start3A_631 = arith.constant 0 : i32
        %dma_start3A_632 = arith.constant 0 : i32
        %dma_start3A_633 = tpu.memref_slice %arg2[%dma_start3A_631, %dma_start3A_632] : memref<10000x128xf32, #tpu.memory_space<hbm>> -> memref<10000x128xf32, #tpu.memory_space<hbm>>
        %dma_start3A_634 = tpu.memref_slice %arg9[%rem3A_595] : memref<4x!tpu.dma_semaphore, #tpu.memory_space<semaphore_mem>> -> memref<1x!tpu.dma_semaphore, #tpu.memory_space<semaphore_mem>>
        %dma_start3A_635 = tpu.memref_squeeze %dma_start3A_634 : memref<1x!tpu.dma_semaphore, #tpu.memory_space<semaphore_mem>> -> memref<!tpu.dma_semaphore, #tpu.memory_space<semaphore_mem>>
        tpu.enqueue_indirect_dma source(%dma_start3A_633 : memref<10000x128xf32, #tpu.memory_space<hbm>>) target(%dma_start3A_627 : memref<80x128xf32, #tpu.memory_space<vmem>>) offsets(%dma_start3A_630 : memref<80xi32, #tpu.memory_space<vmem>>) semaphore(%dma_start3A_635 : memref<!tpu.dma_semaphore, #tpu.memory_space<semaphore_mem>>)
      } else {
      }
      %scan3A_591 = arith.constant 0 : i32
      scf.yield %scan3A_591 : i32
    }
    %scan3A_558 = arith.constant 125 : i32
    %barrier3A_559 = arith.constant 0 : index
    tpu.barrier barrier_id(%barrier3A_559)
    %mul3A_560 = arith.constant 640 : i32
    %mul3A_561 = arith.muli %arg1, %mul3A_560 : i32
    "tpu.region"() ({
      %run_scoped3A = tpu.sem_alloc : memref<!tpu.dma_semaphore, #tpu.memory_space<semaphore_mem>>
      %dma_start3A_562 = arith.constant 0 : i32
      %dma_start3A_563 = arith.constant 0 : i32
      %dma_start3A_564 = tpu.memref_slice %arg4[%arg0, %arg1, %dma_start3A_562, %dma_start3A_563] : memref<2x16x640x128xf32, #tpu.memory_space<hbm>> -> memref<1x1x640x128xf32, #tpu.memory_space<hbm>>
      %dma_start3A_565 = tpu.memref_squeeze %dma_start3A_564 : memref<1x1x640x128xf32, #tpu.memory_space<hbm>> -> memref<640x128xf32, #tpu.memory_space<hbm>>
      %dma_start3A_566 = arith.constant 0 : i32
      %dma_start3A_567 = tpu.memref_slice %arg7[%mul3A_561, %dma_start3A_566] : memref<10240x128xf32, #tpu.memory_space<vmem_shared>> -> memref<640x128xf32, #tpu.memory_space<vmem_shared>>
      tpu.enqueue_dma source(%dma_start3A_567 : memref<640x128xf32, #tpu.memory_space<vmem_shared>>) target(%dma_start3A_565 : memref<640x128xf32, #tpu.memory_space<hbm>>) target_semaphore(%run_scoped3A : memref<!tpu.dma_semaphore, #tpu.memory_space<semaphore_mem>>)
      %dma_wait3A_568 = arith.constant 0 : i32
      %dma_wait3A_569 = arith.constant 0 : i32
      %dma_wait3A_570 = tpu.memref_slice %arg4[%arg0, %arg1, %dma_wait3A_568, %dma_wait3A_569] : memref<2x16x640x128xf32, #tpu.memory_space<hbm>> -> memref<1x1x640x128xf32, #tpu.memory_space<hbm>>
      %dma_wait3A_571 = tpu.memref_squeeze %dma_wait3A_570 : memref<1x1x640x128xf32, #tpu.memory_space<hbm>> -> memref<640x128xf32, #tpu.memory_space<hbm>>
      %dma_wait3A_572 = arith.constant 0 : i32
      %dma_wait3A_573 = tpu.memref_slice %arg7[%mul3A_561, %dma_wait3A_572] : memref<10240x128xf32, #tpu.memory_space<vmem_shared>> -> memref<640x128xf32, #tpu.memory_space<vmem_shared>>
      tpu.wait_dma2 semaphore(%run_scoped3A : memref<!tpu.dma_semaphore, #tpu.memory_space<semaphore_mem>>) src(%dma_wait3A_573 : memref<640x128xf32, #tpu.memory_space<vmem_shared>>) dst(%dma_wait3A_571 : memref<640x128xf32, #tpu.memory_space<hbm>>)
      tpu.yield
    }) : () -> ()
    return
  }
}

#map = affine_map<(d0, d1) -> (0, 0)>
#map1 = affine_map<(d0, d1) -> (0, 0, 0, 0, 0)>
#map2 = affine_map<(d0, d1) -> (0, 0, 0, 0)>
module attributes {stable_mosaic.version = 14 : i64} {
  func.func @_scatter_sc(%arg0: i32, %arg1: i32, %arg2: memref<10000x128xf32, #tpu.memory_space<hbm>>, %arg3: memref<2x32x125x1x80xi32, #tpu.memory_space<hbm>>, %arg4: memref<2x16x640x128xf32, #tpu.memory_space<hbm>>, %arg5: memref<4x2x1x80xi32, #tpu.memory_space<vmem>>, %arg6: memref<4x80x128xf32, #tpu.memory_space<vmem>>, %arg7: memref<10240x128xf32, #tpu.memory_space<vmem_shared>>, %arg8: memref<4x!tpu.dma_semaphore, #tpu.memory_space<semaphore_mem>>, %arg9: memref<4x!tpu.dma_semaphore, #tpu.memory_space<semaphore_mem>>) attributes {dimension_semantics = [#tpu.dimension_semantics<core_parallel>, #tpu.dimension_semantics<subcore_parallel>], iteration_bounds = array<i64: 2, 16>, scalar_prefetch = 0 : i64, scratch_operands = 5 : i64, tpu.core_type = #tpu.core_type<sc_vector_subcore>, window_params = [{transform_indices = #map}, {transform_indices = #map1}, {transform_indices = #map2}]} {
    %mul3A = arith.constant 16 : i32
    %mul3A_0 = arith.muli %arg0, %mul3A : i32
    %add3A = arith.addi %mul3A_0, %arg1 : i32
    %broadcast_in_dim3A = arith.constant 0.000000e+00 : f32
    %broadcast_in_dim3A_1 = vector.broadcast %broadcast_in_dim3A : f32 to vector<16xf32>
    %scan3A = arith.constant 0 : i32
    %scan3A_2 = arith.constant 0 : i32
    %scan3A_3 = arith.constant 640 : i32
    %scan3A_4 = arith.addi %scan3A_2, %scan3A_3 : i32
    %scan3A_5 = arith.constant 1 : i32
    %scan3A_6 = scf.for %scan3A_562 = %scan3A_2 to %scan3A_4 step %scan3A_5 iter_args(%scan3A_563 = %scan3A) -> (i32)  : i32 {
      %div3A = arith.constant 8 : i32
      %div3A_564 = arith.divsi %scan3A_562, %div3A : i32
      %rem3A = arith.constant 8 : i32
      %rem3A_565 = arith.remsi %scan3A_562, %rem3A : i32
      %mul3A_566 = arith.constant 16 : i32
      %mul3A_567 = arith.muli %rem3A_565, %mul3A_566 : i32
      %swap3A = arith.constant 0 : i32
      %swap3A_568 = arith.index_cast %swap3A : i32 to index
      %swap3A_569 = arith.index_cast %div3A_564 : i32 to index
      %swap3A_570 = arith.index_cast %mul3A_567 : i32 to index
      %swap3A_571 = tpu.vector_load %arg6[%swap3A_568, %swap3A_569, %swap3A_570] {strides = array<i32>} : memref<4x80x128xf32, #tpu.memory_space<vmem>>, vector<16xf32>,
      tpu.vector_store %arg6[%swap3A_568, %swap3A_569, %swap3A_570], %broadcast_in_dim3A_1 {strides = array<i32>} : memref<4x80x128xf32, #tpu.memory_space<vmem>>, vector<16xf32>,
      %scan3A_572 = arith.constant 0 : i32
      scf.yield %scan3A_572 : i32
    }
    %scan3A_7 = arith.constant 640 : i32
    %mul3A_8 = arith.constant 640 : i32
    %mul3A_9 = arith.muli %arg1, %mul3A_8 : i32
    %add3A_10 = arith.constant 0 : i32
    %add3A_11 = arith.addi %mul3A_9, %add3A_10 : i32
    %dma_start3A = arith.constant 0 : i32
    %dma_start3A_12 = arith.constant 0 : i32
    %dma_start3A_13 = arith.constant 0 : i32
    %dma_start3A_14 = arith.constant 0 : i32
    %dma_start3A_15 = tpu.memref_slice %arg6[%dma_start3A, %dma_start3A_13, %dma_start3A_14] : memref<4x80x128xf32, #tpu.memory_space<vmem>> -> memref<1x80x128xf32, #tpu.memory_space<vmem>>
    %dma_start3A_16 = tpu.memref_squeeze %dma_start3A_15 : memref<1x80x128xf32, #tpu.memory_space<vmem>> -> memref<80x128xf32, #tpu.memory_space<vmem>>
    %dma_start3A_17 = arith.constant 0 : i32
    %dma_start3A_18 = tpu.memref_slice %arg7[%add3A_11, %dma_start3A_17] : memref<10240x128xf32, #tpu.memory_space<vmem_shared>> -> memref<80x128xf32, #tpu.memory_space<vmem_shared>>
    %dma_start3A_19 = tpu.memref_slice %arg8[%dma_start3A_12] : memref<4x!tpu.dma_semaphore, #tpu.memory_space<semaphore_mem>> -> memref<1x!tpu.dma_semaphore, #tpu.memory_space<semaphore_mem>>
    %dma_start3A_20 = tpu.memref_squeeze %dma_start3A_19 : memref<1x!tpu.dma_semaphore, #tpu.memory_space<semaphore_mem>> -> memref<!tpu.dma_semaphore, #tpu.memory_space<semaphore_mem>>
    %dma_start3A_21 = arith.constant 0 : i32
    %dma_start3A_22 = tpu.memref_slice %arg7[%add3A_11, %dma_start3A_21] : memref<10240x128xf32, #tpu.memory_space<vmem_shared>> -> memref<80x128xf32, #tpu.memory_space<vmem_shared>>
    %dma_start3A_23 = arith.constant 0 : i32
    %dma_start3A_24 = arith.constant 0 : i32
    %dma_start3A_25 = tpu.memref_slice %arg6[%dma_start3A, %dma_start3A_23, %dma_start3A_24] : memref<4x80x128xf32, #tpu.memory_space<vmem>> -> memref<1x80x128xf32, #tpu.memory_space<vmem>>
    %dma_start3A_26 = tpu.memref_squeeze %dma_start3A_25 : memref<1x80x128xf32, #tpu.memory_space<vmem>> -> memref<80x128xf32, #tpu.memory_space<vmem>>
    tpu.enqueue_dma source(%dma_start3A_26 : memref<80x128xf32, #tpu.memory_space<vmem>>) target(%dma_start3A_22 : memref<80x128xf32, #tpu.memory_space<vmem_shared>>) target_semaphore(%dma_start3A_20 : memref<!tpu.dma_semaphore, #tpu.memory_space<semaphore_mem>>)
    %mul3A_27 = arith.constant 640 : i32
    %mul3A_28 = arith.muli %arg1, %mul3A_27 : i32
    %add3A_29 = arith.constant 80 : i32
    %add3A_30 = arith.addi %mul3A_28, %add3A_29 : i32
    %dma_start3A_31 = arith.constant 0 : i32
    %dma_start3A_32 = arith.constant 0 : i32
    %dma_start3A_33 = arith.constant 0 : i32
    %dma_start3A_34 = arith.constant 0 : i32
    %dma_start3A_35 = tpu.memref_slice %arg6[%dma_start3A_31, %dma_start3A_33, %dma_start3A_34] : memref<4x80x128xf32, #tpu.memory_space<vmem>> -> memref<1x80x128xf32, #tpu.memory_space<vmem>>
    %dma_start3A_36 = tpu.memref_squeeze %dma_start3A_35 : memref<1x80x128xf32, #tpu.memory_space<vmem>> -> memref<80x128xf32, #tpu.memory_space<vmem>>
    %dma_start3A_37 = arith.constant 0 : i32
    %dma_start3A_38 = tpu.memref_slice %arg7[%add3A_30, %dma_start3A_37] : memref<10240x128xf32, #tpu.memory_space<vmem_shared>> -> memref<80x128xf32, #tpu.memory_space<vmem_shared>>
    %dma_start3A_39 = tpu.memref_slice %arg8[%dma_start3A_32] : memref<4x!tpu.dma_semaphore, #tpu.memory_space<semaphore_mem>> -> memref<1x!tpu.dma_semaphore, #tpu.memory_space<semaphore_mem>>
    %dma_start3A_40 = tpu.memref_squeeze %dma_start3A_39 : memref<1x!tpu.dma_semaphore, #tpu.memory_space<semaphore_mem>> -> memref<!tpu.dma_semaphore, #tpu.memory_space<semaphore_mem>>
    %dma_start3A_41 = arith.constant 0 : i32
    %dma_start3A_42 = tpu.memref_slice %arg7[%add3A_30, %dma_start3A_41] : memref<10240x128xf32, #tpu.memory_space<vmem_shared>> -> memref<80x128xf32, #tpu.memory_space<vmem_shared>>
    %dma_start3A_43 = arith.constant 0 : i32
    %dma_start3A_44 = arith.constant 0 : i32
    %dma_start3A_45 = tpu.memref_slice %arg6[%dma_start3A_31, %dma_start3A_43, %dma_start3A_44] : memref<4x80x128xf32, #tpu.memory_space<vmem>> -> memref<1x80x128xf32, #tpu.memory_space<vmem>>
    %dma_start3A_46 = tpu.memref_squeeze %dma_start3A_45 : memref<1x80x128xf32, #tpu.memory_space<vmem>> -> memref<80x128xf32, #tpu.memory_space<vmem>>
    tpu.enqueue_dma source(%dma_start3A_46 : memref<80x128xf32, #tpu.memory_space<vmem>>) target(%dma_start3A_42 : memref<80x128xf32, #tpu.memory_space<vmem_shared>>) target_semaphore(%dma_start3A_40 : memref<!tpu.dma_semaphore, #tpu.memory_space<semaphore_mem>>)
    %mul3A_47 = arith.constant 640 : i32
    %mul3A_48 = arith.muli %arg1, %mul3A_47 : i32
    %add3A_49 = arith.constant 160 : i32
    %add3A_50 = arith.addi %mul3A_48, %add3A_49 : i32
    %dma_start3A_51 = arith.constant 0 : i32
    %dma_start3A_52 = arith.constant 0 : i32
    %dma_start3A_53 = arith.constant 0 : i32
    %dma_start3A_54 = arith.constant 0 : i32
    %dma_start3A_55 = tpu.memref_slice %arg6[%dma_start3A_51, %dma_start3A_53, %dma_start3A_54] : memref<4x80x128xf32, #tpu.memory_space<vmem>> -> memref<1x80x128xf32, #tpu.memory_space<vmem>>
    %dma_start3A_56 = tpu.memref_squeeze %dma_start3A_55 : memref<1x80x128xf32, #tpu.memory_space<vmem>> -> memref<80x128xf32, #tpu.memory_space<vmem>>
    %dma_start3A_57 = arith.constant 0 : i32
    %dma_start3A_58 = tpu.memref_slice %arg7[%add3A_50, %dma_start3A_57] : memref<10240x128xf32, #tpu.memory_space<vmem_shared>> -> memref<80x128xf32, #tpu.memory_space<vmem_shared>>
    %dma_start3A_59 = tpu.memref_slice %arg8[%dma_start3A_52] : memref<4x!tpu.dma_semaphore, #tpu.memory_space<semaphore_mem>> -> memref<1x!tpu.dma_semaphore, #tpu.memory_space<semaphore_mem>>
    %dma_start3A_60 = tpu.memref_squeeze %dma_start3A_59 : memref<1x!tpu.dma_semaphore, #tpu.memory_space<semaphore_mem>> -> memref<!tpu.dma_semaphore, #tpu.memory_space<semaphore_mem>>
    %dma_start3A_61 = arith.constant 0 : i32
    %dma_start3A_62 = tpu.memref_slice %arg7[%add3A_50, %dma_start3A_61] : memref<10240x128xf32, #tpu.memory_space<vmem_shared>> -> memref<80x128xf32, #tpu.memory_space<vmem_shared>>
    %dma_start3A_63 = arith.constant 0 : i32
    %dma_start3A_64 = arith.constant 0 : i32
    %dma_start3A_65 = tpu.memref_slice %arg6[%dma_start3A_51, %dma_start3A_63, %dma_start3A_64] : memref<4x80x128xf32, #tpu.memory_space<vmem>> -> memref<1x80x128xf32, #tpu.memory_space<vmem>>
    %dma_start3A_66 = tpu.memref_squeeze %dma_start3A_65 : memref<1x80x128xf32, #tpu.memory_space<vmem>> -> memref<80x128xf32, #tpu.memory_space<vmem>>
    tpu.enqueue_dma source(%dma_start3A_66 : memref<80x128xf32, #tpu.memory_space<vmem>>) target(%dma_start3A_62 : memref<80x128xf32, #tpu.memory_space<vmem_shared>>) target_semaphore(%dma_start3A_60 : memref<!tpu.dma_semaphore, #tpu.memory_space<semaphore_mem>>)
    %mul3A_67 = arith.constant 640 : i32
    %mul3A_68 = arith.muli %arg1, %mul3A_67 : i32
    %add3A_69 = arith.constant 240 : i32
    %add3A_70 = arith.addi %mul3A_68, %add3A_69 : i32
    %dma_start3A_71 = arith.constant 0 : i32
    %dma_start3A_72 = arith.constant 0 : i32
    %dma_start3A_73 = arith.constant 0 : i32
    %dma_start3A_74 = arith.constant 0 : i32
    %dma_start3A_75 = tpu.memref_slice %arg6[%dma_start3A_71, %dma_start3A_73, %dma_start3A_74] : memref<4x80x128xf32, #tpu.memory_space<vmem>> -> memref<1x80x128xf32, #tpu.memory_space<vmem>>
    %dma_start3A_76 = tpu.memref_squeeze %dma_start3A_75 : memref<1x80x128xf32, #tpu.memory_space<vmem>> -> memref<80x128xf32, #tpu.memory_space<vmem>>
    %dma_start3A_77 = arith.constant 0 : i32
    %dma_start3A_78 = tpu.memref_slice %arg7[%add3A_70, %dma_start3A_77] : memref<10240x128xf32, #tpu.memory_space<vmem_shared>> -> memref<80x128xf32, #tpu.memory_space<vmem_shared>>
    %dma_start3A_79 = tpu.memref_slice %arg8[%dma_start3A_72] : memref<4x!tpu.dma_semaphore, #tpu.memory_space<semaphore_mem>> -> memref<1x!tpu.dma_semaphore, #tpu.memory_space<semaphore_mem>>
    %dma_start3A_80 = tpu.memref_squeeze %dma_start3A_79 : memref<1x!tpu.dma_semaphore, #tpu.memory_space<semaphore_mem>> -> memref<!tpu.dma_semaphore, #tpu.memory_space<semaphore_mem>>
    %dma_start3A_81 = arith.constant 0 : i32
    %dma_start3A_82 = tpu.memref_slice %arg7[%add3A_70, %dma_start3A_81] : memref<10240x128xf32, #tpu.memory_space<vmem_shared>> -> memref<80x128xf32, #tpu.memory_space<vmem_shared>>
    %dma_start3A_83 = arith.constant 0 : i32
    %dma_start3A_84 = arith.constant 0 : i32
    %dma_start3A_85 = tpu.memref_slice %arg6[%dma_start3A_71, %dma_start3A_83, %dma_start3A_84] : memref<4x80x128xf32, #tpu.memory_space<vmem>> -> memref<1x80x128xf32, #tpu.memory_space<vmem>>
    %dma_start3A_86 = tpu.memref_squeeze %dma_start3A_85 : memref<1x80x128xf32, #tpu.memory_space<vmem>> -> memref<80x128xf32, #tpu.memory_space<vmem>>
    tpu.enqueue_dma source(%dma_start3A_86 : memref<80x128xf32, #tpu.memory_space<vmem>>) target(%dma_start3A_82 : memref<80x128xf32, #tpu.memory_space<vmem_shared>>) target_semaphore(%dma_start3A_80 : memref<!tpu.dma_semaphore, #tpu.memory_space<semaphore_mem>>)
    %mul3A_87 = arith.constant 640 : i32
    %mul3A_88 = arith.muli %arg1, %mul3A_87 : i32
    %add3A_89 = arith.constant 320 : i32
    %add3A_90 = arith.addi %mul3A_88, %add3A_89 : i32
    %dma_start3A_91 = arith.constant 0 : i32
    %dma_start3A_92 = arith.constant 0 : i32
    %dma_start3A_93 = arith.constant 0 : i32
    %dma_start3A_94 = arith.constant 0 : i32
    %dma_start3A_95 = tpu.memref_slice %arg6[%dma_start3A_91, %dma_start3A_93, %dma_start3A_94] : memref<4x80x128xf32, #tpu.memory_space<vmem>> -> memref<1x80x128xf32, #tpu.memory_space<vmem>>
    %dma_start3A_96 = tpu.memref_squeeze %dma_start3A_95 : memref<1x80x128xf32, #tpu.memory_space<vmem>> -> memref<80x128xf32, #tpu.memory_space<vmem>>
    %dma_start3A_97 = arith.constant 0 : i32
    %dma_start3A_98 = tpu.memref_slice %arg7[%add3A_90, %dma_start3A_97] : memref<10240x128xf32, #tpu.memory_space<vmem_shared>> -> memref<80x128xf32, #tpu.memory_space<vmem_shared>>
    %dma_start3A_99 = tpu.memref_slice %arg8[%dma_start3A_92] : memref<4x!tpu.dma_semaphore, #tpu.memory_space<semaphore_mem>> -> memref<1x!tpu.dma_semaphore, #tpu.memory_space<semaphore_mem>>
    %dma_start3A_100 = tpu.memref_squeeze %dma_start3A_99 : memref<1x!tpu.dma_semaphore, #tpu.memory_space<semaphore_mem>> -> memref<!tpu.dma_semaphore, #tpu.memory_space<semaphore_mem>>
    %dma_start3A_101 = arith.constant 0 : i32
    %dma_start3A_102 = tpu.memref_slice %arg7[%add3A_90, %dma_start3A_101] : memref<10240x128xf32, #tpu.memory_space<vmem_shared>> -> memref<80x128xf32, #tpu.memory_space<vmem_shared>>
    %dma_start3A_103 = arith.constant 0 : i32
    %dma_start3A_104 = arith.constant 0 : i32
    %dma_start3A_105 = tpu.memref_slice %arg6[%dma_start3A_91, %dma_start3A_103, %dma_start3A_104] : memref<4x80x128xf32, #tpu.memory_space<vmem>> -> memref<1x80x128xf32, #tpu.memory_space<vmem>>
    %dma_start3A_106 = tpu.memref_squeeze %dma_start3A_105 : memref<1x80x128xf32, #tpu.memory_space<vmem>> -> memref<80x128xf32, #tpu.memory_space<vmem>>
    tpu.enqueue_dma source(%dma_start3A_106 : memref<80x128xf32, #tpu.memory_space<vmem>>) target(%dma_start3A_102 : memref<80x128xf32, #tpu.memory_space<vmem_shared>>) target_semaphore(%dma_start3A_100 : memref<!tpu.dma_semaphore, #tpu.memory_space<semaphore_mem>>)
    %mul3A_107 = arith.constant 640 : i32
    %mul3A_108 = arith.muli %arg1, %mul3A_107 : i32
    %add3A_109 = arith.constant 400 : i32
    %add3A_110 = arith.addi %mul3A_108, %add3A_109 : i32
    %dma_start3A_111 = arith.constant 0 : i32
    %dma_start3A_112 = arith.constant 0 : i32
    %dma_start3A_113 = arith.constant 0 : i32
    %dma_start3A_114 = arith.constant 0 : i32
    %dma_start3A_115 = tpu.memref_slice %arg6[%dma_start3A_111, %dma_start3A_113, %dma_start3A_114] : memref<4x80x128xf32, #tpu.memory_space<vmem>> -> memref<1x80x128xf32, #tpu.memory_space<vmem>>
    %dma_start3A_116 = tpu.memref_squeeze %dma_start3A_115 : memref<1x80x128xf32, #tpu.memory_space<vmem>> -> memref<80x128xf32, #tpu.memory_space<vmem>>
    %dma_start3A_117 = arith.constant 0 : i32
    %dma_start3A_118 = tpu.memref_slice %arg7[%add3A_110, %dma_start3A_117] : memref<10240x128xf32, #tpu.memory_space<vmem_shared>> -> memref<80x128xf32, #tpu.memory_space<vmem_shared>>
    %dma_start3A_119 = tpu.memref_slice %arg8[%dma_start3A_112] : memref<4x!tpu.dma_semaphore, #tpu.memory_space<semaphore_mem>> -> memref<1x!tpu.dma_semaphore, #tpu.memory_space<semaphore_mem>>
    %dma_start3A_120 = tpu.memref_squeeze %dma_start3A_119 : memref<1x!tpu.dma_semaphore, #tpu.memory_space<semaphore_mem>> -> memref<!tpu.dma_semaphore, #tpu.memory_space<semaphore_mem>>
    %dma_start3A_121 = arith.constant 0 : i32
    %dma_start3A_122 = tpu.memref_slice %arg7[%add3A_110, %dma_start3A_121] : memref<10240x128xf32, #tpu.memory_space<vmem_shared>> -> memref<80x128xf32, #tpu.memory_space<vmem_shared>>
    %dma_start3A_123 = arith.constant 0 : i32
    %dma_start3A_124 = arith.constant 0 : i32
    %dma_start3A_125 = tpu.memref_slice %arg6[%dma_start3A_111, %dma_start3A_123, %dma_start3A_124] : memref<4x80x128xf32, #tpu.memory_space<vmem>> -> memref<1x80x128xf32, #tpu.memory_space<vmem>>
    %dma_start3A_126 = tpu.memref_squeeze %dma_start3A_125 : memref<1x80x128xf32, #tpu.memory_space<vmem>> -> memref<80x128xf32, #tpu.memory_space<vmem>>
    tpu.enqueue_dma source(%dma_start3A_126 : memref<80x128xf32, #tpu.memory_space<vmem>>) target(%dma_start3A_122 : memref<80x128xf32, #tpu.memory_space<vmem_shared>>) target_semaphore(%dma_start3A_120 : memref<!tpu.dma_semaphore, #tpu.memory_space<semaphore_mem>>)
    %mul3A_127 = arith.constant 640 : i32
    %mul3A_128 = arith.muli %arg1, %mul3A_127 : i32
    %add3A_129 = arith.constant 480 : i32
    %add3A_130 = arith.addi %mul3A_128, %add3A_129 : i32
    %dma_start3A_131 = arith.constant 0 : i32
    %dma_start3A_132 = arith.constant 0 : i32
    %dma_start3A_133 = arith.constant 0 : i32
    %dma_start3A_134 = arith.constant 0 : i32
    %dma_start3A_135 = tpu.memref_slice %arg6[%dma_start3A_131, %dma_start3A_133, %dma_start3A_134] : memref<4x80x128xf32, #tpu.memory_space<vmem>> -> memref<1x80x128xf32, #tpu.memory_space<vmem>>
    %dma_start3A_136 = tpu.memref_squeeze %dma_start3A_135 : memref<1x80x128xf32, #tpu.memory_space<vmem>> -> memref<80x128xf32, #tpu.memory_space<vmem>>
    %dma_start3A_137 = arith.constant 0 : i32
    %dma_start3A_138 = tpu.memref_slice %arg7[%add3A_130, %dma_start3A_137] : memref<10240x128xf32, #tpu.memory_space<vmem_shared>> -> memref<80x128xf32, #tpu.memory_space<vmem_shared>>
    %dma_start3A_139 = tpu.memref_slice %arg8[%dma_start3A_132] : memref<4x!tpu.dma_semaphore, #tpu.memory_space<semaphore_mem>> -> memref<1x!tpu.dma_semaphore, #tpu.memory_space<semaphore_mem>>
    %dma_start3A_140 = tpu.memref_squeeze %dma_start3A_139 : memref<1x!tpu.dma_semaphore, #tpu.memory_space<semaphore_mem>> -> memref<!tpu.dma_semaphore, #tpu.memory_space<semaphore_mem>>
    %dma_start3A_141 = arith.constant 0 : i32
    %dma_start3A_142 = tpu.memref_slice %arg7[%add3A_130, %dma_start3A_141] : memref<10240x128xf32, #tpu.memory_space<vmem_shared>> -> memref<80x128xf32, #tpu.memory_space<vmem_shared>>
    %dma_start3A_143 = arith.constant 0 : i32
    %dma_start3A_144 = arith.constant 0 : i32
    %dma_start3A_145 = tpu.memref_slice %arg6[%dma_start3A_131, %dma_start3A_143, %dma_start3A_144] : memref<4x80x128xf32, #tpu.memory_space<vmem>> -> memref<1x80x128xf32, #tpu.memory_space<vmem>>
    %dma_start3A_146 = tpu.memref_squeeze %dma_start3A_145 : memref<1x80x128xf32, #tpu.memory_space<vmem>> -> memref<80x128xf32, #tpu.memory_space<vmem>>
    tpu.enqueue_dma source(%dma_start3A_146 : memref<80x128xf32, #tpu.memory_space<vmem>>) target(%dma_start3A_142 : memref<80x128xf32, #tpu.memory_space<vmem_shared>>) target_semaphore(%dma_start3A_140 : memref<!tpu.dma_semaphore, #tpu.memory_space<semaphore_mem>>)
    %mul3A_147 = arith.constant 640 : i32
    %mul3A_148 = arith.muli %arg1, %mul3A_147 : i32
    %add3A_149 = arith.constant 560 : i32
    %add3A_150 = arith.addi %mul3A_148, %add3A_149 : i32
    %dma_start3A_151 = arith.constant 0 : i32
    %dma_start3A_152 = arith.constant 0 : i32
    %dma_start3A_153 = arith.constant 0 : i32
    %dma_start3A_154 = arith.constant 0 : i32
    %dma_start3A_155 = tpu.memref_slice %arg6[%dma_start3A_151, %dma_start3A_153, %dma_start3A_154] : memref<4x80x128xf32, #tpu.memory_space<vmem>> -> memref<1x80x128xf32, #tpu.memory_space<vmem>>
    %dma_start3A_156 = tpu.memref_squeeze %dma_start3A_155 : memref<1x80x128xf32, #tpu.memory_space<vmem>> -> memref<80x128xf32, #tpu.memory_space<vmem>>
    %dma_start3A_157 = arith.constant 0 : i32
    %dma_start3A_158 = tpu.memref_slice %arg7[%add3A_150, %dma_start3A_157] : memref<10240x128xf32, #tpu.memory_space<vmem_shared>> -> memref<80x128xf32, #tpu.memory_space<vmem_shared>>
    %dma_start3A_159 = tpu.memref_slice %arg8[%dma_start3A_152] : memref<4x!tpu.dma_semaphore, #tpu.memory_space<semaphore_mem>> -> memref<1x!tpu.dma_semaphore, #tpu.memory_space<semaphore_mem>>
    %dma_start3A_160 = tpu.memref_squeeze %dma_start3A_159 : memref<1x!tpu.dma_semaphore, #tpu.memory_space<semaphore_mem>> -> memref<!tpu.dma_semaphore, #tpu.memory_space<semaphore_mem>>
    %dma_start3A_161 = arith.constant 0 : i32
    %dma_start3A_162 = tpu.memref_slice %arg7[%add3A_150, %dma_start3A_161] : memref<10240x128xf32, #tpu.memory_space<vmem_shared>> -> memref<80x128xf32, #tpu.memory_space<vmem_shared>>
    %dma_start3A_163 = arith.constant 0 : i32
    %dma_start3A_164 = arith.constant 0 : i32
    %dma_start3A_165 = tpu.memref_slice %arg6[%dma_start3A_151, %dma_start3A_163, %dma_start3A_164] : memref<4x80x128xf32, #tpu.memory_space<vmem>> -> memref<1x80x128xf32, #tpu.memory_space<vmem>>
    %dma_start3A_166 = tpu.memref_squeeze %dma_start3A_165 : memref<1x80x128xf32, #tpu.memory_space<vmem>> -> memref<80x128xf32, #tpu.memory_space<vmem>>
    tpu.enqueue_dma source(%dma_start3A_166 : memref<80x128xf32, #tpu.memory_space<vmem>>) target(%dma_start3A_162 : memref<80x128xf32, #tpu.memory_space<vmem_shared>>) target_semaphore(%dma_start3A_160 : memref<!tpu.dma_semaphore, #tpu.memory_space<semaphore_mem>>)
    %mul3A_167 = arith.constant 640 : i32
    %mul3A_168 = arith.muli %arg1, %mul3A_167 : i32
    %add3A_169 = arith.constant 0 : i32
    %add3A_170 = arith.addi %mul3A_168, %add3A_169 : i32
    %dma_wait3A = arith.constant 0 : i32
    %dma_wait3A_171 = arith.constant 0 : i32
    %dma_wait3A_172 = arith.constant 0 : i32
    %dma_wait3A_173 = arith.constant 0 : i32
    %dma_wait3A_174 = tpu.memref_slice %arg6[%dma_wait3A, %dma_wait3A_172, %dma_wait3A_173] : memref<4x80x128xf32, #tpu.memory_space<vmem>> -> memref<1x80x128xf32, #tpu.memory_space<vmem>>
    %dma_wait3A_175 = tpu.memref_squeeze %dma_wait3A_174 : memref<1x80x128xf32, #tpu.memory_space<vmem>> -> memref<80x128xf32, #tpu.memory_space<vmem>>
    %dma_wait3A_176 = arith.constant 0 : i32
    %dma_wait3A_177 = tpu.memref_slice %arg7[%add3A_170, %dma_wait3A_176] : memref<10240x128xf32, #tpu.memory_space<vmem_shared>> -> memref<80x128xf32, #tpu.memory_space<vmem_shared>>
    %dma_wait3A_178 = tpu.memref_slice %arg8[%dma_wait3A_171] : memref<4x!tpu.dma_semaphore, #tpu.memory_space<semaphore_mem>> -> memref<1x!tpu.dma_semaphore, #tpu.memory_space<semaphore_mem>>
    %dma_wait3A_179 = tpu.memref_squeeze %dma_wait3A_178 : memref<1x!tpu.dma_semaphore, #tpu.memory_space<semaphore_mem>> -> memref<!tpu.dma_semaphore, #tpu.memory_space<semaphore_mem>>
    %dma_wait3A_180 = arith.constant 0 : i32
    %dma_wait3A_181 = tpu.memref_slice %arg7[%add3A_170, %dma_wait3A_180] : memref<10240x128xf32, #tpu.memory_space<vmem_shared>> -> memref<80x128xf32, #tpu.memory_space<vmem_shared>>
    %dma_wait3A_182 = arith.constant 0 : i32
    %dma_wait3A_183 = arith.constant 0 : i32
    %dma_wait3A_184 = tpu.memref_slice %arg6[%dma_wait3A, %dma_wait3A_182, %dma_wait3A_183] : memref<4x80x128xf32, #tpu.memory_space<vmem>> -> memref<1x80x128xf32, #tpu.memory_space<vmem>>
    %dma_wait3A_185 = tpu.memref_squeeze %dma_wait3A_184 : memref<1x80x128xf32, #tpu.memory_space<vmem>> -> memref<80x128xf32, #tpu.memory_space<vmem>>
    tpu.wait_dma2 semaphore(%dma_wait3A_179 : memref<!tpu.dma_semaphore, #tpu.memory_space<semaphore_mem>>) src(%dma_wait3A_185 : memref<80x128xf32, #tpu.memory_space<vmem>>) dst(%dma_wait3A_181 : memref<80x128xf32, #tpu.memory_space<vmem_shared>>)
    %mul3A_186 = arith.constant 640 : i32
    %mul3A_187 = arith.muli %arg1, %mul3A_186 : i32
    %add3A_188 = arith.constant 80 : i32
    %add3A_189 = arith.addi %mul3A_187, %add3A_188 : i32
    %dma_wait3A_190 = arith.constant 0 : i32
    %dma_wait3A_191 = arith.constant 0 : i32
    %dma_wait3A_192 = arith.constant 0 : i32
    %dma_wait3A_193 = arith.constant 0 : i32
    %dma_wait3A_194 = tpu.memref_slice %arg6[%dma_wait3A_190, %dma_wait3A_192, %dma_wait3A_193] : memref<4x80x128xf32, #tpu.memory_space<vmem>> -> memref<1x80x128xf32, #tpu.memory_space<vmem>>
    %dma_wait3A_195 = tpu.memref_squeeze %dma_wait3A_194 : memref<1x80x128xf32, #tpu.memory_space<vmem>> -> memref<80x128xf32, #tpu.memory_space<vmem>>
    %dma_wait3A_196 = arith.constant 0 : i32
    %dma_wait3A_197 = tpu.memref_slice %arg7[%add3A_189, %dma_wait3A_196] : memref<10240x128xf32, #tpu.memory_space<vmem_shared>> -> memref<80x128xf32, #tpu.memory_space<vmem_shared>>
    %dma_wait3A_198 = tpu.memref_slice %arg8[%dma_wait3A_191] : memref<4x!tpu.dma_semaphore, #tpu.memory_space<semaphore_mem>> -> memref<1x!tpu.dma_semaphore, #tpu.memory_space<semaphore_mem>>
    %dma_wait3A_199 = tpu.memref_squeeze %dma_wait3A_198 : memref<1x!tpu.dma_semaphore, #tpu.memory_space<semaphore_mem>> -> memref<!tpu.dma_semaphore, #tpu.memory_space<semaphore_mem>>
    %dma_wait3A_200 = arith.constant 0 : i32
    %dma_wait3A_201 = tpu.memref_slice %arg7[%add3A_189, %dma_wait3A_200] : memref<10240x128xf32, #tpu.memory_space<vmem_shared>> -> memref<80x128xf32, #tpu.memory_space<vmem_shared>>
    %dma_wait3A_202 = arith.constant 0 : i32
    %dma_wait3A_203 = arith.constant 0 : i32
    %dma_wait3A_204 = tpu.memref_slice %arg6[%dma_wait3A_190, %dma_wait3A_202, %dma_wait3A_203] : memref<4x80x128xf32, #tpu.memory_space<vmem>> -> memref<1x80x128xf32, #tpu.memory_space<vmem>>
    %dma_wait3A_205 = tpu.memref_squeeze %dma_wait3A_204 : memref<1x80x128xf32, #tpu.memory_space<vmem>> -> memref<80x128xf32, #tpu.memory_space<vmem>>
    tpu.wait_dma2 semaphore(%dma_wait3A_199 : memref<!tpu.dma_semaphore, #tpu.memory_space<semaphore_mem>>) src(%dma_wait3A_205 : memref<80x128xf32, #tpu.memory_space<vmem>>) dst(%dma_wait3A_201 : memref<80x128xf32, #tpu.memory_space<vmem_shared>>)
    %mul3A_206 = arith.constant 640 : i32
    %mul3A_207 = arith.muli %arg1, %mul3A_206 : i32
    %add3A_208 = arith.constant 160 : i32
    %add3A_209 = arith.addi %mul3A_207, %add3A_208 : i32
    %dma_wait3A_210 = arith.constant 0 : i32
    %dma_wait3A_211 = arith.constant 0 : i32
    %dma_wait3A_212 = arith.constant 0 : i32
    %dma_wait3A_213 = arith.constant 0 : i32
    %dma_wait3A_214 = tpu.memref_slice %arg6[%dma_wait3A_210, %dma_wait3A_212, %dma_wait3A_213] : memref<4x80x128xf32, #tpu.memory_space<vmem>> -> memref<1x80x128xf32, #tpu.memory_space<vmem>>
    %dma_wait3A_215 = tpu.memref_squeeze %dma_wait3A_214 : memref<1x80x128xf32, #tpu.memory_space<vmem>> -> memref<80x128xf32, #tpu.memory_space<vmem>>
    %dma_wait3A_216 = arith.constant 0 : i32
    %dma_wait3A_217 = tpu.memref_slice %arg7[%add3A_209, %dma_wait3A_216] : memref<10240x128xf32, #tpu.memory_space<vmem_shared>> -> memref<80x128xf32, #tpu.memory_space<vmem_shared>>
    %dma_wait3A_218 = tpu.memref_slice %arg8[%dma_wait3A_211] : memref<4x!tpu.dma_semaphore, #tpu.memory_space<semaphore_mem>> -> memref<1x!tpu.dma_semaphore, #tpu.memory_space<semaphore_mem>>
    %dma_wait3A_219 = tpu.memref_squeeze %dma_wait3A_218 : memref<1x!tpu.dma_semaphore, #tpu.memory_space<semaphore_mem>> -> memref<!tpu.dma_semaphore, #tpu.memory_space<semaphore_mem>>
    %dma_wait3A_220 = arith.constant 0 : i32
    %dma_wait3A_221 = tpu.memref_slice %arg7[%add3A_209, %dma_wait3A_220] : memref<10240x128xf32, #tpu.memory_space<vmem_shared>> -> memref<80x128xf32, #tpu.memory_space<vmem_shared>>
    %dma_wait3A_222 = arith.constant 0 : i32
    %dma_wait3A_223 = arith.constant 0 : i32
    %dma_wait3A_224 = tpu.memref_slice %arg6[%dma_wait3A_210, %dma_wait3A_222, %dma_wait3A_223] : memref<4x80x128xf32, #tpu.memory_space<vmem>> -> memref<1x80x128xf32, #tpu.memory_space<vmem>>
    %dma_wait3A_225 = tpu.memref_squeeze %dma_wait3A_224 : memref<1x80x128xf32, #tpu.memory_space<vmem>> -> memref<80x128xf32, #tpu.memory_space<vmem>>
    tpu.wait_dma2 semaphore(%dma_wait3A_219 : memref<!tpu.dma_semaphore, #tpu.memory_space<semaphore_mem>>) src(%dma_wait3A_225 : memref<80x128xf32, #tpu.memory_space<vmem>>) dst(%dma_wait3A_221 : memref<80x128xf32, #tpu.memory_space<vmem_shared>>)
    %mul3A_226 = arith.constant 640 : i32
    %mul3A_227 = arith.muli %arg1, %mul3A_226 : i32
    %add3A_228 = arith.constant 240 : i32
    %add3A_229 = arith.addi %mul3A_227, %add3A_228 : i32
    %dma_wait3A_230 = arith.constant 0 : i32
    %dma_wait3A_231 = arith.constant 0 : i32
    %dma_wait3A_232 = arith.constant 0 : i32
    %dma_wait3A_233 = arith.constant 0 : i32
    %dma_wait3A_234 = tpu.memref_slice %arg6[%dma_wait3A_230, %dma_wait3A_232, %dma_wait3A_233] : memref<4x80x128xf32, #tpu.memory_space<vmem>> -> memref<1x80x128xf32, #tpu.memory_space<vmem>>
    %dma_wait3A_235 = tpu.memref_squeeze %dma_wait3A_234 : memref<1x80x128xf32, #tpu.memory_space<vmem>> -> memref<80x128xf32, #tpu.memory_space<vmem>>
    %dma_wait3A_236 = arith.constant 0 : i32
    %dma_wait3A_237 = tpu.memref_slice %arg7[%add3A_229, %dma_wait3A_236] : memref<10240x128xf32, #tpu.memory_space<vmem_shared>> -> memref<80x128xf32, #tpu.memory_space<vmem_shared>>
    %dma_wait3A_238 = tpu.memref_slice %arg8[%dma_wait3A_231] : memref<4x!tpu.dma_semaphore, #tpu.memory_space<semaphore_mem>> -> memref<1x!tpu.dma_semaphore, #tpu.memory_space<semaphore_mem>>
    %dma_wait3A_239 = tpu.memref_squeeze %dma_wait3A_238 : memref<1x!tpu.dma_semaphore, #tpu.memory_space<semaphore_mem>> -> memref<!tpu.dma_semaphore, #tpu.memory_space<semaphore_mem>>
    %dma_wait3A_240 = arith.constant 0 : i32
    %dma_wait3A_241 = tpu.memref_slice %arg7[%add3A_229, %dma_wait3A_240] : memref<10240x128xf32, #tpu.memory_space<vmem_shared>> -> memref<80x128xf32, #tpu.memory_space<vmem_shared>>
    %dma_wait3A_242 = arith.constant 0 : i32
    %dma_wait3A_243 = arith.constant 0 : i32
    %dma_wait3A_244 = tpu.memref_slice %arg6[%dma_wait3A_230, %dma_wait3A_242, %dma_wait3A_243] : memref<4x80x128xf32, #tpu.memory_space<vmem>> -> memref<1x80x128xf32, #tpu.memory_space<vmem>>
    %dma_wait3A_245 = tpu.memref_squeeze %dma_wait3A_244 : memref<1x80x128xf32, #tpu.memory_space<vmem>> -> memref<80x128xf32, #tpu.memory_space<vmem>>
    tpu.wait_dma2 semaphore(%dma_wait3A_239 : memref<!tpu.dma_semaphore, #tpu.memory_space<semaphore_mem>>) src(%dma_wait3A_245 : memref<80x128xf32, #tpu.memory_space<vmem>>) dst(%dma_wait3A_241 : memref<80x128xf32, #tpu.memory_space<vmem_shared>>)
    %mul3A_246 = arith.constant 640 : i32
    %mul3A_247 = arith.muli %arg1, %mul3A_246 : i32
    %add3A_248 = arith.constant 320 : i32
    %add3A_249 = arith.addi %mul3A_247, %add3A_248 : i32
    %dma_wait3A_250 = arith.constant 0 : i32
    %dma_wait3A_251 = arith.constant 0 : i32
    %dma_wait3A_252 = arith.constant 0 : i32
    %dma_wait3A_253 = arith.constant 0 : i32
    %dma_wait3A_254 = tpu.memref_slice %arg6[%dma_wait3A_250, %dma_wait3A_252, %dma_wait3A_253] : memref<4x80x128xf32, #tpu.memory_space<vmem>> -> memref<1x80x128xf32, #tpu.memory_space<vmem>>
    %dma_wait3A_255 = tpu.memref_squeeze %dma_wait3A_254 : memref<1x80x128xf32, #tpu.memory_space<vmem>> -> memref<80x128xf32, #tpu.memory_space<vmem>>
    %dma_wait3A_256 = arith.constant 0 : i32
    %dma_wait3A_257 = tpu.memref_slice %arg7[%add3A_249, %dma_wait3A_256] : memref<10240x128xf32, #tpu.memory_space<vmem_shared>> -> memref<80x128xf32, #tpu.memory_space<vmem_shared>>
    %dma_wait3A_258 = tpu.memref_slice %arg8[%dma_wait3A_251] : memref<4x!tpu.dma_semaphore, #tpu.memory_space<semaphore_mem>> -> memref<1x!tpu.dma_semaphore, #tpu.memory_space<semaphore_mem>>
    %dma_wait3A_259 = tpu.memref_squeeze %dma_wait3A_258 : memref<1x!tpu.dma_semaphore, #tpu.memory_space<semaphore_mem>> -> memref<!tpu.dma_semaphore, #tpu.memory_space<semaphore_mem>>
    %dma_wait3A_260 = arith.constant 0 : i32
    %dma_wait3A_261 = tpu.memref_slice %arg7[%add3A_249, %dma_wait3A_260] : memref<10240x128xf32, #tpu.memory_space<vmem_shared>> -> memref<80x128xf32, #tpu.memory_space<vmem_shared>>
    %dma_wait3A_262 = arith.constant 0 : i32
    %dma_wait3A_263 = arith.constant 0 : i32
    %dma_wait3A_264 = tpu.memref_slice %arg6[%dma_wait3A_250, %dma_wait3A_262, %dma_wait3A_263] : memref<4x80x128xf32, #tpu.memory_space<vmem>> -> memref<1x80x128xf32, #tpu.memory_space<vmem>>
    %dma_wait3A_265 = tpu.memref_squeeze %dma_wait3A_264 : memref<1x80x128xf32, #tpu.memory_space<vmem>> -> memref<80x128xf32, #tpu.memory_space<vmem>>
    tpu.wait_dma2 semaphore(%dma_wait3A_259 : memref<!tpu.dma_semaphore, #tpu.memory_space<semaphore_mem>>) src(%dma_wait3A_265 : memref<80x128xf32, #tpu.memory_space<vmem>>) dst(%dma_wait3A_261 : memref<80x128xf32, #tpu.memory_space<vmem_shared>>)
    %mul3A_266 = arith.constant 640 : i32
    %mul3A_267 = arith.muli %arg1, %mul3A_266 : i32
    %add3A_268 = arith.constant 400 : i32
    %add3A_269 = arith.addi %mul3A_267, %add3A_268 : i32
    %dma_wait3A_270 = arith.constant 0 : i32
    %dma_wait3A_271 = arith.constant 0 : i32
    %dma_wait3A_272 = arith.constant 0 : i32
    %dma_wait3A_273 = arith.constant 0 : i32
    %dma_wait3A_274 = tpu.memref_slice %arg6[%dma_wait3A_270, %dma_wait3A_272, %dma_wait3A_273] : memref<4x80x128xf32, #tpu.memory_space<vmem>> -> memref<1x80x128xf32, #tpu.memory_space<vmem>>
    %dma_wait3A_275 = tpu.memref_squeeze %dma_wait3A_274 : memref<1x80x128xf32, #tpu.memory_space<vmem>> -> memref<80x128xf32, #tpu.memory_space<vmem>>
    %dma_wait3A_276 = arith.constant 0 : i32
    %dma_wait3A_277 = tpu.memref_slice %arg7[%add3A_269, %dma_wait3A_276] : memref<10240x128xf32, #tpu.memory_space<vmem_shared>> -> memref<80x128xf32, #tpu.memory_space<vmem_shared>>
    %dma_wait3A_278 = tpu.memref_slice %arg8[%dma_wait3A_271] : memref<4x!tpu.dma_semaphore, #tpu.memory_space<semaphore_mem>> -> memref<1x!tpu.dma_semaphore, #tpu.memory_space<semaphore_mem>>
    %dma_wait3A_279 = tpu.memref_squeeze %dma_wait3A_278 : memref<1x!tpu.dma_semaphore, #tpu.memory_space<semaphore_mem>> -> memref<!tpu.dma_semaphore, #tpu.memory_space<semaphore_mem>>
    %dma_wait3A_280 = arith.constant 0 : i32
    %dma_wait3A_281 = tpu.memref_slice %arg7[%add3A_269, %dma_wait3A_280] : memref<10240x128xf32, #tpu.memory_space<vmem_shared>> -> memref<80x128xf32, #tpu.memory_space<vmem_shared>>
    %dma_wait3A_282 = arith.constant 0 : i32
    %dma_wait3A_283 = arith.constant 0 : i32
    %dma_wait3A_284 = tpu.memref_slice %arg6[%dma_wait3A_270, %dma_wait3A_282, %dma_wait3A_283] : memref<4x80x128xf32, #tpu.memory_space<vmem>> -> memref<1x80x128xf32, #tpu.memory_space<vmem>>
    %dma_wait3A_285 = tpu.memref_squeeze %dma_wait3A_284 : memref<1x80x128xf32, #tpu.memory_space<vmem>> -> memref<80x128xf32, #tpu.memory_space<vmem>>
    tpu.wait_dma2 semaphore(%dma_wait3A_279 : memref<!tpu.dma_semaphore, #tpu.memory_space<semaphore_mem>>) src(%dma_wait3A_285 : memref<80x128xf32, #tpu.memory_space<vmem>>) dst(%dma_wait3A_281 : memref<80x128xf32, #tpu.memory_space<vmem_shared>>)
    %mul3A_286 = arith.constant 640 : i32
    %mul3A_287 = arith.muli %arg1, %mul3A_286 : i32
    %add3A_288 = arith.constant 480 : i32
    %add3A_289 = arith.addi %mul3A_287, %add3A_288 : i32
    %dma_wait3A_290 = arith.constant 0 : i32
    %dma_wait3A_291 = arith.constant 0 : i32
    %dma_wait3A_292 = arith.constant 0 : i32
    %dma_wait3A_293 = arith.constant 0 : i32
    %dma_wait3A_294 = tpu.memref_slice %arg6[%dma_wait3A_290, %dma_wait3A_292, %dma_wait3A_293] : memref<4x80x128xf32, #tpu.memory_space<vmem>> -> memref<1x80x128xf32, #tpu.memory_space<vmem>>
    %dma_wait3A_295 = tpu.memref_squeeze %dma_wait3A_294 : memref<1x80x128xf32, #tpu.memory_space<vmem>> -> memref<80x128xf32, #tpu.memory_space<vmem>>
    %dma_wait3A_296 = arith.constant 0 : i32
    %dma_wait3A_297 = tpu.memref_slice %arg7[%add3A_289, %dma_wait3A_296] : memref<10240x128xf32, #tpu.memory_space<vmem_shared>> -> memref<80x128xf32, #tpu.memory_space<vmem_shared>>
    %dma_wait3A_298 = tpu.memref_slice %arg8[%dma_wait3A_291] : memref<4x!tpu.dma_semaphore, #tpu.memory_space<semaphore_mem>> -> memref<1x!tpu.dma_semaphore, #tpu.memory_space<semaphore_mem>>
    %dma_wait3A_299 = tpu.memref_squeeze %dma_wait3A_298 : memref<1x!tpu.dma_semaphore, #tpu.memory_space<semaphore_mem>> -> memref<!tpu.dma_semaphore, #tpu.memory_space<semaphore_mem>>
    %dma_wait3A_300 = arith.constant 0 : i32
    %dma_wait3A_301 = tpu.memref_slice %arg7[%add3A_289, %dma_wait3A_300] : memref<10240x128xf32, #tpu.memory_space<vmem_shared>> -> memref<80x128xf32, #tpu.memory_space<vmem_shared>>
    %dma_wait3A_302 = arith.constant 0 : i32
    %dma_wait3A_303 = arith.constant 0 : i32
    %dma_wait3A_304 = tpu.memref_slice %arg6[%dma_wait3A_290, %dma_wait3A_302, %dma_wait3A_303] : memref<4x80x128xf32, #tpu.memory_space<vmem>> -> memref<1x80x128xf32, #tpu.memory_space<vmem>>
    %dma_wait3A_305 = tpu.memref_squeeze %dma_wait3A_304 : memref<1x80x128xf32, #tpu.memory_space<vmem>> -> memref<80x128xf32, #tpu.memory_space<vmem>>
    tpu.wait_dma2 semaphore(%dma_wait3A_299 : memref<!tpu.dma_semaphore, #tpu.memory_space<semaphore_mem>>) src(%dma_wait3A_305 : memref<80x128xf32, #tpu.memory_space<vmem>>) dst(%dma_wait3A_301 : memref<80x128xf32, #tpu.memory_space<vmem_shared>>)
    %mul3A_306 = arith.constant 640 : i32
    %mul3A_307 = arith.muli %arg1, %mul3A_306 : i32
    %add3A_308 = arith.constant 560 : i32
    %add3A_309 = arith.addi %mul3A_307, %add3A_308 : i32
    %dma_wait3A_310 = arith.constant 0 : i32
    %dma_wait3A_311 = arith.constant 0 : i32
    %dma_wait3A_312 = arith.constant 0 : i32
    %dma_wait3A_313 = arith.constant 0 : i32
    %dma_wait3A_314 = tpu.memref_slice %arg6[%dma_wait3A_310, %dma_wait3A_312, %dma_wait3A_313] : memref<4x80x128xf32, #tpu.memory_space<vmem>> -> memref<1x80x128xf32, #tpu.memory_space<vmem>>
    %dma_wait3A_315 = tpu.memref_squeeze %dma_wait3A_314 : memref<1x80x128xf32, #tpu.memory_space<vmem>> -> memref<80x128xf32, #tpu.memory_space<vmem>>
    %dma_wait3A_316 = arith.constant 0 : i32
    %dma_wait3A_317 = tpu.memref_slice %arg7[%add3A_309, %dma_wait3A_316] : memref<10240x128xf32, #tpu.memory_space<vmem_shared>> -> memref<80x128xf32, #tpu.memory_space<vmem_shared>>
    %dma_wait3A_318 = tpu.memref_slice %arg8[%dma_wait3A_311] : memref<4x!tpu.dma_semaphore, #tpu.memory_space<semaphore_mem>> -> memref<1x!tpu.dma_semaphore, #tpu.memory_space<semaphore_mem>>
    %dma_wait3A_319 = tpu.memref_squeeze %dma_wait3A_318 : memref<1x!tpu.dma_semaphore, #tpu.memory_space<semaphore_mem>> -> memref<!tpu.dma_semaphore, #tpu.memory_space<semaphore_mem>>
    %dma_wait3A_320 = arith.constant 0 : i32
    %dma_wait3A_321 = tpu.memref_slice %arg7[%add3A_309, %dma_wait3A_320] : memref<10240x128xf32, #tpu.memory_space<vmem_shared>> -> memref<80x128xf32, #tpu.memory_space<vmem_shared>>
    %dma_wait3A_322 = arith.constant 0 : i32
    %dma_wait3A_323 = arith.constant 0 : i32
    %dma_wait3A_324 = tpu.memref_slice %arg6[%dma_wait3A_310, %dma_wait3A_322, %dma_wait3A_323] : memref<4x80x128xf32, #tpu.memory_space<vmem>> -> memref<1x80x128xf32, #tpu.memory_space<vmem>>
    %dma_wait3A_325 = tpu.memref_squeeze %dma_wait3A_324 : memref<1x80x128xf32, #tpu.memory_space<vmem>> -> memref<80x128xf32, #tpu.memory_space<vmem>>
    tpu.wait_dma2 semaphore(%dma_wait3A_319 : memref<!tpu.dma_semaphore, #tpu.memory_space<semaphore_mem>>) src(%dma_wait3A_325 : memref<80x128xf32, #tpu.memory_space<vmem>>) dst(%dma_wait3A_321 : memref<80x128xf32, #tpu.memory_space<vmem_shared>>)
    %barrier3A = arith.constant 0 : index
    tpu.barrier barrier_id(%barrier3A)
    %dma_start3A_326 = arith.constant 0 : i32
    %dma_start3A_327 = arith.constant 0 : i32
    %dma_start3A_328 = arith.constant 0 : i32
    %dma_start3A_329 = arith.constant 0 : i32
    %dma_start3A_330 = arith.constant 0 : i32
    %dma_start3A_331 = arith.constant 0 : i32
    %dma_start3A_332 = tpu.memref_slice %arg5[%dma_start3A_327, %dma_start3A_329, %dma_start3A_330, %dma_start3A_331] : memref<4x2x1x80xi32, #tpu.memory_space<vmem>> -> memref<1x2x1x80xi32, #tpu.memory_space<vmem>>
    %dma_start3A_333 = tpu.memref_squeeze %dma_start3A_332 : memref<1x2x1x80xi32, #tpu.memory_space<vmem>> -> memref<2x1x80xi32, #tpu.memory_space<vmem>>
    %dma_start3A_334 = arith.constant 0 : i32
    %dma_start3A_335 = arith.constant 0 : i32
    %dma_start3A_336 = arith.constant 0 : i32
    %dma_start3A_337 = tpu.memref_slice %arg3[%dma_start3A_334, %add3A, %dma_start3A_326, %dma_start3A_335, %dma_start3A_336] : memref<2x32x125x1x80xi32, #tpu.memory_space<hbm>> -> memref<2x1x1x1x80xi32, #tpu.memory_space<hbm>>
    %dma_start3A_338 = tpu.memref_squeeze %dma_start3A_337 : memref<2x1x1x1x80xi32, #tpu.memory_space<hbm>> -> memref<2x1x80xi32, #tpu.memory_space<hbm>>
    %dma_start3A_339 = tpu.memref_slice %arg8[%dma_start3A_328] : memref<4x!tpu.dma_semaphore, #tpu.memory_space<semaphore_mem>> -> memref<1x!tpu.dma_semaphore, #tpu.memory_space<semaphore_mem>>
    %dma_start3A_340 = tpu.memref_squeeze %dma_start3A_339 : memref<1x!tpu.dma_semaphore, #tpu.memory_space<semaphore_mem>> -> memref<!tpu.dma_semaphore, #tpu.memory_space<semaphore_mem>>
    %dma_start3A_341 = arith.constant 0 : i32
    %dma_start3A_342 = arith.constant 0 : i32
    %dma_start3A_343 = arith.constant 0 : i32
    %dma_start3A_344 = tpu.memref_slice %arg5[%dma_start3A_327, %dma_start3A_341, %dma_start3A_342, %dma_start3A_343] : memref<4x2x1x80xi32, #tpu.memory_space<vmem>> -> memref<1x2x1x80xi32, #tpu.memory_space<vmem>>
    %dma_start3A_345 = tpu.memref_squeeze %dma_start3A_344 : memref<1x2x1x80xi32, #tpu.memory_space<vmem>> -> memref<2x1x80xi32, #tpu.memory_space<vmem>>
    %dma_start3A_346 = arith.constant 0 : i32
    %dma_start3A_347 = arith.constant 0 : i32
    %dma_start3A_348 = arith.constant 0 : i32
    %dma_start3A_349 = tpu.memref_slice %arg3[%dma_start3A_346, %add3A, %dma_start3A_326, %dma_start3A_347, %dma_start3A_348] : memref<2x32x125x1x80xi32, #tpu.memory_space<hbm>> -> memref<2x1x1x1x80xi32, #tpu.memory_space<hbm>>
    %dma_start3A_350 = tpu.memref_squeeze %dma_start3A_349 : memref<2x1x1x1x80xi32, #tpu.memory_space<hbm>> -> memref<2x1x80xi32, #tpu.memory_space<hbm>>
    tpu.enqueue_dma source(%dma_start3A_350 : memref<2x1x80xi32, #tpu.memory_space<hbm>>) target(%dma_start3A_345 : memref<2x1x80xi32, #tpu.memory_space<vmem>>) target_semaphore(%dma_start3A_340 : memref<!tpu.dma_semaphore, #tpu.memory_space<semaphore_mem>>)
    %dma_start3A_351 = arith.constant 1 : i32
    %dma_start3A_352 = arith.constant 1 : i32
    %dma_start3A_353 = arith.constant 1 : i32
    %dma_start3A_354 = arith.constant 0 : i32
    %dma_start3A_355 = arith.constant 0 : i32
    %dma_start3A_356 = arith.constant 0 : i32
    %dma_start3A_357 = tpu.memref_slice %arg5[%dma_start3A_352, %dma_start3A_354, %dma_start3A_355, %dma_start3A_356] : memref<4x2x1x80xi32, #tpu.memory_space<vmem>> -> memref<1x2x1x80xi32, #tpu.memory_space<vmem>>
    %dma_start3A_358 = tpu.memref_squeeze %dma_start3A_357 : memref<1x2x1x80xi32, #tpu.memory_space<vmem>> -> memref<2x1x80xi32, #tpu.memory_space<vmem>>
    %dma_start3A_359 = arith.constant 0 : i32
    %dma_start3A_360 = arith.constant 0 : i32
    %dma_start3A_361 = arith.constant 0 : i32
    %dma_start3A_362 = tpu.memref_slice %arg3[%dma_start3A_359, %add3A, %dma_start3A_351, %dma_start3A_360, %dma_start3A_361] : memref<2x32x125x1x80xi32, #tpu.memory_space<hbm>> -> memref<2x1x1x1x80xi32, #tpu.memory_space<hbm>>
    %dma_start3A_363 = tpu.memref_squeeze %dma_start3A_362 : memref<2x1x1x1x80xi32, #tpu.memory_space<hbm>> -> memref<2x1x80xi32, #tpu.memory_space<hbm>>
    %dma_start3A_364 = tpu.memref_slice %arg8[%dma_start3A_353] : memref<4x!tpu.dma_semaphore, #tpu.memory_space<semaphore_mem>> -> memref<1x!tpu.dma_semaphore, #tpu.memory_space<semaphore_mem>>
    %dma_start3A_365 = tpu.memref_squeeze %dma_start3A_364 : memref<1x!tpu.dma_semaphore, #tpu.memory_space<semaphore_mem>> -> memref<!tpu.dma_semaphore, #tpu.memory_space<semaphore_mem>>
    %dma_start3A_366 = arith.constant 0 : i32
    %dma_start3A_367 = arith.constant 0 : i32
    %dma_start3A_368 = arith.constant 0 : i32
    %dma_start3A_369 = tpu.memref_slice %arg5[%dma_start3A_352, %dma_start3A_366, %dma_start3A_367, %dma_start3A_368] : memref<4x2x1x80xi32, #tpu.memory_space<vmem>> -> memref<1x2x1x80xi32, #tpu.memory_space<vmem>>
    %dma_start3A_370 = tpu.memref_squeeze %dma_start3A_369 : memref<1x2x1x80xi32, #tpu.memory_space<vmem>> -> memref<2x1x80xi32, #tpu.memory_space<vmem>>
    %dma_start3A_371 = arith.constant 0 : i32
    %dma_start3A_372 = arith.constant 0 : i32
    %dma_start3A_373 = arith.constant 0 : i32
    %dma_start3A_374 = tpu.memref_slice %arg3[%dma_start3A_371, %add3A, %dma_start3A_351, %dma_start3A_372, %dma_start3A_373] : memref<2x32x125x1x80xi32, #tpu.memory_space<hbm>> -> memref<2x1x1x1x80xi32, #tpu.memory_space<hbm>>
    %dma_start3A_375 = tpu.memref_squeeze %dma_start3A_374 : memref<2x1x1x1x80xi32, #tpu.memory_space<hbm>> -> memref<2x1x80xi32, #tpu.memory_space<hbm>>
    tpu.enqueue_dma source(%dma_start3A_375 : memref<2x1x80xi32, #tpu.memory_space<hbm>>) target(%dma_start3A_370 : memref<2x1x80xi32, #tpu.memory_space<vmem>>) target_semaphore(%dma_start3A_365 : memref<!tpu.dma_semaphore, #tpu.memory_space<semaphore_mem>>)
    %dma_start3A_376 = arith.constant 2 : i32
    %dma_start3A_377 = arith.constant 2 : i32
    %dma_start3A_378 = arith.constant 2 : i32
    %dma_start3A_379 = arith.constant 0 : i32
    %dma_start3A_380 = arith.constant 0 : i32
    %dma_start3A_381 = arith.constant 0 : i32
    %dma_start3A_382 = tpu.memref_slice %arg5[%dma_start3A_377, %dma_start3A_379, %dma_start3A_380, %dma_start3A_381] : memref<4x2x1x80xi32, #tpu.memory_space<vmem>> -> memref<1x2x1x80xi32, #tpu.memory_space<vmem>>
    %dma_start3A_383 = tpu.memref_squeeze %dma_start3A_382 : memref<1x2x1x80xi32, #tpu.memory_space<vmem>> -> memref<2x1x80xi32, #tpu.memory_space<vmem>>
    %dma_start3A_384 = arith.constant 0 : i32
    %dma_start3A_385 = arith.constant 0 : i32
    %dma_start3A_386 = arith.constant 0 : i32
    %dma_start3A_387 = tpu.memref_slice %arg3[%dma_start3A_384, %add3A, %dma_start3A_376, %dma_start3A_385, %dma_start3A_386] : memref<2x32x125x1x80xi32, #tpu.memory_space<hbm>> -> memref<2x1x1x1x80xi32, #tpu.memory_space<hbm>>
    %dma_start3A_388 = tpu.memref_squeeze %dma_start3A_387 : memref<2x1x1x1x80xi32, #tpu.memory_space<hbm>> -> memref<2x1x80xi32, #tpu.memory_space<hbm>>
    %dma_start3A_389 = tpu.memref_slice %arg8[%dma_start3A_378] : memref<4x!tpu.dma_semaphore, #tpu.memory_space<semaphore_mem>> -> memref<1x!tpu.dma_semaphore, #tpu.memory_space<semaphore_mem>>
    %dma_start3A_390 = tpu.memref_squeeze %dma_start3A_389 : memref<1x!tpu.dma_semaphore, #tpu.memory_space<semaphore_mem>> -> memref<!tpu.dma_semaphore, #tpu.memory_space<semaphore_mem>>
    %dma_start3A_391 = arith.constant 0 : i32
    %dma_start3A_392 = arith.constant 0 : i32
    %dma_start3A_393 = arith.constant 0 : i32
    %dma_start3A_394 = tpu.memref_slice %arg5[%dma_start3A_377, %dma_start3A_391, %dma_start3A_392, %dma_start3A_393] : memref<4x2x1x80xi32, #tpu.memory_space<vmem>> -> memref<1x2x1x80xi32, #tpu.memory_space<vmem>>
    %dma_start3A_395 = tpu.memref_squeeze %dma_start3A_394 : memref<1x2x1x80xi32, #tpu.memory_space<vmem>> -> memref<2x1x80xi32, #tpu.memory_space<vmem>>
    %dma_start3A_396 = arith.constant 0 : i32
    %dma_start3A_397 = arith.constant 0 : i32
    %dma_start3A_398 = arith.constant 0 : i32
    %dma_start3A_399 = tpu.memref_slice %arg3[%dma_start3A_396, %add3A, %dma_start3A_376, %dma_start3A_397, %dma_start3A_398] : memref<2x32x125x1x80xi32, #tpu.memory_space<hbm>> -> memref<2x1x1x1x80xi32, #tpu.memory_space<hbm>>
    %dma_start3A_400 = tpu.memref_squeeze %dma_start3A_399 : memref<2x1x1x1x80xi32, #tpu.memory_space<hbm>> -> memref<2x1x80xi32, #tpu.memory_space<hbm>>
    tpu.enqueue_dma source(%dma_start3A_400 : memref<2x1x80xi32, #tpu.memory_space<hbm>>) target(%dma_start3A_395 : memref<2x1x80xi32, #tpu.memory_space<vmem>>) target_semaphore(%dma_start3A_390 : memref<!tpu.dma_semaphore, #tpu.memory_space<semaphore_mem>>)
    %dma_start3A_401 = arith.constant 3 : i32
    %dma_start3A_402 = arith.constant 3 : i32
    %dma_start3A_403 = arith.constant 3 : i32
    %dma_start3A_404 = arith.constant 0 : i32
    %dma_start3A_405 = arith.constant 0 : i32
    %dma_start3A_406 = arith.constant 0 : i32
    %dma_start3A_407 = tpu.memref_slice %arg5[%dma_start3A_402, %dma_start3A_404, %dma_start3A_405, %dma_start3A_406] : memref<4x2x1x80xi32, #tpu.memory_space<vmem>> -> memref<1x2x1x80xi32, #tpu.memory_space<vmem>>
    %dma_start3A_408 = tpu.memref_squeeze %dma_start3A_407 : memref<1x2x1x80xi32, #tpu.memory_space<vmem>> -> memref<2x1x80xi32, #tpu.memory_space<vmem>>
    %dma_start3A_409 = arith.constant 0 : i32
    %dma_start3A_410 = arith.constant 0 : i32
    %dma_start3A_411 = arith.constant 0 : i32
    %dma_start3A_412 = tpu.memref_slice %arg3[%dma_start3A_409, %add3A, %dma_start3A_401, %dma_start3A_410, %dma_start3A_411] : memref<2x32x125x1x80xi32, #tpu.memory_space<hbm>> -> memref<2x1x1x1x80xi32, #tpu.memory_space<hbm>>
    %dma_start3A_413 = tpu.memref_squeeze %dma_start3A_412 : memref<2x1x1x1x80xi32, #tpu.memory_space<hbm>> -> memref<2x1x80xi32, #tpu.memory_space<hbm>>
    %dma_start3A_414 = tpu.memref_slice %arg8[%dma_start3A_403] : memref<4x!tpu.dma_semaphore, #tpu.memory_space<semaphore_mem>> -> memref<1x!tpu.dma_semaphore, #tpu.memory_space<semaphore_mem>>
    %dma_start3A_415 = tpu.memref_squeeze %dma_start3A_414 : memref<1x!tpu.dma_semaphore, #tpu.memory_space<semaphore_mem>> -> memref<!tpu.dma_semaphore, #tpu.memory_space<semaphore_mem>>
    %dma_start3A_416 = arith.constant 0 : i32
    %dma_start3A_417 = arith.constant 0 : i32
    %dma_start3A_418 = arith.constant 0 : i32
    %dma_start3A_419 = tpu.memref_slice %arg5[%dma_start3A_402, %dma_start3A_416, %dma_start3A_417, %dma_start3A_418] : memref<4x2x1x80xi32, #tpu.memory_space<vmem>> -> memref<1x2x1x80xi32, #tpu.memory_space<vmem>>
    %dma_start3A_420 = tpu.memref_squeeze %dma_start3A_419 : memref<1x2x1x80xi32, #tpu.memory_space<vmem>> -> memref<2x1x80xi32, #tpu.memory_space<vmem>>
    %dma_start3A_421 = arith.constant 0 : i32
    %dma_start3A_422 = arith.constant 0 : i32
    %dma_start3A_423 = arith.constant 0 : i32
    %dma_start3A_424 = tpu.memref_slice %arg3[%dma_start3A_421, %add3A, %dma_start3A_401, %dma_start3A_422, %dma_start3A_423] : memref<2x32x125x1x80xi32, #tpu.memory_space<hbm>> -> memref<2x1x1x1x80xi32, #tpu.memory_space<hbm>>
    %dma_start3A_425 = tpu.memref_squeeze %dma_start3A_424 : memref<2x1x1x1x80xi32, #tpu.memory_space<hbm>> -> memref<2x1x80xi32, #tpu.memory_space<hbm>>
    tpu.enqueue_dma source(%dma_start3A_425 : memref<2x1x80xi32, #tpu.memory_space<hbm>>) target(%dma_start3A_420 : memref<2x1x80xi32, #tpu.memory_space<vmem>>) target_semaphore(%dma_start3A_415 : memref<!tpu.dma_semaphore, #tpu.memory_space<semaphore_mem>>)
    %dma_wait3A_426 = arith.constant 0 : i32
    %dma_wait3A_427 = arith.constant 0 : i32
    %dma_wait3A_428 = arith.constant 0 : i32
    %dma_wait3A_429 = arith.constant 0 : i32
    %dma_wait3A_430 = arith.constant 0 : i32
    %dma_wait3A_431 = arith.constant 0 : i32
    %dma_wait3A_432 = tpu.memref_slice %arg5[%dma_wait3A_427, %dma_wait3A_429, %dma_wait3A_430, %dma_wait3A_431] : memref<4x2x1x80xi32, #tpu.memory_space<vmem>> -> memref<1x2x1x80xi32, #tpu.memory_space<vmem>>
    %dma_wait3A_433 = tpu.memref_squeeze %dma_wait3A_432 : memref<1x2x1x80xi32, #tpu.memory_space<vmem>> -> memref<2x1x80xi32, #tpu.memory_space<vmem>>
    %dma_wait3A_434 = arith.constant 0 : i32
    %dma_wait3A_435 = arith.constant 0 : i32
    %dma_wait3A_436 = arith.constant 0 : i32
    %dma_wait3A_437 = tpu.memref_slice %arg3[%dma_wait3A_434, %add3A, %dma_wait3A_426, %dma_wait3A_435, %dma_wait3A_436] : memref<2x32x125x1x80xi32, #tpu.memory_space<hbm>> -> memref<2x1x1x1x80xi32, #tpu.memory_space<hbm>>
    %dma_wait3A_438 = tpu.memref_squeeze %dma_wait3A_437 : memref<2x1x1x1x80xi32, #tpu.memory_space<hbm>> -> memref<2x1x80xi32, #tpu.memory_space<hbm>>
    %dma_wait3A_439 = tpu.memref_slice %arg8[%dma_wait3A_428] : memref<4x!tpu.dma_semaphore, #tpu.memory_space<semaphore_mem>> -> memref<1x!tpu.dma_semaphore, #tpu.memory_space<semaphore_mem>>
    %dma_wait3A_440 = tpu.memref_squeeze %dma_wait3A_439 : memref<1x!tpu.dma_semaphore, #tpu.memory_space<semaphore_mem>> -> memref<!tpu.dma_semaphore, #tpu.memory_space<semaphore_mem>>
    %dma_wait3A_441 = arith.constant 0 : i32
    %dma_wait3A_442 = arith.constant 0 : i32
    %dma_wait3A_443 = arith.constant 0 : i32
    %dma_wait3A_444 = tpu.memref_slice %arg5[%dma_wait3A_427, %dma_wait3A_441, %dma_wait3A_442, %dma_wait3A_443] : memref<4x2x1x80xi32, #tpu.memory_space<vmem>> -> memref<1x2x1x80xi32, #tpu.memory_space<vmem>>
    %dma_wait3A_445 = tpu.memref_squeeze %dma_wait3A_444 : memref<1x2x1x80xi32, #tpu.memory_space<vmem>> -> memref<2x1x80xi32, #tpu.memory_space<vmem>>
    %dma_wait3A_446 = arith.constant 0 : i32
    %dma_wait3A_447 = arith.constant 0 : i32
    %dma_wait3A_448 = arith.constant 0 : i32
    %dma_wait3A_449 = tpu.memref_slice %arg3[%dma_wait3A_446, %add3A, %dma_wait3A_426, %dma_wait3A_447, %dma_wait3A_448] : memref<2x32x125x1x80xi32, #tpu.memory_space<hbm>> -> memref<2x1x1x1x80xi32, #tpu.memory_space<hbm>>
    %dma_wait3A_450 = tpu.memref_squeeze %dma_wait3A_449 : memref<2x1x1x1x80xi32, #tpu.memory_space<hbm>> -> memref<2x1x80xi32, #tpu.memory_space<hbm>>
    tpu.wait_dma2 semaphore(%dma_wait3A_440 : memref<!tpu.dma_semaphore, #tpu.memory_space<semaphore_mem>>) src(%dma_wait3A_450 : memref<2x1x80xi32, #tpu.memory_space<hbm>>) dst(%dma_wait3A_445 : memref<2x1x80xi32, #tpu.memory_space<vmem>>)
    %dma_start3A_451 = arith.constant 0 : i32
    %dma_start3A_452 = arith.constant 0 : i32
    %dma_start3A_453 = arith.constant 0 : i32
    %dma_start3A_454 = arith.constant 0 : i32
    %dma_start3A_455 = arith.constant 0 : i32
    %dma_start3A_456 = arith.constant 0 : i32
    %dma_start3A_457 = arith.constant 0 : i32
    %dma_start3A_458 = tpu.memref_slice %arg6[%dma_start3A_454, %dma_start3A_456, %dma_start3A_457] : memref<4x80x128xf32, #tpu.memory_space<vmem>> -> memref<1x80x128xf32, #tpu.memory_space<vmem>>
    %dma_start3A_459 = tpu.memref_squeeze %dma_start3A_458 : memref<1x80x128xf32, #tpu.memory_space<vmem>> -> memref<80x128xf32, #tpu.memory_space<vmem>>
    %dma_start3A_460 = arith.constant 0 : i32
    %dma_start3A_461 = tpu.memref_slice %arg5[%dma_start3A_451, %dma_start3A_452, %dma_start3A_453, %dma_start3A_460] : memref<4x2x1x80xi32, #tpu.memory_space<vmem>> -> memref<1x1x1x80xi32, #tpu.memory_space<vmem>>
    %dma_start3A_462 = tpu.memref_squeeze %dma_start3A_461 : memref<1x1x1x80xi32, #tpu.memory_space<vmem>> -> memref<80xi32, #tpu.memory_space<vmem>>
    %dma_start3A_463 = arith.constant 0 : i32
    %dma_start3A_464 = arith.constant 0 : i32
    %dma_start3A_465 = tpu.memref_slice %arg2[%dma_start3A_463, %dma_start3A_464] : memref<10000x128xf32, #tpu.memory_space<hbm>> -> memref<10000x128xf32, #tpu.memory_space<hbm>>
    %dma_start3A_466 = tpu.memref_slice %arg9[%dma_start3A_455] : memref<4x!tpu.dma_semaphore, #tpu.memory_space<semaphore_mem>> -> memref<1x!tpu.dma_semaphore, #tpu.memory_space<semaphore_mem>>
    %dma_start3A_467 = tpu.memref_squeeze %dma_start3A_466 : memref<1x!tpu.dma_semaphore, #tpu.memory_space<semaphore_mem>> -> memref<!tpu.dma_semaphore, #tpu.memory_space<semaphore_mem>>
    tpu.enqueue_indirect_dma source(%dma_start3A_465 : memref<10000x128xf32, #tpu.memory_space<hbm>>) target(%dma_start3A_459 : memref<80x128xf32, #tpu.memory_space<vmem>>) offsets(%dma_start3A_462 : memref<80xi32, #tpu.memory_space<vmem>>) semaphore(%dma_start3A_467 : memref<!tpu.dma_semaphore, #tpu.memory_space<semaphore_mem>>)
    %dma_wait3A_468 = arith.constant 1 : i32
    %dma_wait3A_469 = arith.constant 1 : i32
    %dma_wait3A_470 = arith.constant 1 : i32
    %dma_wait3A_471 = arith.constant 0 : i32
    %dma_wait3A_472 = arith.constant 0 : i32
    %dma_wait3A_473 = arith.constant 0 : i32
    %dma_wait3A_474 = tpu.memref_slice %arg5[%dma_wait3A_469, %dma_wait3A_471, %dma_wait3A_472, %dma_wait3A_473] : memref<4x2x1x80xi32, #tpu.memory_space<vmem>> -> memref<1x2x1x80xi32, #tpu.memory_space<vmem>>
    %dma_wait3A_475 = tpu.memref_squeeze %dma_wait3A_474 : memref<1x2x1x80xi32, #tpu.memory_space<vmem>> -> memref<2x1x80xi32, #tpu.memory_space<vmem>>
    %dma_wait3A_476 = arith.constant 0 : i32
    %dma_wait3A_477 = arith.constant 0 : i32
    %dma_wait3A_478 = arith.constant 0 : i32
    %dma_wait3A_479 = tpu.memref_slice %arg3[%dma_wait3A_476, %add3A, %dma_wait3A_468, %dma_wait3A_477, %dma_wait3A_478] : memref<2x32x125x1x80xi32, #tpu.memory_space<hbm>> -> memref<2x1x1x1x80xi32, #tpu.memory_space<hbm>>
    %dma_wait3A_480 = tpu.memref_squeeze %dma_wait3A_479 : memref<2x1x1x1x80xi32, #tpu.memory_space<hbm>> -> memref<2x1x80xi32, #tpu.memory_space<hbm>>
    %dma_wait3A_481 = tpu.memref_slice %arg8[%dma_wait3A_470] : memref<4x!tpu.dma_semaphore, #tpu.memory_space<semaphore_mem>> -> memref<1x!tpu.dma_semaphore, #tpu.memory_space<semaphore_mem>>
    %dma_wait3A_482 = tpu.memref_squeeze %dma_wait3A_481 : memref<1x!tpu.dma_semaphore, #tpu.memory_space<semaphore_mem>> -> memref<!tpu.dma_semaphore, #tpu.memory_space<semaphore_mem>>
    %dma_wait3A_483 = arith.constant 0 : i32
    %dma_wait3A_484 = arith.constant 0 : i32
    %dma_wait3A_485 = arith.constant 0 : i32
    %dma_wait3A_486 = tpu.memref_slice %arg5[%dma_wait3A_469, %dma_wait3A_483, %dma_wait3A_484, %dma_wait3A_485] : memref<4x2x1x80xi32, #tpu.memory_space<vmem>> -> memref<1x2x1x80xi32, #tpu.memory_space<vmem>>
    %dma_wait3A_487 = tpu.memref_squeeze %dma_wait3A_486 : memref<1x2x1x80xi32, #tpu.memory_space<vmem>> -> memref<2x1x80xi32, #tpu.memory_space<vmem>>
    %dma_wait3A_488 = arith.constant 0 : i32
    %dma_wait3A_489 = arith.constant 0 : i32
    %dma_wait3A_490 = arith.constant 0 : i32
    %dma_wait3A_491 = tpu.memref_slice %arg3[%dma_wait3A_488, %add3A, %dma_wait3A_468, %dma_wait3A_489, %dma_wait3A_490] : memref<2x32x125x1x80xi32, #tpu.memory_space<hbm>> -> memref<2x1x1x1x80xi32, #tpu.memory_space<hbm>>
    %dma_wait3A_492 = tpu.memref_squeeze %dma_wait3A_491 : memref<2x1x1x1x80xi32, #tpu.memory_space<hbm>> -> memref<2x1x80xi32, #tpu.memory_space<hbm>>
    tpu.wait_dma2 semaphore(%dma_wait3A_482 : memref<!tpu.dma_semaphore, #tpu.memory_space<semaphore_mem>>) src(%dma_wait3A_492 : memref<2x1x80xi32, #tpu.memory_space<hbm>>) dst(%dma_wait3A_487 : memref<2x1x80xi32, #tpu.memory_space<vmem>>)
    %dma_start3A_493 = arith.constant 1 : i32
    %dma_start3A_494 = arith.constant 0 : i32
    %dma_start3A_495 = arith.constant 0 : i32
    %dma_start3A_496 = arith.constant 1 : i32
    %dma_start3A_497 = arith.constant 1 : i32
    %dma_start3A_498 = arith.constant 0 : i32
    %dma_start3A_499 = arith.constant 0 : i32
    %dma_start3A_500 = tpu.memref_slice %arg6[%dma_start3A_496, %dma_start3A_498, %dma_start3A_499] : memref<4x80x128xf32, #tpu.memory_space<vmem>> -> memref<1x80x128xf32, #tpu.memory_space<vmem>>
    %dma_start3A_501 = tpu.memref_squeeze %dma_start3A_500 : memref<1x80x128xf32, #tpu.memory_space<vmem>> -> memref<80x128xf32, #tpu.memory_space<vmem>>
    %dma_start3A_502 = arith.constant 0 : i32
    %dma_start3A_503 = tpu.memref_slice %arg5[%dma_start3A_493, %dma_start3A_494, %dma_start3A_495, %dma_start3A_502] : memref<4x2x1x80xi32, #tpu.memory_space<vmem>> -> memref<1x1x1x80xi32, #tpu.memory_space<vmem>>
    %dma_start3A_504 = tpu.memref_squeeze %dma_start3A_503 : memref<1x1x1x80xi32, #tpu.memory_space<vmem>> -> memref<80xi32, #tpu.memory_space<vmem>>
    %dma_start3A_505 = arith.constant 0 : i32
    %dma_start3A_506 = arith.constant 0 : i32
    %dma_start3A_507 = tpu.memref_slice %arg2[%dma_start3A_505, %dma_start3A_506] : memref<10000x128xf32, #tpu.memory_space<hbm>> -> memref<10000x128xf32, #tpu.memory_space<hbm>>
    %dma_start3A_508 = tpu.memref_slice %arg9[%dma_start3A_497] : memref<4x!tpu.dma_semaphore, #tpu.memory_space<semaphore_mem>> -> memref<1x!tpu.dma_semaphore, #tpu.memory_space<semaphore_mem>>
    %dma_start3A_509 = tpu.memref_squeeze %dma_start3A_508 : memref<1x!tpu.dma_semaphore, #tpu.memory_space<semaphore_mem>> -> memref<!tpu.dma_semaphore, #tpu.memory_space<semaphore_mem>>
    tpu.enqueue_indirect_dma source(%dma_start3A_507 : memref<10000x128xf32, #tpu.memory_space<hbm>>) target(%dma_start3A_501 : memref<80x128xf32, #tpu.memory_space<vmem>>) offsets(%dma_start3A_504 : memref<80xi32, #tpu.memory_space<vmem>>) semaphore(%dma_start3A_509 : memref<!tpu.dma_semaphore, #tpu.memory_space<semaphore_mem>>)
    %dma_wait3A_510 = arith.constant 2 : i32
    %dma_wait3A_511 = arith.constant 2 : i32
    %dma_wait3A_512 = arith.constant 2 : i32
    %dma_wait3A_513 = arith.constant 0 : i32
    %dma_wait3A_514 = arith.constant 0 : i32
    %dma_wait3A_515 = arith.constant 0 : i32
    %dma_wait3A_516 = tpu.memref_slice %arg5[%dma_wait3A_511, %dma_wait3A_513, %dma_wait3A_514, %dma_wait3A_515] : memref<4x2x1x80xi32, #tpu.memory_space<vmem>> -> memref<1x2x1x80xi32, #tpu.memory_space<vmem>>
    %dma_wait3A_517 = tpu.memref_squeeze %dma_wait3A_516 : memref<1x2x1x80xi32, #tpu.memory_space<vmem>> -> memref<2x1x80xi32, #tpu.memory_space<vmem>>
    %dma_wait3A_518 = arith.constant 0 : i32
    %dma_wait3A_519 = arith.constant 0 : i32
    %dma_wait3A_520 = arith.constant 0 : i32
    %dma_wait3A_521 = tpu.memref_slice %arg3[%dma_wait3A_518, %add3A, %dma_wait3A_510, %dma_wait3A_519, %dma_wait3A_520] : memref<2x32x125x1x80xi32, #tpu.memory_space<hbm>> -> memref<2x1x1x1x80xi32, #tpu.memory_space<hbm>>
    %dma_wait3A_522 = tpu.memref_squeeze %dma_wait3A_521 : memref<2x1x1x1x80xi32, #tpu.memory_space<hbm>> -> memref<2x1x80xi32, #tpu.memory_space<hbm>>
    %dma_wait3A_523 = tpu.memref_slice %arg8[%dma_wait3A_512] : memref<4x!tpu.dma_semaphore, #tpu.memory_space<semaphore_mem>> -> memref<1x!tpu.dma_semaphore, #tpu.memory_space<semaphore_mem>>
    %dma_wait3A_524 = tpu.memref_squeeze %dma_wait3A_523 : memref<1x!tpu.dma_semaphore, #tpu.memory_space<semaphore_mem>> -> memref<!tpu.dma_semaphore, #tpu.memory_space<semaphore_mem>>
    %dma_wait3A_525 = arith.constant 0 : i32
    %dma_wait3A_526 = arith.constant 0 : i32
    %dma_wait3A_527 = arith.constant 0 : i32
    %dma_wait3A_528 = tpu.memref_slice %arg5[%dma_wait3A_511, %dma_wait3A_525, %dma_wait3A_526, %dma_wait3A_527] : memref<4x2x1x80xi32, #tpu.memory_space<vmem>> -> memref<1x2x1x80xi32, #tpu.memory_space<vmem>>
    %dma_wait3A_529 = tpu.memref_squeeze %dma_wait3A_528 : memref<1x2x1x80xi32, #tpu.memory_space<vmem>> -> memref<2x1x80xi32, #tpu.memory_space<vmem>>
    %dma_wait3A_530 = arith.constant 0 : i32
    %dma_wait3A_531 = arith.constant 0 : i32
    %dma_wait3A_532 = arith.constant 0 : i32
    %dma_wait3A_533 = tpu.memref_slice %arg3[%dma_wait3A_530, %add3A, %dma_wait3A_510, %dma_wait3A_531, %dma_wait3A_532] : memref<2x32x125x1x80xi32, #tpu.memory_space<hbm>> -> memref<2x1x1x1x80xi32, #tpu.memory_space<hbm>>
    %dma_wait3A_534 = tpu.memref_squeeze %dma_wait3A_533 : memref<2x1x1x1x80xi32, #tpu.memory_space<hbm>> -> memref<2x1x80xi32, #tpu.memory_space<hbm>>
    tpu.wait_dma2 semaphore(%dma_wait3A_524 : memref<!tpu.dma_semaphore, #tpu.memory_space<semaphore_mem>>) src(%dma_wait3A_534 : memref<2x1x80xi32, #tpu.memory_space<hbm>>) dst(%dma_wait3A_529 : memref<2x1x80xi32, #tpu.memory_space<vmem>>)
    %dma_start3A_535 = arith.constant 2 : i32
    %dma_start3A_536 = arith.constant 0 : i32
    %dma_start3A_537 = arith.constant 0 : i32
    %dma_start3A_538 = arith.constant 2 : i32
    %dma_start3A_539 = arith.constant 2 : i32
    %dma_start3A_540 = arith.constant 0 : i32
    %dma_start3A_541 = arith.constant 0 : i32
    %dma_start3A_542 = tpu.memref_slice %arg6[%dma_start3A_538, %dma_start3A_540, %dma_start3A_541] : memref<4x80x128xf32, #tpu.memory_space<vmem>> -> memref<1x80x128xf32, #tpu.memory_space<vmem>>
    %dma_start3A_543 = tpu.memref_squeeze %dma_start3A_542 : memref<1x80x128xf32, #tpu.memory_space<vmem>> -> memref<80x128xf32, #tpu.memory_space<vmem>>
    %dma_start3A_544 = arith.constant 0 : i32
    %dma_start3A_545 = tpu.memref_slice %arg5[%dma_start3A_535, %dma_start3A_536, %dma_start3A_537, %dma_start3A_544] : memref<4x2x1x80xi32, #tpu.memory_space<vmem>> -> memref<1x1x1x80xi32, #tpu.memory_space<vmem>>
    %dma_start3A_546 = tpu.memref_squeeze %dma_start3A_545 : memref<1x1x1x80xi32, #tpu.memory_space<vmem>> -> memref<80xi32, #tpu.memory_space<vmem>>
    %dma_start3A_547 = arith.constant 0 : i32
    %dma_start3A_548 = arith.constant 0 : i32
    %dma_start3A_549 = tpu.memref_slice %arg2[%dma_start3A_547, %dma_start3A_548] : memref<10000x128xf32, #tpu.memory_space<hbm>> -> memref<10000x128xf32, #tpu.memory_space<hbm>>
    %dma_start3A_550 = tpu.memref_slice %arg9[%dma_start3A_539] : memref<4x!tpu.dma_semaphore, #tpu.memory_space<semaphore_mem>> -> memref<1x!tpu.dma_semaphore, #tpu.memory_space<semaphore_mem>>
    %dma_start3A_551 = tpu.memref_squeeze %dma_start3A_550 : memref<1x!tpu.dma_semaphore, #tpu.memory_space<semaphore_mem>> -> memref<!tpu.dma_semaphore, #tpu.memory_space<semaphore_mem>>
    tpu.enqueue_indirect_dma source(%dma_start3A_549 : memref<10000x128xf32, #tpu.memory_space<hbm>>) target(%dma_start3A_543 : memref<80x128xf32, #tpu.memory_space<vmem>>) offsets(%dma_start3A_546 : memref<80xi32, #tpu.memory_space<vmem>>) semaphore(%dma_start3A_551 : memref<!tpu.dma_semaphore, #tpu.memory_space<semaphore_mem>>)
    %scan3A_552 = arith.constant 0 : i32
    %scan3A_553 = arith.constant 0 : i32
    %scan3A_554 = arith.constant 125 : i32
    %scan3A_555 = arith.addi %scan3A_553, %scan3A_554 : i32
    %scan3A_556 = arith.constant 1 : i32
    %scan3A_557 = scf.for %scan3A_562 = %scan3A_553 to %scan3A_555 step %scan3A_556 iter_args(%scan3A_563 = %scan3A_552) -> (i32)  : i32 {
      %rem3A = arith.constant 4 : i32
      %rem3A_564 = arith.remsi %scan3A_562, %rem3A : i32
      %dma_wait3A_565 = arith.constant 0 : i32
      %dma_wait3A_566 = arith.constant 0 : i32
      %dma_wait3A_567 = arith.constant 0 : i32
      %dma_wait3A_568 = arith.constant 0 : i32
      %dma_wait3A_569 = tpu.memref_slice %arg6[%rem3A_564, %dma_wait3A_567, %dma_wait3A_568] : memref<4x80x128xf32, #tpu.memory_space<vmem>> -> memref<1x80x128xf32, #tpu.memory_space<vmem>>
      %dma_wait3A_570 = tpu.memref_squeeze %dma_wait3A_569 : memref<1x80x128xf32, #tpu.memory_space<vmem>> -> memref<80x128xf32, #tpu.memory_space<vmem>>
      %dma_wait3A_571 = arith.constant 0 : i32
      %dma_wait3A_572 = tpu.memref_slice %arg5[%rem3A_564, %dma_wait3A_565, %dma_wait3A_566, %dma_wait3A_571] : memref<4x2x1x80xi32, #tpu.memory_space<vmem>> -> memref<1x1x1x80xi32, #tpu.memory_space<vmem>>
      %dma_wait3A_573 = tpu.memref_squeeze %dma_wait3A_572 : memref<1x1x1x80xi32, #tpu.memory_space<vmem>> -> memref<80xi32, #tpu.memory_space<vmem>>
      %dma_wait3A_574 = arith.constant 0 : i32
      %dma_wait3A_575 = arith.constant 0 : i32
      %dma_wait3A_576 = tpu.memref_slice %arg2[%dma_wait3A_574, %dma_wait3A_575] : memref<10000x128xf32, #tpu.memory_space<hbm>> -> memref<10000x128xf32, #tpu.memory_space<hbm>>
      %dma_wait3A_577 = tpu.memref_slice %arg9[%rem3A_564] : memref<4x!tpu.dma_semaphore, #tpu.memory_space<semaphore_mem>> -> memref<1x!tpu.dma_semaphore, #tpu.memory_space<semaphore_mem>>
      %dma_wait3A_578 = tpu.memref_squeeze %dma_wait3A_577 : memref<1x!tpu.dma_semaphore, #tpu.memory_space<semaphore_mem>> -> memref<!tpu.dma_semaphore, #tpu.memory_space<semaphore_mem>>
      tpu.wait_indirect_dma semaphore(%dma_wait3A_578 : memref<!tpu.dma_semaphore, #tpu.memory_space<semaphore_mem>>) src(%dma_wait3A_576 : memref<10000x128xf32, #tpu.memory_space<hbm>>) dst(%dma_wait3A_570 : memref<80x128xf32, #tpu.memory_space<vmem>>)
      %run_scoped3A = arith.constant 1 : i32
      %run_scoped3A_579 = arith.constant 0 : i32
      "tpu.region"() ({
        %run_scoped3A_592 = tpu.sem_alloc : memref<!tpu.dma_semaphore, #tpu.memory_space<semaphore_mem>>
        %dma_start3A_593 = arith.constant 0 : i32
        %dma_start3A_594 = arith.constant 0 : i32
        %dma_start3A_595 = tpu.memref_slice %arg6[%rem3A_564, %dma_start3A_593, %dma_start3A_594] : memref<4x80x128xf32, #tpu.memory_space<vmem>> -> memref<1x80x128xf32, #tpu.memory_space<vmem>>
        %dma_start3A_596 = tpu.memref_squeeze %dma_start3A_595 : memref<1x80x128xf32, #tpu.memory_space<vmem>> -> memref<80x128xf32, #tpu.memory_space<vmem>>
        %dma_start3A_597 = arith.constant 0 : i32
        %dma_start3A_598 = tpu.memref_slice %arg5[%rem3A_564, %run_scoped3A, %run_scoped3A_579, %dma_start3A_597] : memref<4x2x1x80xi32, #tpu.memory_space<vmem>> -> memref<1x1x1x80xi32, #tpu.memory_space<vmem>>
        %dma_start3A_599 = tpu.memref_squeeze %dma_start3A_598 : memref<1x1x1x80xi32, #tpu.memory_space<vmem>> -> memref<80xi32, #tpu.memory_space<vmem>>
        %dma_start3A_600 = arith.constant 0 : i32
        %dma_start3A_601 = arith.constant 0 : i32
        %dma_start3A_602 = tpu.memref_slice %arg7[%dma_start3A_600, %dma_start3A_601] : memref<10240x128xf32, #tpu.memory_space<vmem_shared>> -> memref<10240x128xf32, #tpu.memory_space<vmem_shared>>
        tpu.enqueue_indirect_dma source(%dma_start3A_596 : memref<80x128xf32, #tpu.memory_space<vmem>>) target(%dma_start3A_602 : memref<10240x128xf32, #tpu.memory_space<vmem_shared>>) offsets(%dma_start3A_599 : memref<80xi32, #tpu.memory_space<vmem>>) semaphore(%run_scoped3A_592 : memref<!tpu.dma_semaphore, #tpu.memory_space<semaphore_mem>>) {add = true}
        %dma_wait3A_603 = arith.constant 0 : i32
        %dma_wait3A_604 = arith.constant 0 : i32
        %dma_wait3A_605 = tpu.memref_slice %arg6[%rem3A_564, %dma_wait3A_603, %dma_wait3A_604] : memref<4x80x128xf32, #tpu.memory_space<vmem>> -> memref<1x80x128xf32, #tpu.memory_space<vmem>>
        %dma_wait3A_606 = tpu.memref_squeeze %dma_wait3A_605 : memref<1x80x128xf32, #tpu.memory_space<vmem>> -> memref<80x128xf32, #tpu.memory_space<vmem>>
        %dma_wait3A_607 = arith.constant 0 : i32
        %dma_wait3A_608 = tpu.memref_slice %arg5[%rem3A_564, %run_scoped3A, %run_scoped3A_579, %dma_wait3A_607] : memref<4x2x1x80xi32, #tpu.memory_space<vmem>> -> memref<1x1x1x80xi32, #tpu.memory_space<vmem>>
        %dma_wait3A_609 = tpu.memref_squeeze %dma_wait3A_608 : memref<1x1x1x80xi32, #tpu.memory_space<vmem>> -> memref<80xi32, #tpu.memory_space<vmem>>
        %dma_wait3A_610 = arith.constant 0 : i32
        %dma_wait3A_611 = arith.constant 0 : i32
        %dma_wait3A_612 = tpu.memref_slice %arg7[%dma_wait3A_610, %dma_wait3A_611] : memref<10240x128xf32, #tpu.memory_space<vmem_shared>> -> memref<10240x128xf32, #tpu.memory_space<vmem_shared>>
        tpu.wait_indirect_dma semaphore(%run_scoped3A_592 : memref<!tpu.dma_semaphore, #tpu.memory_space<semaphore_mem>>) src(%dma_wait3A_606 : memref<80x128xf32, #tpu.memory_space<vmem>>) dst(%dma_wait3A_612 : memref<10240x128xf32, #tpu.memory_space<vmem_shared>>)
        tpu.yield
      }) : () -> ()
      %add3A_580 = arith.constant 4 : i32
      %add3A_581 = arith.addi %scan3A_562, %add3A_580 : i32
      %lt3A = arith.constant 125 : i32
      %lt3A_582 = arith.cmpi slt, %add3A_581, %lt3A : i32
      %convert_element_type3A = arith.extui %lt3A_582 : i1 to i32
      %cond3A = arith.constant 0 : i32
      %cond3A_583 = arith.cmpi ne, %convert_element_type3A, %cond3A : i32
      scf.if %cond3A_583 {
        %add3A_592 = arith.constant 4 : i32
        %add3A_593 = arith.addi %scan3A_562, %add3A_592 : i32
        %dma_start3A_594 = arith.constant 0 : i32
        %dma_start3A_595 = arith.constant 0 : i32
        %dma_start3A_596 = arith.constant 0 : i32
        %dma_start3A_597 = tpu.memref_slice %arg5[%rem3A_564, %dma_start3A_594, %dma_start3A_595, %dma_start3A_596] : memref<4x2x1x80xi32, #tpu.memory_space<vmem>> -> memref<1x2x1x80xi32, #tpu.memory_space<vmem>>
        %dma_start3A_598 = tpu.memref_squeeze %dma_start3A_597 : memref<1x2x1x80xi32, #tpu.memory_space<vmem>> -> memref<2x1x80xi32, #tpu.memory_space<vmem>>
        %dma_start3A_599 = arith.constant 0 : i32
        %dma_start3A_600 = arith.constant 0 : i32
        %dma_start3A_601 = arith.constant 0 : i32
        %dma_start3A_602 = tpu.memref_slice %arg3[%dma_start3A_599, %add3A, %add3A_593, %dma_start3A_600, %dma_start3A_601] : memref<2x32x125x1x80xi32, #tpu.memory_space<hbm>> -> memref<2x1x1x1x80xi32, #tpu.memory_space<hbm>>
        %dma_start3A_603 = tpu.memref_squeeze %dma_start3A_602 : memref<2x1x1x1x80xi32, #tpu.memory_space<hbm>> -> memref<2x1x80xi32, #tpu.memory_space<hbm>>
        %dma_start3A_604 = tpu.memref_slice %arg8[%rem3A_564] : memref<4x!tpu.dma_semaphore, #tpu.memory_space<semaphore_mem>> -> memref<1x!tpu.dma_semaphore, #tpu.memory_space<semaphore_mem>>
        %dma_start3A_605 = tpu.memref_squeeze %dma_start3A_604 : memref<1x!tpu.dma_semaphore, #tpu.memory_space<semaphore_mem>> -> memref<!tpu.dma_semaphore, #tpu.memory_space<semaphore_mem>>
        %dma_start3A_606 = arith.constant 0 : i32
        %dma_start3A_607 = arith.constant 0 : i32
        %dma_start3A_608 = arith.constant 0 : i32
        %dma_start3A_609 = tpu.memref_slice %arg5[%rem3A_564, %dma_start3A_606, %dma_start3A_607, %dma_start3A_608] : memref<4x2x1x80xi32, #tpu.memory_space<vmem>> -> memref<1x2x1x80xi32, #tpu.memory_space<vmem>>
        %dma_start3A_610 = tpu.memref_squeeze %dma_start3A_609 : memref<1x2x1x80xi32, #tpu.memory_space<vmem>> -> memref<2x1x80xi32, #tpu.memory_space<vmem>>
        %dma_start3A_611 = arith.constant 0 : i32
        %dma_start3A_612 = arith.constant 0 : i32
        %dma_start3A_613 = arith.constant 0 : i32
        %dma_start3A_614 = tpu.memref_slice %arg3[%dma_start3A_611, %add3A, %add3A_593, %dma_start3A_612, %dma_start3A_613] : memref<2x32x125x1x80xi32, #tpu.memory_space<hbm>> -> memref<2x1x1x1x80xi32, #tpu.memory_space<hbm>>
        %dma_start3A_615 = tpu.memref_squeeze %dma_start3A_614 : memref<2x1x1x1x80xi32, #tpu.memory_space<hbm>> -> memref<2x1x80xi32, #tpu.memory_space<hbm>>
        tpu.enqueue_dma source(%dma_start3A_615 : memref<2x1x80xi32, #tpu.memory_space<hbm>>) target(%dma_start3A_610 : memref<2x1x80xi32, #tpu.memory_space<vmem>>) target_semaphore(%dma_start3A_605 : memref<!tpu.dma_semaphore, #tpu.memory_space<semaphore_mem>>)
      } else {
      }
      %add3A_584 = arith.constant 3 : i32
      %add3A_585 = arith.addi %scan3A_562, %add3A_584 : i32
      %lt3A_586 = arith.constant 125 : i32
      %lt3A_587 = arith.cmpi slt, %add3A_585, %lt3A_586 : i32
      %convert_element_type3A_588 = arith.extui %lt3A_587 : i1 to i32
      %cond3A_589 = arith.constant 0 : i32
      %cond3A_590 = arith.cmpi ne, %convert_element_type3A_588, %cond3A_589 : i32
      scf.if %cond3A_590 {
        %add3A_592 = arith.constant 3 : i32
        %add3A_593 = arith.addi %scan3A_562, %add3A_592 : i32
        %rem3A_594 = arith.constant 4 : i32
        %rem3A_595 = arith.remsi %add3A_593, %rem3A_594 : i32
        %add3A_596 = arith.constant 3 : i32
        %add3A_597 = arith.addi %scan3A_562, %add3A_596 : i32
        %dma_wait3A_598 = arith.constant 0 : i32
        %dma_wait3A_599 = arith.constant 0 : i32
        %dma_wait3A_600 = arith.constant 0 : i32
        %dma_wait3A_601 = tpu.memref_slice %arg5[%rem3A_595, %dma_wait3A_598, %dma_wait3A_599, %dma_wait3A_600] : memref<4x2x1x80xi32, #tpu.memory_space<vmem>> -> memref<1x2x1x80xi32, #tpu.memory_space<vmem>>
        %dma_wait3A_602 = tpu.memref_squeeze %dma_wait3A_601 : memref<1x2x1x80xi32, #tpu.memory_space<vmem>> -> memref<2x1x80xi32, #tpu.memory_space<vmem>>
        %dma_wait3A_603 = arith.constant 0 : i32
        %dma_wait3A_604 = arith.constant 0 : i32
        %dma_wait3A_605 = arith.constant 0 : i32
        %dma_wait3A_606 = tpu.memref_slice %arg3[%dma_wait3A_603, %add3A, %add3A_597, %dma_wait3A_604, %dma_wait3A_605] : memref<2x32x125x1x80xi32, #tpu.memory_space<hbm>> -> memref<2x1x1x1x80xi32, #tpu.memory_space<hbm>>
        %dma_wait3A_607 = tpu.memref_squeeze %dma_wait3A_606 : memref<2x1x1x1x80xi32, #tpu.memory_space<hbm>> -> memref<2x1x80xi32, #tpu.memory_space<hbm>>
        %dma_wait3A_608 = tpu.memref_slice %arg8[%rem3A_595] : memref<4x!tpu.dma_semaphore, #tpu.memory_space<semaphore_mem>> -> memref<1x!tpu.dma_semaphore, #tpu.memory_space<semaphore_mem>>
        %dma_wait3A_609 = tpu.memref_squeeze %dma_wait3A_608 : memref<1x!tpu.dma_semaphore, #tpu.memory_space<semaphore_mem>> -> memref<!tpu.dma_semaphore, #tpu.memory_space<semaphore_mem>>
        %dma_wait3A_610 = arith.constant 0 : i32
        %dma_wait3A_611 = arith.constant 0 : i32
        %dma_wait3A_612 = arith.constant 0 : i32
        %dma_wait3A_613 = tpu.memref_slice %arg5[%rem3A_595, %dma_wait3A_610, %dma_wait3A_611, %dma_wait3A_612] : memref<4x2x1x80xi32, #tpu.memory_space<vmem>> -> memref<1x2x1x80xi32, #tpu.memory_space<vmem>>
        %dma_wait3A_614 = tpu.memref_squeeze %dma_wait3A_613 : memref<1x2x1x80xi32, #tpu.memory_space<vmem>> -> memref<2x1x80xi32, #tpu.memory_space<vmem>>
        %dma_wait3A_615 = arith.constant 0 : i32
        %dma_wait3A_616 = arith.constant 0 : i32
        %dma_wait3A_617 = arith.constant 0 : i32
        %dma_wait3A_618 = tpu.memref_slice %arg3[%dma_wait3A_615, %add3A, %add3A_597, %dma_wait3A_616, %dma_wait3A_617] : memref<2x32x125x1x80xi32, #tpu.memory_space<hbm>> -> memref<2x1x1x1x80xi32, #tpu.memory_space<hbm>>
        %dma_wait3A_619 = tpu.memref_squeeze %dma_wait3A_618 : memref<2x1x1x1x80xi32, #tpu.memory_space<hbm>> -> memref<2x1x80xi32, #tpu.memory_space<hbm>>
        tpu.wait_dma2 semaphore(%dma_wait3A_609 : memref<!tpu.dma_semaphore, #tpu.memory_space<semaphore_mem>>) src(%dma_wait3A_619 : memref<2x1x80xi32, #tpu.memory_space<hbm>>) dst(%dma_wait3A_614 : memref<2x1x80xi32, #tpu.memory_space<vmem>>)
        %add3A_620 = arith.constant 3 : i32
        %add3A_621 = arith.addi %scan3A_562, %add3A_620 : i32
        %dma_start3A_622 = arith.constant 0 : i32
        %dma_start3A_623 = arith.constant 0 : i32
        %dma_start3A_624 = arith.constant 0 : i32
        %dma_start3A_625 = arith.constant 0 : i32
        %dma_start3A_626 = tpu.memref_slice %arg6[%rem3A_595, %dma_start3A_624, %dma_start3A_625] : memref<4x80x128xf32, #tpu.memory_space<vmem>> -> memref<1x80x128xf32, #tpu.memory_space<vmem>>
        %dma_start3A_627 = tpu.memref_squeeze %dma_start3A_626 : memref<1x80x128xf32, #tpu.memory_space<vmem>> -> memref<80x128xf32, #tpu.memory_space<vmem>>
        %dma_start3A_628 = arith.constant 0 : i32
        %dma_start3A_629 = tpu.memref_slice %arg5[%rem3A_595, %dma_start3A_622, %dma_start3A_623, %dma_start3A_628] : memref<4x2x1x80xi32, #tpu.memory_space<vmem>> -> memref<1x1x1x80xi32, #tpu.memory_space<vmem>>
        %dma_start3A_630 = tpu.memref_squeeze %dma_start3A_629 : memref<1x1x1x80xi32, #tpu.memory_space<vmem>> -> memref<80xi32, #tpu.memory_space<vmem>>
        %dma_start3A_631 = arith.constant 0 : i32
        %dma_start3A_632 = arith.constant 0 : i32
        %dma_start3A_633 = tpu.memref_slice %arg2[%dma_start3A_631, %dma_start3A_632] : memref<10000x128xf32, #tpu.memory_space<hbm>> -> memref<10000x128xf32, #tpu.memory_space<hbm>>
        %dma_start3A_634 = tpu.memref_slice %arg9[%rem3A_595] : memref<4x!tpu.dma_semaphore, #tpu.memory_space<semaphore_mem>> -> memref<1x!tpu.dma_semaphore, #tpu.memory_space<semaphore_mem>>
        %dma_start3A_635 = tpu.memref_squeeze %dma_start3A_634 : memref<1x!tpu.dma_semaphore, #tpu.memory_space<semaphore_mem>> -> memref<!tpu.dma_semaphore, #tpu.memory_space<semaphore_mem>>
        tpu.enqueue_indirect_dma source(%dma_start3A_633 : memref<10000x128xf32, #tpu.memory_space<hbm>>) target(%dma_start3A_627 : memref<80x128xf32, #tpu.memory_space<vmem>>) offsets(%dma_start3A_630 : memref<80xi32, #tpu.memory_space<vmem>>) semaphore(%dma_start3A_635 : memref<!tpu.dma_semaphore, #tpu.memory_space<semaphore_mem>>)
      } else {
      }
      %scan3A_591 = arith.constant 0 : i32
      scf.yield %scan3A_591 : i32
    }
    %scan3A_558 = arith.constant 125 : i32
    %barrier3A_559 = arith.constant 0 : index
    tpu.barrier barrier_id(%barrier3A_559)
    %mul3A_560 = arith.constant 640 : i32
    %mul3A_561 = arith.muli %arg1, %mul3A_560 : i32
    "tpu.region"() ({
      %run_scoped3A = tpu.sem_alloc : memref<!tpu.dma_semaphore, #tpu.memory_space<semaphore_mem>>
      %dma_start3A_562 = arith.constant 0 : i32
      %dma_start3A_563 = arith.constant 0 : i32
      %dma_start3A_564 = tpu.memref_slice %arg4[%arg0, %arg1, %dma_start3A_562, %dma_start3A_563] : memref<2x16x640x128xf32, #tpu.memory_space<hbm>> -> memref<1x1x640x128xf32, #tpu.memory_space<hbm>>
      %dma_start3A_565 = tpu.memref_squeeze %dma_start3A_564 : memref<1x1x640x128xf32, #tpu.memory_space<hbm>> -> memref<640x128xf32, #tpu.memory_space<hbm>>
      %dma_start3A_566 = arith.constant 0 : i32
      %dma_start3A_567 = tpu.memref_slice %arg7[%mul3A_561, %dma_start3A_566] : memref<10240x128xf32, #tpu.memory_space<vmem_shared>> -> memref<640x128xf32, #tpu.memory_space<vmem_shared>>
      tpu.enqueue_dma source(%dma_start3A_567 : memref<640x128xf32, #tpu.memory_space<vmem_shared>>) target(%dma_start3A_565 : memref<640x128xf32, #tpu.memory_space<hbm>>) target_semaphore(%run_scoped3A : memref<!tpu.dma_semaphore, #tpu.memory_space<semaphore_mem>>)
      %dma_wait3A_568 = arith.constant 0 : i32
      %dma_wait3A_569 = arith.constant 0 : i32
      %dma_wait3A_570 = tpu.memref_slice %arg4[%arg0, %arg1, %dma_wait3A_568, %dma_wait3A_569] : memref<2x16x640x128xf32, #tpu.memory_space<hbm>> -> memref<1x1x640x128xf32, #tpu.memory_space<hbm>>
      %dma_wait3A_571 = tpu.memref_squeeze %dma_wait3A_570 : memref<1x1x640x128xf32, #tpu.memory_space<hbm>> -> memref<640x128xf32, #tpu.memory_space<hbm>>
      %dma_wait3A_572 = arith.constant 0 : i32
      %dma_wait3A_573 = tpu.memref_slice %arg7[%mul3A_561, %dma_wait3A_572] : memref<10240x128xf32, #tpu.memory_space<vmem_shared>> -> memref<640x128xf32, #tpu.memory_space<vmem_shared>>
      tpu.wait_dma2 semaphore(%run_scoped3A : memref<!tpu.dma_semaphore, #tpu.memory_space<semaphore_mem>>) src(%dma_wait3A_573 : memref<640x128xf32, #tpu.memory_space<vmem_shared>>) dst(%dma_wait3A_571 : memref<640x128xf32, #tpu.memory_space<hbm>>)
      tpu.yield
    }) : () -> ()
    return
  }
}

module attributes {stable_mosaic.version = 14 : i64} {
  func.func @_tc1_body(%arg0: i32, %arg1: memref<1000x1xf32, #tpu.memory_space<vmem>>, %arg2: memref<1000x128xf32, #tpu.memory_space<vmem>>, %arg3: memref<128x128xf32, #tpu.memory_space<vmem>>, %arg4: memref<1000x1xf32, #tpu.memory_space<vmem>>, %arg5: memref<1000x128xf32, #tpu.memory_space<vmem>>) attributes {dimension_semantics = [#tpu.dimension_semantics<arbitrary>], iteration_bounds = array<i64: 10>, scalar_prefetch = 0 : i64, scratch_operands = 0 : i64, tpu.core_type = #tpu.core_type<tc>, window_params = [{transform_indices = @transform_0, window_bounds = array<i64: 1000, 1>}, {transform_indices = @transform_1, window_bounds = array<i64: 1000, 128>}, {pipeline_mode = #tpu.pipeline_mode<synchronous>, transform_indices = @transform_2, window_bounds = array<i64: 128, 128>}, {transform_indices = @transform_3, window_bounds = array<i64: 1000, 1>}, {transform_indices = @transform_4, window_bounds = array<i64: 1000, 128>}]} {
    %get3A = arith.constant 0 : index
    %get3A_0 = arith.constant 0 : index
    %get3A_1 = vector.load %arg1[%get3A, %get3A_0] : memref<1000x1xf32, #tpu.memory_space<vmem>>, vector<1000x1xf32>
    %add3A = arith.constant 1.000000e+00 : f32
    %add3A_2 = vector.broadcast %add3A : f32 to vector<1000x1xf32>
    %add3A_3 = arith.addf %get3A_1, %add3A_2 : vector<1000x1xf32>
    %rsqrt3A = math.rsqrt %add3A_3 : vector<1000x1xf32>
    %get3A_4 = arith.constant 0 : index
    %get3A_5 = arith.constant 0 : index
    %get3A_6 = vector.load %arg2[%get3A_4, %get3A_5] : memref<1000x128xf32, #tpu.memory_space<vmem>>, vector<1000x128xf32>
    %get3A_7 = arith.constant 0 : index
    %get3A_8 = arith.constant 0 : index
    %get3A_9 = vector.load %arg3[%get3A_7, %get3A_8] : memref<128x128xf32, #tpu.memory_space<vmem>>, vector<128x128xf32>
    %dot_general3A = arith.constant dense<0.000000e+00> : vector<1000x128xf32>
    %dot_general3A_10 = tpu.matmul %get3A_6, %get3A_9, %dot_general3A {dimension_numbers = #tpu.dot_dimension_numbers<[1], [0], [0], [1], [0, 0, 1, 1], [], []>, transpose_lhs_hint = false} : vector<1000x128xf32>, vector<128x128xf32>, vector<1000x128xf32> -> vector<1000x128xf32>
    %swap3A = arith.constant 0 : index
    %swap3A_11 = arith.constant 0 : index
    %swap3A_12 = vector.load %arg4[%swap3A, %swap3A_11] : memref<1000x1xf32, #tpu.memory_space<vmem>>, vector<1000x1xf32>
    tpu.vector_store %arg4[%swap3A, %swap3A_11], %rsqrt3A {strides = array<i32>} : memref<1000x1xf32, #tpu.memory_space<vmem>>, vector<1000x1xf32>,
    %mul3A = vector.broadcast %rsqrt3A : vector<1000x1xf32> to vector<1000x128xf32>
    %mul3A_13 = arith.mulf %dot_general3A_10, %mul3A : vector<1000x128xf32>
    %swap3A_14 = arith.constant 0 : index
    %swap3A_15 = arith.constant 0 : index
    %swap3A_16 = vector.load %arg5[%swap3A_14, %swap3A_15] : memref<1000x128xf32, #tpu.memory_space<vmem>>, vector<1000x128xf32>
    tpu.vector_store %arg5[%swap3A_14, %swap3A_15], %mul3A_13 {strides = array<i32>} : memref<1000x128xf32, #tpu.memory_space<vmem>>, vector<1000x128xf32>,
    return
  }
  func.func @transform_0(%arg0: i32) -> (i32, i32) {
    %c0_i32 = arith.constant 0 : i32
    %c0_i32_0 = arith.constant 0 : i32
    return %arg0, %c0_i32 : i32, i32
  }
  func.func @transform_1(%arg0: i32) -> (i32, i32) {
    %c0_i32 = arith.constant 0 : i32
    %c0_i32_0 = arith.constant 0 : i32
    return %arg0, %c0_i32 : i32, i32
  }
  func.func @transform_2(%arg0: i32) -> (i32, i32) {
    %c0_i32 = arith.constant 0 : i32
    %c0_i32_0 = arith.constant 0 : i32
    %c0_i32_1 = arith.constant 0 : i32
    return %c0_i32, %c0_i32_0 : i32, i32
  }
  func.func @transform_3(%arg0: i32) -> (i32, i32) {
    %c0_i32 = arith.constant 0 : i32
    %c0_i32_0 = arith.constant 0 : i32
    return %arg0, %c0_i32 : i32, i32
  }
  func.func @transform_4(%arg0: i32) -> (i32, i32) {
    %c0_i32 = arith.constant 0 : i32
    %c0_i32_0 = arith.constant 0 : i32
    return %arg0, %c0_i32 : i32, i32
  }
}

module attributes {stable_mosaic.version = 14 : i64} {
  func.func @_tc2_body(%arg0: i32, %arg1: memref<2x1000x128xf32, #tpu.memory_space<vmem>>, %arg2: memref<1000x128xf32, #tpu.memory_space<vmem>>, %arg3: memref<1000x1xf32, #tpu.memory_space<vmem>>, %arg4: memref<1x128xf32, #tpu.memory_space<vmem>>, %arg5: memref<128x128xf32, #tpu.memory_space<vmem>>, %arg6: memref<1000x128xf32, #tpu.memory_space<vmem>>) attributes {dimension_semantics = [#tpu.dimension_semantics<arbitrary>], iteration_bounds = array<i64: 10>, scalar_prefetch = 0 : i64, scratch_operands = 0 : i64, tpu.core_type = #tpu.core_type<tc>, window_params = [{transform_indices = @transform_0, window_bounds = array<i64: 2, 1000, 128>}, {transform_indices = @transform_1, window_bounds = array<i64: 1000, 128>}, {transform_indices = @transform_2, window_bounds = array<i64: 1000, 1>}, {pipeline_mode = #tpu.pipeline_mode<synchronous>, transform_indices = @transform_3, window_bounds = array<i64: 1, 128>}, {pipeline_mode = #tpu.pipeline_mode<synchronous>, transform_indices = @transform_4, window_bounds = array<i64: 128, 128>}, {transform_indices = @transform_5, window_bounds = array<i64: 1000, 128>}]} {
    %get3A = arith.constant 0 : index
    %get3A_0 = arith.constant 0 : index
    %get3A_1 = vector.load %arg3[%get3A, %get3A_0] : memref<1000x1xf32, #tpu.memory_space<vmem>>, vector<1000x1xf32>
    %get3A_2 = arith.constant 0 : index
    %get3A_3 = arith.constant 0 : index
    %get3A_4 = arith.constant 0 : index
    %get3A_5 = vector.load %arg1[%get3A_2, %get3A_3, %get3A_4] : memref<2x1000x128xf32, #tpu.memory_space<vmem>>, vector<1x1000x128xf32>
    %get3A_6 = vector.shape_cast %get3A_5 : vector<1x1000x128xf32> to vector<1000x128xf32>
    %get3A_7 = arith.constant 1 : index
    %get3A_8 = arith.constant 0 : index
    %get3A_9 = arith.constant 0 : index
    %get3A_10 = vector.load %arg1[%get3A_7, %get3A_8, %get3A_9] : memref<2x1000x128xf32, #tpu.memory_space<vmem>>, vector<1x1000x128xf32>
    %get3A_11 = vector.shape_cast %get3A_10 : vector<1x1000x128xf32> to vector<1000x128xf32>
    %add3A = arith.addf %get3A_6, %get3A_11 : vector<1000x128xf32>
    %get3A_12 = arith.constant 0 : index
    %get3A_13 = arith.constant 0 : index
    %get3A_14 = vector.load %arg2[%get3A_12, %get3A_13] : memref<1000x128xf32, #tpu.memory_space<vmem>>, vector<1000x128xf32>
    %add3A_15 = arith.addf %add3A, %get3A_14 : vector<1000x128xf32>
    %mul3A = vector.broadcast %get3A_1 : vector<1000x1xf32> to vector<1000x128xf32>
    %mul3A_16 = arith.mulf %mul3A, %add3A_15 : vector<1000x128xf32>
    %get3A_17 = arith.constant 0 : index
    %get3A_18 = arith.constant 0 : index
    %get3A_19 = vector.load %arg4[%get3A_17, %get3A_18] : memref<1x128xf32, #tpu.memory_space<vmem>>, vector<1x128xf32>
    %add3A_20 = vector.broadcast %get3A_19 : vector<1x128xf32> to vector<1000x128xf32>
    %add3A_21 = arith.addf %mul3A_16, %add3A_20 : vector<1000x128xf32>
    %max3A = arith.constant 0.000000e+00 : f32
    %max3A_22 = vector.broadcast %max3A : f32 to vector<1000x128xf32>
    %max3A_23 = arith.maximumf %add3A_21, %max3A_22 : vector<1000x128xf32>
    %get3A_24 = arith.constant 0 : index
    %get3A_25 = arith.constant 0 : index
    %get3A_26 = vector.load %arg5[%get3A_24, %get3A_25] : memref<128x128xf32, #tpu.memory_space<vmem>>, vector<128x128xf32>
    %dot_general3A = arith.constant dense<0.000000e+00> : vector<1000x128xf32>
    %dot_general3A_27 = tpu.matmul %max3A_23, %get3A_26, %dot_general3A {dimension_numbers = #tpu.dot_dimension_numbers<[1], [0], [0], [1], [0, 0, 1, 1], [], []>, transpose_lhs_hint = false} : vector<1000x128xf32>, vector<128x128xf32>, vector<1000x128xf32> -> vector<1000x128xf32>
    %mul3A_28 = vector.broadcast %get3A_1 : vector<1000x1xf32> to vector<1000x128xf32>
    %mul3A_29 = arith.mulf %dot_general3A_27, %mul3A_28 : vector<1000x128xf32>
    %swap3A = arith.constant 0 : index
    %swap3A_30 = arith.constant 0 : index
    %swap3A_31 = vector.load %arg6[%swap3A, %swap3A_30] : memref<1000x128xf32, #tpu.memory_space<vmem>>, vector<1000x128xf32>
    tpu.vector_store %arg6[%swap3A, %swap3A_30], %mul3A_29 {strides = array<i32>} : memref<1000x128xf32, #tpu.memory_space<vmem>>, vector<1000x128xf32>,
    return
  }
  func.func @transform_0(%arg0: i32) -> (i32, i32, i32) {
    %c0_i32 = arith.constant 0 : i32
    %c0_i32_0 = arith.constant 0 : i32
    %c0_i32_1 = arith.constant 0 : i32
    return %c0_i32, %arg0, %c0_i32_0 : i32, i32, i32
  }
  func.func @transform_1(%arg0: i32) -> (i32, i32) {
    %c0_i32 = arith.constant 0 : i32
    %c0_i32_0 = arith.constant 0 : i32
    return %arg0, %c0_i32 : i32, i32
  }
  func.func @transform_2(%arg0: i32) -> (i32, i32) {
    %c0_i32 = arith.constant 0 : i32
    %c0_i32_0 = arith.constant 0 : i32
    return %arg0, %c0_i32 : i32, i32
  }
  func.func @transform_3(%arg0: i32) -> (i32, i32) {
    %c0_i32 = arith.constant 0 : i32
    %c0_i32_0 = arith.constant 0 : i32
    %c0_i32_1 = arith.constant 0 : i32
    return %c0_i32, %c0_i32_0 : i32, i32
  }
  func.func @transform_4(%arg0: i32) -> (i32, i32) {
    %c0_i32 = arith.constant 0 : i32
    %c0_i32_0 = arith.constant 0 : i32
    %c0_i32_1 = arith.constant 0 : i32
    return %c0_i32, %c0_i32_0 : i32, i32
  }
  func.func @transform_5(%arg0: i32) -> (i32, i32) {
    %c0_i32 = arith.constant 0 : i32
    %c0_i32_0 = arith.constant 0 : i32
    return %arg0, %c0_i32 : i32, i32
  }
}

module attributes {stable_mosaic.version = 14 : i64} {
  func.func @_tc3_body(%arg0: i32, %arg1: memref<2x1000x128xf32, #tpu.memory_space<vmem>>, %arg2: memref<1000x128xf32, #tpu.memory_space<vmem>>, %arg3: memref<1000x1xf32, #tpu.memory_space<vmem>>, %arg4: memref<1x128xf32, #tpu.memory_space<vmem>>, %arg5: memref<40x128xf32, #tpu.memory_space<vmem>>, %arg6: memref<1x40xf32, #tpu.memory_space<vmem>>, %arg7: memref<1000x40xf32, #tpu.memory_space<vmem>>) attributes {dimension_semantics = [#tpu.dimension_semantics<arbitrary>], iteration_bounds = array<i64: 10>, scalar_prefetch = 0 : i64, scratch_operands = 0 : i64, tpu.core_type = #tpu.core_type<tc>, window_params = [{transform_indices = @transform_0, window_bounds = array<i64: 2, 1000, 128>}, {transform_indices = @transform_1, window_bounds = array<i64: 1000, 128>}, {transform_indices = @transform_2, window_bounds = array<i64: 1000, 1>}, {pipeline_mode = #tpu.pipeline_mode<synchronous>, transform_indices = @transform_3, window_bounds = array<i64: 1, 128>}, {pipeline_mode = #tpu.pipeline_mode<synchronous>, transform_indices = @transform_4, window_bounds = array<i64: 40, 128>}, {pipeline_mode = #tpu.pipeline_mode<synchronous>, transform_indices = @transform_5, window_bounds = array<i64: 1, 40>}, {transform_indices = @transform_6, window_bounds = array<i64: 1000, 40>}]} {
    %get3A = arith.constant 0 : index
    %get3A_0 = arith.constant 0 : index
    %get3A_1 = vector.load %arg3[%get3A, %get3A_0] : memref<1000x1xf32, #tpu.memory_space<vmem>>, vector<1000x1xf32>
    %get3A_2 = arith.constant 0 : index
    %get3A_3 = arith.constant 0 : index
    %get3A_4 = arith.constant 0 : index
    %get3A_5 = vector.load %arg1[%get3A_2, %get3A_3, %get3A_4] : memref<2x1000x128xf32, #tpu.memory_space<vmem>>, vector<1x1000x128xf32>
    %get3A_6 = vector.shape_cast %get3A_5 : vector<1x1000x128xf32> to vector<1000x128xf32>
    %get3A_7 = arith.constant 1 : index
    %get3A_8 = arith.constant 0 : index
    %get3A_9 = arith.constant 0 : index
    %get3A_10 = vector.load %arg1[%get3A_7, %get3A_8, %get3A_9] : memref<2x1000x128xf32, #tpu.memory_space<vmem>>, vector<1x1000x128xf32>
    %get3A_11 = vector.shape_cast %get3A_10 : vector<1x1000x128xf32> to vector<1000x128xf32>
    %add3A = arith.addf %get3A_6, %get3A_11 : vector<1000x128xf32>
    %get3A_12 = arith.constant 0 : index
    %get3A_13 = arith.constant 0 : index
    %get3A_14 = vector.load %arg2[%get3A_12, %get3A_13] : memref<1000x128xf32, #tpu.memory_space<vmem>>, vector<1000x128xf32>
    %add3A_15 = arith.addf %add3A, %get3A_14 : vector<1000x128xf32>
    %mul3A = vector.broadcast %get3A_1 : vector<1000x1xf32> to vector<1000x128xf32>
    %mul3A_16 = arith.mulf %mul3A, %add3A_15 : vector<1000x128xf32>
    %get3A_17 = arith.constant 0 : index
    %get3A_18 = arith.constant 0 : index
    %get3A_19 = vector.load %arg4[%get3A_17, %get3A_18] : memref<1x128xf32, #tpu.memory_space<vmem>>, vector<1x128xf32>
    %add3A_20 = vector.broadcast %get3A_19 : vector<1x128xf32> to vector<1000x128xf32>
    %add3A_21 = arith.addf %mul3A_16, %add3A_20 : vector<1000x128xf32>
    %max3A = arith.constant 0.000000e+00 : f32
    %max3A_22 = vector.broadcast %max3A : f32 to vector<1000x128xf32>
    %max3A_23 = arith.maximumf %add3A_21, %max3A_22 : vector<1000x128xf32>
    %get3A_24 = arith.constant 0 : index
    %get3A_25 = arith.constant 0 : index
    %get3A_26 = vector.load %arg5[%get3A_24, %get3A_25] : memref<40x128xf32, #tpu.memory_space<vmem>>, vector<40x128xf32>
    %dot_general3A = arith.constant dense<0.000000e+00> : vector<1000x40xf32>
    %dot_general3A_27 = tpu.matmul %max3A_23, %get3A_26, %dot_general3A {dimension_numbers = #tpu.dot_dimension_numbers<[1], [1], [0], [0], [0, 0, 1, 0], [], []>, transpose_lhs_hint = false} : vector<1000x128xf32>, vector<40x128xf32>, vector<1000x40xf32> -> vector<1000x40xf32>
    %get3A_28 = arith.constant 0 : index
    %get3A_29 = arith.constant 0 : index
    %get3A_30 = vector.load %arg6[%get3A_28, %get3A_29] : memref<1x40xf32, #tpu.memory_space<vmem>>, vector<1x40xf32>
    %add3A_31 = vector.broadcast %get3A_30 : vector<1x40xf32> to vector<1000x40xf32>
    %add3A_32 = arith.addf %dot_general3A_27, %add3A_31 : vector<1000x40xf32>
    %swap3A = arith.constant 0 : index
    %swap3A_33 = arith.constant 0 : index
    %swap3A_34 = vector.load %arg7[%swap3A, %swap3A_33] : memref<1000x40xf32, #tpu.memory_space<vmem>>, vector<1000x40xf32>
    tpu.vector_store %arg7[%swap3A, %swap3A_33], %add3A_32 {strides = array<i32>} : memref<1000x40xf32, #tpu.memory_space<vmem>>, vector<1000x40xf32>,
    return
  }
  func.func @transform_0(%arg0: i32) -> (i32, i32, i32) {
    %c0_i32 = arith.constant 0 : i32
    %c0_i32_0 = arith.constant 0 : i32
    %c0_i32_1 = arith.constant 0 : i32
    return %c0_i32, %arg0, %c0_i32_0 : i32, i32, i32
  }
  func.func @transform_1(%arg0: i32) -> (i32, i32) {
    %c0_i32 = arith.constant 0 : i32
    %c0_i32_0 = arith.constant 0 : i32
    return %arg0, %c0_i32 : i32, i32
  }
  func.func @transform_2(%arg0: i32) -> (i32, i32) {
    %c0_i32 = arith.constant 0 : i32
    %c0_i32_0 = arith.constant 0 : i32
    return %arg0, %c0_i32 : i32, i32
  }
  func.func @transform_3(%arg0: i32) -> (i32, i32) {
    %c0_i32 = arith.constant 0 : i32
    %c0_i32_0 = arith.constant 0 : i32
    %c0_i32_1 = arith.constant 0 : i32
    return %c0_i32, %c0_i32_0 : i32, i32
  }
  func.func @transform_4(%arg0: i32) -> (i32, i32) {
    %c0_i32 = arith.constant 0 : i32
    %c0_i32_0 = arith.constant 0 : i32
    %c0_i32_1 = arith.constant 0 : i32
    return %c0_i32, %c0_i32_0 : i32, i32
  }
  func.func @transform_5(%arg0: i32) -> (i32, i32) {
    %c0_i32 = arith.constant 0 : i32
    %c0_i32_0 = arith.constant 0 : i32
    %c0_i32_1 = arith.constant 0 : i32
    return %c0_i32, %c0_i32_0 : i32, i32
  }
  func.func @transform_6(%arg0: i32) -> (i32, i32) {
    %c0_i32 = arith.constant 0 : i32
    %c0_i32_0 = arith.constant 0 : i32
    return %arg0, %c0_i32 : i32, i32
  }
}

</mosaic_0001>

<sc_bundles>
// kernel: kernel.11.cloned.1.call-start
scs
__scs_entry_jumppad:
0x0: {  	(pc) =	sbr.rel $0x88, $3  }
0x1: {  	(tag) =	ssettag $0x0;
	lr =	simm.s32 $0x1  }
0x2: {  	[smem:$0x3F99] =	sst lr;
	_ =	strace $0xD0000000  }
0x3: {  	_ = 	snop  }
0x4: {  	_ = 	snop  }
0x5: {  	_ = 	snop  }
0x6: {  	_ = 	snop  }
0x7: {  	_ = 	snop  }
__scs_overlays_trampoline_lowered:
0x8: {  	[smem:$0x3FA8] =	sst s0  }
0x9: {  	[smem:$0x3FA9] =	sst s1  }
0xa: {  	[smem:$0x3FAA] =	sst s2  }
0xb: {  	[smem:$0x3FAB] =	sst s3  }
0xc: {  	[smem:$0x3FAC] =	sst s4  }
0xd: {  	[smem:$0x3FAD] =	sst s5  }
0xe: {  	[smem:$0x3FAE] =	sst s6  }
0xf: {  	[smem:$0x3FAF] =	sst s7  }
0x10: {  	[smem:$0x3FB0] =	sst s8  }
0x11: {  	[smem:$0x3FB1] =	sst s9;
	s0 =	simm.s32 @!p0 $0x0  }
0x12: {  	s1 =	sld [smem:$0x3F97];
	s0 =	simm.s32 @p0 $0x1  }
0x13: {  	[smem:$0x3FB2] =	sst s0;
	s0 =	simm.s32 @!p1 $0x0  }
0x14: {  	s2 =	sld [smem:$0x3F96];
	s0 =	simm.s32 @p1 $0x1  }
0x15: {  	[smem:$0x3FB3] =	sst s0;
	s0 =	simm.s32 @!p2 $0x0  }
0x16: {  	s3 =	sld [smem:$0x3FDB];
	s0 =	simm.s32 @p2 $0x1  }
0x17: {  	s4 =	simm.s32 $0x1BF5;
	[smem:$0x3FB5] =	sst s0  }
0x18: {  	s0 =	sld [smem:$0x3F98];
	_ =	swait.ge [sflag:s4], $0x0  }
0x19: {  	s7 =	sld [smem:$0x3F99]  }
0x1a: {  	s8 =	sadd.s32 $0xFFFFE003, lr  }
0x1b: {  	s9 =	sadd.s32 $0xFFFFFEF7, lr;
	s5 =	simm.s32 $0xFFFFFFFF;
	p2 =	slt.u32 s8, $0xFFFFF086  }
0x1c: {  	p1 =	slt.u32 s9, $0xF7A;
	s5 =	simm.s32 @!p2 $0x0  }
0x1d: {  	s5 =	simm.s32 @p1 $0x1;
	p0 =	seq.s32 s7, s2  }
0x1e: {  	s7 =	smul.u32 @!p0 $0xF7A, s2;
	p2 =	seq.s32 @!p0 s5, $0x0  }
0x1f: {  	s9 =	smul.u32 $0xF7A, s1;
	s8 =	simm.s32 @!p0 $0x1BF5;
	p2 =	por !p2, p0  }
0x20: {  	[sflag:s8] =	ssyncset.s32 @!p0 $0xFFFFF086;
	s6 =	sadd.s32 @!p0 s3, s7;
	s7 =	simm.s32 @!p0 $0x108  }
0x21: {  	s3 =	sadd.s32 s3, s9;
	s6 =	sadd.s32 @!p0 $0x88, s6;
	s7 =	simm.s32 @p2 $0x1082  }
0x22: {  	[simem:s7], [sflag:s8] =	dma.local @!p0 [hbm:s6], $0xF7A  }
0x23: {  	s9 =	sor.u32 $0xD0000000, s2;
	s6 =	simm.s32 $0x108;
	_ =	swait.ge @!p0 [sflag:s8], $0x0  }
0x24: {  	s3 =	sadd.s32 $0x88, s3;
	s6 =	simm.s32 @!p1 $0x1082;
	[sflag:s4] =	ssyncset.s32 $0xFFFFF086  }
0x25: {  	[simem:s6], [sflag:s4] =	dma.local [hbm:s3], $0xF7A  }
0x26: {  	[smem:$0x3F99] =	sst s1;
	(tag) =	ssettag s2;
	_ =	strace s9  }
0x27: {  	s1 =	sld [smem:$0x3FA9]  }
0x28: {  	s2 =	sld [smem:$0x3FAA]  }
0x29: {  	s4 =	sld [smem:$0x3FAC]  }
0x2a: {  	p0 =	seq.s32 s5, $0x0;
	s5 =	sld [smem:$0x3FAD]  }
0x2b: {  	s6 =	sld [smem:$0x3FAE]  }
0x2c: {  	s7 =	sld [smem:$0x3FAF]  }
0x2d: {  	s3 =	simm.s32 $0x108;
	s8 =	sld [smem:$0x3FB0]  }
0x2e: {  	s3 =	simm.s32 @!p0 $0x1082;
	s9 =	sld [smem:$0x3FB1]  }
0x2f: {  	lr =	sadd.s32 s0, s3;
	s0 =	sld [smem:$0x3FA8]  }
0x30: {  	s3 =	sld [smem:$0x3FAB]  }
0x31: {  	[smem:$0x3FB4] =	sst s10  }
0x32: {  	s10 =	sld [smem:$0x3FB2];
	_ =	sdelay $0x3  }
0x33: {  	p0 =	seq.s32 s10, $0x1;
	s10 =	sld [smem:$0x3FB4];
	_ =	sdelay $0x3  }
0x34: {  	[smem:$0x3FB4] =	sst s10  }
0x35: {  	s10 =	sld [smem:$0x3FB3];
	_ =	sdelay $0x3  }
0x36: {  	p1 =	seq.s32 s10, $0x1;
	s10 =	sld [smem:$0x3FB4];
	_ =	sdelay $0x3  }
0x37: {  	[smem:$0x3FB4] =	sst s10  }
0x38: {  	s10 =	sld [smem:$0x3FB5]  }
0x39: {  	_ = 	snop;
	(pc) =	sbr.ind lr, $3  }
0x3a: {  	_ = 	snop  }
0x3b: {  	_ = 	snop  }
0x3c: {  	p2 =	seq.s32 s10, $0x1;
	s10 =	sld [smem:$0x3FB4]  }
0x3d: {  	_ =	shalt  }
0x3e: {  	_ =	shalt  }
0x3f: {  	_ =	shalt  }
0x40: {  	_ =	shalt  }
0x41: {  	_ =	shalt  }
0x42: {  	_ =	shalt  }
0x43: {  	_ =	shalt  }
0x44: {  	_ =	shalt  }
0x45: {  	_ =	shalt  }
0x46: {  	_ =	shalt  }
0x47: {  	_ =	shalt  }
0x48: {  	_ =	shalt  }
0x49: {  	_ =	shalt  }
0x4a: {  	_ =	shalt  }
0x4b: {  	_ =	shalt  }
0x4c: {  	_ =	shalt  }
0x4d: {  	_ =	shalt  }
0x4e: {  	_ =	shalt  }
0x4f: {  	_ =	shalt  }
0x50: {  	_ =	shalt  }
0x51: {  	_ =	shalt  }
0x52: {  	_ =	shalt  }
0x53: {  	_ =	shalt  }
0x54: {  	_ =	shalt  }
0x55: {  	_ =	shalt  }
0x56: {  	_ =	shalt  }
0x57: {  	_ =	shalt  }
0x58: {  	_ =	shalt  }
0x59: {  	_ =	shalt  }
0x5a: {  	_ =	shalt  }
0x5b: {  	_ =	shalt  }
0x5c: {  	_ =	shalt  }
0x5d: {  	_ =	shalt  }
0x5e: {  	_ =	shalt  }
0x5f: {  	_ =	shalt  }
0x60: {  	_ =	shalt  }
0x61: {  	_ =	shalt  }
0x62: {  	_ =	shalt  }
0x63: {  	_ =	shalt  }
0x64: {  	_ =	shalt  }
0x65: {  	_ =	shalt  }
0x66: {  	_ =	shalt  }
0x67: {  	_ =	shalt  }
0x68: {  	_ =	shalt  }
0x69: {  	_ =	shalt  }
0x6a: {  	_ =	shalt  }
0x6b: {  	_ =	shalt  }
0x6c: {  	_ =	shalt  }
0x6d: {  	_ =	shalt  }
0x6e: {  	_ =	shalt  }
0x6f: {  	_ =	shalt  }
0x70: {  	_ =	shalt  }
0x71: {  	_ =	shalt  }
0x72: {  	_ =	shalt  }
0x73: {  	_ =	shalt  }
0x74: {  	_ =	shalt  }
0x75: {  	_ =	shalt  }
0x76: {  	_ =	shalt  }
0x77: {  	_ =	shalt  }
0x78: {  	_ =	shalt  }
0x79: {  	_ =	shalt  }
0x7a: {  	_ =	shalt  }
0x7b: {  	_ =	shalt  }
0x7c: {  	_ =	shalt  }
0x7d: {  	_ =	shalt  }
0x7e: {  	_ =	shalt  }
0x7f: {  	_ =	shalt  }
0x80: {  	_ =	shalt  }
0x81: {  	_ =	shalt  }
0x82: {  	_ =	shalt  }
0x83: {  	_ =	shalt  }
0x84: {  	_ =	shalt  }
0x85: {  	_ =	shalt  }
0x86: {  	_ =	shalt  }
0x87: {  	_ =	shalt  }
.Lfunc_end0:
.L_simem_size_0:
called_computation.1_lowered:
.L_overlay_start_0:
0x88: {  	s2 =	sld [smem:$0x3FD9]  }
0x89: {  	s3 =	sld [smem:$0x3FFE];
	_ =	sdelay $0x1  }
0x8a: {  	s1 =	srdreg.scid  }
0x8b: {  	s0 =	sand.u32 $0x1, s1  }
0x8c: {  	s16 =	sshll.u32 s0, $0xA;
	s2 =	sadd.s32 s3, s2  }
0x8d: {  	s2 =	sadd.s32 s2, s16  }
0x8e: {  	[smem:$0x3FC0] =	sst s2  }
0x8f: {  	_ = 	snop  }
0x90: {  	(tm) =	ssettm $0x1  }
0x91: {  	s17 =	sld [smem:$0x3FFB];
	_ =	sdelay $0x3  }
0x92: {  	_ =	strace s17  }
0x93: {  	s2 =	sld [smem:$0x3FFC];
	_ =	sdelay $0x3  }
0x94: {  	_ =	strace s2  }
0x95: {  	s2 =	sld [smem:$0x3FFD];
	_ =	sdelay $0x3  }
0x96: {  	_ =	strace s2  }
0x97: {  	_ =	strace $0x8FFFFFFF  }
0x98: {  	s18 =	sld [smem:$0x3FDB];
	_ =	sdelay $0x1  }
0x99: {  	s19 =	simm.s32 $_scs_section_size  }
0x9a: {  	s4 =	simm.s32 $_size__tile_overlayer_lowered;
	s5 =	simm.s32 $_tile_overlayer_lowered  }
0x9b: {  	s22 =	simm.s32 $0x1BFF;
	s21 =	sshll.u32 s5, $0x1;
	s2 =	sadd.s32 s19, s18  }
0x9c: {  	s6 =	simm.s32 $0x0;
	s20 =	sshll.u32 s4, $0x1;
	s4 =	sadd.s32 s21, s2  }
0x9d: {  	[timem:s6], [sflag:s22] =	dma.local [hbm:s4], s20  }
0x9e: {  	_ =	swait.ge [sflag:s22], s20  }
0x9f: {  	s3 =	ssub.s32 $0x0, s20;
	[sflag:s22] =	ssyncset.done $0x0  }
0xa0: {  	[sflag:s22] =	ssyncadd.s32 s3;
	_ =	sdelay $0x1  }
0xa1: {  	s23 =	simm.s32 $0x1B8B  }
0xa2: {  	_ =	swait.ge [sflag:s23], $0x1  }
0xa3: {  	[sflag:s23] =	ssyncset.done $0x0  }
0xa4: {  	s25 =	simm.s32 $0x1B8E;
	s24 =	sld [smem:$0x3FFE];
	[sflag:s23] =	ssyncadd.s32 $0xFFFFFFFF  }
0xa5: {  	s26 =	simm.s32 $execute0_lowered;
	[smem:$0x3FD2] =	sst s25  }
0xa6: {  	s4 =	sshll.u32 s26, $0x1;
	_ =	strace $0x80000049;
	[dreg:$0x1] =	wrdreg $0xFFFFFFFF  }
0xa7: {  	s28 =	simm.s32 $_size_execute0_lowered;
	s2 =	sadd.s32 s2, s4;
	[dreg:$0x0] =	wrdreg $0x0  }
0xa8: {  	s4 =	sshll.u32 s28, $0x1;
	[dreg:$0x2] =	wrdreg s2  }
0xa9: {  	[dreg:$0x3] =	wrdreg s4  }
0xaa: {  	[dreg:$0x4] =	wrdreg $0xC0  }
0xab: {  	_ =	task [dreg:s6], $0x5FFFF  }
0xac: {  	[dreg:$0x1] =	wrdreg $0xFFFFFFFF  }
0xad: {  	[dreg:$0x0] =	wrdreg $0x60  }
0xae: {  	[dreg:$0x2] =	wrdreg s24  }
0xaf: {  	[dreg:$0x3] =	wrdreg $0xA4000  }
0xb0: {  	[dreg:$0x4] =	wrdreg $0x9  }
0xb1: {  	_ =	task.clear_ibuf [dreg:s6], $0x5FFFF;
	_ =	strace $0x90000049  }
0xb2: {  	s29 =	simm.s32 $0x9;
	_ =	strace $0x8000004B  }
0xb3: {  	_ =	swait.ge [sflag:s29], $0x1  }
0xb4: {  	[sflag:s29] =	ssyncadd.s32 $0xFFFFFFFF  }
0xb5: {  	_ =	strace $0x9000004B  }
0xb6: {  	_ =	sfence  }
0xb7: {  	s30 =	sld [smem:$0x0];
	_ =	sdelay $0x2  }
0xb8: {  	s31 =	sshll.u32 s1, $0xD;
	s1 =	sshrl.u32 s1, $0x2  }
0xb9: {  	s3 =	sand.u32 $0x4000, s31;
	s1 =	sadd.s32 s1, s30  }
0xba: {  	s0 =	sor.u32 s3, s0;
	s1 =	sshll.u32 s1, $0x11  }
0xbb: {  	s0 =	sor.u32 s1, s0  }
0xbc: {  	s0 =	sadd.s32 $0x8F2B, s0  }
0xbd: {  	[sflag:s0] =	ssyncadd.remote.s32 $0x1  }
0xbe: {  	_ =	sfence.sel $0xFFFF  }
0xbf: {  	[dreg:$0x0] =	wrdreg $0xFFFFFFFF;
	(pc) =	sbr.abs _section_cstart, $3  }
0xc0: {  	[dreg:$0x1] =	wrdreg $0xFFFFFFFF  }
0xc1: {  	_ =	task.clear_ibuf [dreg:s6], $0x2FFFF;
	_ =	strace $0x9FFFFFFF  }
0xc2: {  	(tm) =	ssettm $0x7FFFFFFF  }
0xc3: {  	_ =	shalt  }
tec
execute0_lowered:
.L_overlay_start_1:
0x0: {  	(tag) =	ssettag $0x1  }
0x1: {  	s0 =	srdreg.scid;
	s1 =	rddreg [dreg:$0x0]  }
0x2: {  	s11 =	stileid.u32;
	s2 =	rddreg [dreg:$0x1];
	s5 =	simm.s32 $0x0  }
0x3: {  	s20 =	simm.s32 $0x400;
	s21 =	simm.s32 $0x1;
	s22 =	simm.s32 $0x80  }
0x4: {  	s28 =	simm.s32 $0x50;
	s29 =	simm.s32 $0x2;
	s4 =	smul.u32 $0x14000, s11  }
0x5: {  	s31 =	simm.s32 $0x3;
	s0 =	sand.u32 $0x1, s0;
	s23 =	smul.u32 $0x50000, s11  }
0x6: {  	[smem:$0x7FF] =	sst s5;
	s6 =	sadd.s32 $0x2600, s1;
	s15 =	smul.u32 $0x3E80, s11  }
0x7: {  	s3 =	smul.u32 $0x140000, s0;
	_ =	strace $0x8000004A;
	s24 =	ssub.s32 $0x2, s0  }
0x8: {  	s7 =	sshll.u32 s0, $0x4;
	s0 =	smul.u32 $0x3E800, s0;
	s5 =	sshrl.u32 s23, $0x2  }
0x9: {  	s8 =	sshrl.u32 s24, $0x1;
	s7 =	sor.u32 s11, s7;
	s23 =	simm.s32 $0x7D000  }
0xa: {  	s3 =	sadd.s32 s4, s3;
	s4 =	sadd.s32 $0x21A00, s1;
	s5 =	sadd.s32 s5, s2  }
0xb: {  	s10 =	smul.u32 $0x3E80, s7;
	s0 =	sadd.s32 s15, s0;
	s3 =	sshrl.u32 s3, $0x3  }
0xc: {  	s25 =	sadd.s32 $0x2800, s5;
	s26 =	sadd.s32 $0x5000, s5;
	s30 =	sadd.s32 $0x7800, s5  }
0xd: {  	s9 =	sadd.s32 $0xA000, s5;
	s11 =	sadd.s32 $0xF000, s5;
	[dreg:$0x3] =	wrdreg s25  }
0xe: {  	s13 =	sadd.s32 $0x11800, s5;
	s0 =	sadd.s32 $0x200, s0;
	[dreg:$0x4] =	wrdreg s26  }
0xf: {  	s1 =	sadd.s32 s3, s1;
	s3 =	ssub.s32 s24, s8;
	[dreg:$0x5] =	wrdreg s30  }
.Ltmp0:
0x10: {  	s12 =	sshrl.u32 s10, $0x3;
	s10 =	sadd.s32 $0xC800, s5;
	(pc) =	sbr.rel .LBB2_1-.Ltmp0, $4  }
0x11: {  	s0 =	sshrl.u32 s0, $0x3;
	s24 =	simm.s32 $0x100;
	s25 =	simm.s32 $0x200  }
0x12: {  	s26 =	simm.s32 $0x0;
	s12 =	sadd.s32 s6, s12;
	s17 =	sadd.s32 $0x48C00, s1  }
0x13: {  	s18 =	smax.u32 s3, $0x1;
	s1 =	sadd.s32 s0, s6;
	s0 =	simm.s32 $0x9  }
0x14: {  	v0 =	vimm.f32 $0.0e+00;
	s14 =	sadd.s32 $0x10, s12;
	s15 =	sadd.s32 $0x20, s12;
	s16 =	sadd.s32 $0x30, s12  }
.LBB2_9:
0x15: {  	s3 =	stileid.u32;
	s26 =	sadd.s32 $0x1, s26  }
0x16: {  	[bflag:$0x0] =	sbarrier.arrive $0xFFFF;
	s3 =	sshll.u32 s3, $0x6;
	p0 =	sne.s32 s26, s18  }
.Ltmp1:
0x17: {  	s6 =	sshrl.u32 s5, $0x3;
	s3 =	sor.u32 $0x1C09, s3;
	(pc) =	sbr.rel @!p0 .LBB2_10-.Ltmp1, $4  }
0x18: {  	[hbm:s17], [sflag:s3] =	dma.local [spmem:s6], $0x2800  }
0x19: {  	_ =	swait.ge [sflag:s0], $0x2800  }
0x1a: {  	[sflag:s0] =	ssyncset.done $0x0  }
0x1b: {  	[sflag:s0] =	ssyncadd.s32 $0xFFFFD800  }
.LBB2_1:
0x1c: {  	s6 =	simm.s32 $0x0  }
0x1d: {  	s3 =	sand.u32 $0xFE00, s6  }
0x1e: {  	s6 =	sand.u32 $0x70, s6;
	s3 =	sshrl.u32 s3, $0x2  }
0x1f: {  	s19 =	simm.s32 $0x40;
	s30 =	simm.s32 $0x0;
	s3 =	sor.u32 s6, s3  }
.LBB2_2:
0x20: {  	p0 =	sne.s32 s19, $0x9FC0  }
0x21: {  	[tilespmem:s3+$0x400] =	vst v0;
	s30 =	sadd.s32 $0x10, s30;
	s3 =	smov.u32 s19;
	s19 =	sadd.s32 $0x40, s19  }
.Ltmp2:
0x22: {  	(pc) =	sbr.rel @p0 .LBB2_2-.Ltmp2, $4  }
0x23: {  	_ = 	snop  }
0x24: {  	s3 =	sand.u32 $0xFE00, s3  }
0x25: {  	s6 =	sand.u32 $0x70, s30;
	s3 =	sshrl.u32 s3, $0x2  }
0x26: {  	s3 =	sor.u32 s6, s3  }
0x27: {  	[tilespmem:s3+$0x400] =	vst v0  }
0x28: {  	[spmem:s5] =	stream.linear.scatter [tilespmem:s20], [sflag:$0x1], $0x2800, $0x38;
	[tilespmem:$0x1E400] =	vst v63  }
0x29: {  	s8 =	rddreg [dreg:$0x3]  }
0x2a: {  	[spmem:s8] =	stream.linear.scatter [tilespmem:s20], [sflag:$0x1], $0x2800, $0x38;
	[tilespmem:$0x1E400] =	vst v63  }
0x2b: {  	s19 =	rddreg [dreg:$0x4]  }
0x2c: {  	[spmem:s19] =	stream.linear.scatter [tilespmem:s20], [sflag:$0x1], $0x2800, $0x38;
	[tilespmem:$0x1E400] =	vst v63  }
0x2d: {  	s6 =	rddreg [dreg:$0x5]  }
0x2e: {  	[spmem:s6] =	stream.linear.scatter [tilespmem:s20], [sflag:$0x1], $0x2800, $0x38;
	[tilespmem:$0x1E400] =	vst v63  }
0x2f: {  	_ = 	snop  }
0x30: {  	[spmem:s9] =	stream.linear.scatter [tilespmem:s20], [sflag:$0x1], $0x2800, $0x38;
	[tilespmem:$0x1E400] =	vst v63  }
0x31: {  	_ = 	snop  }
0x32: {  	[spmem:s10] =	stream.linear.scatter [tilespmem:s20], [sflag:$0x1], $0x2800, $0x38;
	[tilespmem:$0x1E400] =	vst v63  }
0x33: {  	_ = 	snop  }
0x34: {  	[spmem:s11] =	stream.linear.scatter [tilespmem:s20], [sflag:$0x1], $0x2800, $0x38;
	[tilespmem:$0x1E400] =	vst v63  }
0x35: {  	_ = 	snop  }
0x36: {  	[spmem:s13] =	stream.linear.scatter [tilespmem:s20], [sflag:$0x1], $0x2800, $0x38;
	[tilespmem:$0x1E400] =	vst v63  }
0x37: {  	_ =	swait.ge [sflag:s21], $0x2800  }
0x38: {  	[sflag:s21] =	ssyncset.done $0x0  }
0x39: {  	[sflag:s21] =	ssyncadd.s32 $0xFFFFD800  }
0x3a: {  	_ =	swait.ge [sflag:s21], $0x2800  }
0x3b: {  	[sflag:s21] =	ssyncset.done $0x0  }
0x3c: {  	[sflag:s21] =	ssyncadd.s32 $0xFFFFD800  }
0x3d: {  	_ =	swait.ge [sflag:s21], $0x2800  }
0x3e: {  	[sflag:s21] =	ssyncset.done $0x0  }
0x3f: {  	[sflag:s21] =	ssyncadd.s32 $0xFFFFD800  }
0x40: {  	_ =	swait.ge [sflag:s21], $0x2800  }
0x41: {  	[sflag:s21] =	ssyncset.done $0x0  }
0x42: {  	[sflag:s21] =	ssyncadd.s32 $0xFFFFD800  }
0x43: {  	_ =	swait.ge [sflag:s21], $0x2800  }
0x44: {  	[sflag:s21] =	ssyncset.done $0x0  }
0x45: {  	[sflag:s21] =	ssyncadd.s32 $0xFFFFD800  }
0x46: {  	_ =	swait.ge [sflag:s21], $0x2800  }
0x47: {  	[sflag:s21] =	ssyncset.done $0x0  }
0x48: {  	[sflag:s21] =	ssyncadd.s32 $0xFFFFD800  }
0x49: {  	_ =	swait.ge [sflag:s21], $0x2800  }
0x4a: {  	[sflag:s21] =	ssyncset.done $0x0  }
0x4b: {  	[sflag:s21] =	ssyncadd.s32 $0xFFFFD800  }
0x4c: {  	_ =	swait.ge [sflag:s21], $0x2800  }
0x4d: {  	[sflag:s21] =	ssyncset.done $0x0  }
0x4e: {  	[sflag:s21] =	ssyncadd.s32 $0xFFFFD800  }
0x4f: {  	s30 =	simm.s32 $0x0;
	[bflag:$0x0] =	sbarrier.arrive $0xFFFF  }
0x50: {  	[tilespmem:s30], [sflag:$0x1] =	stream.strided.gather [hbm4b:s12+s22], $0x100, s23, s22, $0x38;
	[tilespmem:$0x1E400] =	vst v63  }
0x51: {  	_ = 	snop  }
0x52: {  	[tilespmem:s24], [sflag:$0x2] =	stream.strided.gather [hbm4b:s14+s22], $0x100, s23, s22, $0x38;
	[tilespmem:$0x1E400] =	vst v63  }
0x53: {  	_ = 	snop  }
0x54: {  	[tilespmem:s25], [sflag:$0x3] =	stream.strided.gather [hbm4b:s15+s22], $0x100, s23, s22, $0x38;
	[tilespmem:$0x1E400] =	vst v63  }
0x55: {  	s7 =	simm.s32 $0x300  }
0x56: {  	[tilespmem:s7], [sflag:$0x4] =	stream.strided.gather [hbm4b:s16+s22], $0x100, s23, s22, $0x38;
	[tilespmem:$0x1E400] =	vst v63  }
0x57: {  	_ =	swait.ge [sflag:s21], $0x100  }
0x58: {  	[sflag:s21] =	ssyncset.done $0x0  }
0x59: {  	[sflag:s21] =	ssyncadd.s32 $0xFFFFFF00  }
0x5a: {  	[tilespmem:s20], [sflag:$0x5] =	stream.indirect.gather [hbm4b:s4+s28], $0x80, s30, s28, $0xb8;
	[tilespmem:$0x1E400] =	vst v63  }
0x5b: {  	_ =	swait.ge [sflag:s29], $0x100  }
0x5c: {  	[sflag:s29] =	ssyncset.done $0x0  }
0x5d: {  	s8 =	simm.s32 $0x2C00;
	[sflag:s29] =	ssyncadd.s32 $0xFFFFFF00  }
0x5e: {  	[tilespmem:s8], [sflag:$0x6] =	stream.indirect.gather [hbm4b:s4+s28], $0x80, s24, s28, $0xb8;
	[tilespmem:$0x1E400] =	vst v63  }
.Ltmp3:
0x5f: {  	_ =	swait.ge [sflag:s31], $0x100;
	(pc) =	sbr.rel .LBB2_4-.Ltmp3, $4  }
0x60: {  	[sflag:s31] =	ssyncset.done $0x0  }
0x61: {  	s19 =	simm.s32 $0x5400;
	[sflag:s31] =	ssyncadd.s32 $0xFFFFFF00  }
0x62: {  	[tilespmem:s19], [sflag:$0x7] =	stream.indirect.gather [hbm4b:s4+s28], $0x80, s25, s28, $0xb8;
	[tilespmem:$0x1E400] =	vst v63  }
0x63: {  	s19 =	smov.u32 s1  }
.LBB2_5:
0x64: {  	s3 =	sadd.s32 $0x1, s3  }
0x65: {  	[tilespmem:s6], [sflag:s3] =	stream.strided.gather [hbm4b:s19+s22], $0x100, s23, s22, $0x38;
	[tilespmem:$0x1E400] =	vst v63  }
.LBB2_7:
0x66: {  	s3 =	sadd.s32 $0xFFFFFFFF, s30  }
0x67: {  	s3 =	sand.u32 $0x3, s3  }
0x68: {  	s6 =	sadd.s32 $0x1, s3;
	s7 =	smul.u32 $0xA000, s3  }
0x69: {  	_ =	swait.ge [sflag:s6], $0x100  }
0x6a: {  	s8 =	sshll.u32 s3, $0x8;
	[sflag:s6] =	ssyncset.done $0x0;
	s7 =	sshrl.u32 s7, $0x2  }
0x6b: {  	s3 =	sadd.s32 $0x5, s3;
	[sflag:s6] =	ssyncadd.s32 $0xFFFFFF00;
	s6 =	sor.u32 $0x400, s7  }
0x6c: {  	[tilespmem:s6], [sflag:s3] =	stream.indirect.gather [hbm4b:s4+s28], $0x80, s8, s28, $0xb8;
	[tilespmem:$0x1E400] =	vst v63  }
.LBB2_8:
0x6d: {  	s30 =	sadd.s32 $0x1, s30  }
0x6e: {  	p0 =	sne.s32 s30, $0x7D  }
.Ltmp4:
0x6f: {  	_ = 	snop;
	(pc) =	sbr.rel @!p0 .LBB2_9-.Ltmp4, $2  }
0x70: {  	_ =	sdelay $0x2  }
0x71: {  	s19 =	sadd.s32 $0x10, s19  }
.LBB2_4:
0x72: {  	s3 =	sand.u32 $0x3, s30  }
0x73: {  	s7 =	sadd.s32 $0x5, s3  }
0x74: {  	s6 =	smul.u32 $0xA000, s3;
	_ =	swait.ge [sflag:s7], $0x2800  }
0x75: {  	p0 =	sgt.u32 s30, $0x78;
	[sflag:s7] =	ssyncset.done $0x0  }
0x76: {  	s8 =	sshrl.u32 s6, $0x2;
	s6 =	sshll.u32 s3, $0x8;
	[sflag:s7] =	ssyncadd.s32 $0xFFFFD800  }
.Ltmp5:
0x77: {  	s7 =	sor.u32 $0x400, s8;
	s8 =	sor.u32 $0x80, s6;
	(pc) =	sbr.rel @!p0 .LBB2_5-.Ltmp5, $4  }
0x78: {  	[spmem:s2] =	stream.indirect.scatter.add.f32 [tilespmem:s7], [sflag:$0x9], $0x80, s8, s28, $0xb8;
	[tilespmem:$0x1E400] =	vst v63  }
0x79: {  	_ =	swait.ge [sflag:s0], $0x2800  }
0x7a: {  	[sflag:s0] =	ssyncset.done $0x0  }
0x7b: {  	[sflag:s0] =	ssyncadd.s32 $0xFFFFD800  }
0x7c: {  	p0 =	sne.s32 s30, $0x79  }
.Ltmp6:
0x7d: {  	_ = 	snop;
	(pc) =	sbr.rel @p0 .LBB2_8-.Ltmp6, $4  }
.Ltmp7:
0x7e: {  	_ = 	snop;
	(pc) =	sbr.rel @!p0 .LBB2_7-.Ltmp7, $4  }
0x7f: {  	_ = 	snop  }
0x80: {  	_ = 	snop  }
0x81: {  	_ = 	snop  }
0x82: {  	_ = 	snop  }
.LBB2_10:
0x83: {  	_ =	sfence.sel $0x180000  }
0x84: {  	[bflag:$0x0] =	sbarrier.arrive $0xFFFF  }
0x85: {  	_ =	strace $0x9000004A  }
0x86: {  	s0 =	stileid.u32;
	[bflag:$0x2] =	sbarrier.arrive $0xFFFF  }
0x87: {  	p0 =	sne.s32 s0, $0x0;
	s0 =	rddreg [dreg:$0x2]  }
0x88: {  	s0 =	sadd.s32 @!p0 $0x100000, s0  }
0x89: {  	[sflag:s0] =	ssyncadd.tile.s32 @!p0 $0x1;
	_ =	shalt  }
.Lfunc_end2:
_tile_overlayer_lowered:
.L_overlay_start_2:
0x8a: {  	(tag) =	ssettag $0x2  }
0x8b: {  	s0 =	rddreg [dreg:$0x0];
	s2 =	stileid.u32  }
0x8c: {  	s1 =	rddreg [dreg:$0x1];
	p0 =	sne.s32 s2, $0x0  }
0x8d: {  	s3 =	rddreg [dreg:$0x2];
	[bflag:$0x3] =	sbarrier.arrive $0xFFFF;
	s2 =	simm.s32 @!p0 $0x1C09  }
0x8e: {  	[timem:s3], [sflag:s2] =	dma.local @!p0 [hbm:s0], s1  }
0x8f: {  	s0 =	simm.s32 @!p0 $0x9  }
0x90: {  	_ =	swait.ge @!p0 [sflag:s0], s1  }
0x91: {  	s1 =	ssub.s32 @!p0 $0x0, s1;
	[sflag:s0] =	ssyncset.done @!p0 $0x0  }
0x92: {  	[sflag:s0] =	ssyncadd.s32 @!p0 s1  }
0x93: {  	[bflag:$0x3] =	sbarrier.arrive $0xFFFF  }
0x94: {  	_ =	shalt  }

// kernel: kernel.14.cloned.1.call-start
scs
__scs_entry_jumppad:
0x0: {  	(pc) =	sbr.rel $0x88, $3  }
0x1: {  	(tag) =	ssettag $0x0;
	lr =	simm.s32 $0x1  }
0x2: {  	[smem:$0x3F99] =	sst lr;
	_ =	strace $0xD0000000  }
0x3: {  	_ = 	snop  }
0x4: {  	_ = 	snop  }
0x5: {  	_ = 	snop  }
0x6: {  	_ = 	snop  }
0x7: {  	_ = 	snop  }
__scs_overlays_trampoline_lowered:
0x8: {  	[smem:$0x3FA8] =	sst s0  }
0x9: {  	[smem:$0x3FA9] =	sst s1  }
0xa: {  	[smem:$0x3FAA] =	sst s2  }
0xb: {  	[smem:$0x3FAB] =	sst s3  }
0xc: {  	[smem:$0x3FAC] =	sst s4  }
0xd: {  	[smem:$0x3FAD] =	sst s5  }
0xe: {  	[smem:$0x3FAE] =	sst s6  }
0xf: {  	[smem:$0x3FAF] =	sst s7  }
0x10: {  	[smem:$0x3FB0] =	sst s8  }
0x11: {  	[smem:$0x3FB1] =	sst s9;
	s0 =	simm.s32 @!p0 $0x0  }
0x12: {  	s1 =	sld [smem:$0x3F97];
	s0 =	simm.s32 @p0 $0x1  }
0x13: {  	[smem:$0x3FB2] =	sst s0;
	s0 =	simm.s32 @!p1 $0x0  }
0x14: {  	s2 =	sld [smem:$0x3F96];
	s0 =	simm.s32 @p1 $0x1  }
0x15: {  	[smem:$0x3FB3] =	sst s0;
	s0 =	simm.s32 @!p2 $0x0  }
0x16: {  	s3 =	sld [smem:$0x3FDB];
	s0 =	simm.s32 @p2 $0x1  }
0x17: {  	s4 =	simm.s32 $0x1BF5;
	[smem:$0x3FB5] =	sst s0  }
0x18: {  	s0 =	sld [smem:$0x3F98];
	_ =	swait.ge [sflag:s4], $0x0  }
0x19: {  	s7 =	sld [smem:$0x3F99]  }
0x1a: {  	s8 =	sadd.s32 $0xFFFFE003, lr  }
0x1b: {  	s9 =	sadd.s32 $0xFFFFFEF7, lr;
	s5 =	simm.s32 $0xFFFFFFFF;
	p2 =	slt.u32 s8, $0xFFFFF086  }
0x1c: {  	p1 =	slt.u32 s9, $0xF7A;
	s5 =	simm.s32 @!p2 $0x0  }
0x1d: {  	s5 =	simm.s32 @p1 $0x1;
	p0 =	seq.s32 s7, s2  }
0x1e: {  	s7 =	smul.u32 @!p0 $0xF7A, s2;
	p2 =	seq.s32 @!p0 s5, $0x0  }
0x1f: {  	s9 =	smul.u32 $0xF7A, s1;
	s8 =	simm.s32 @!p0 $0x1BF5;
	p2 =	por !p2, p0  }
0x20: {  	[sflag:s8] =	ssyncset.s32 @!p0 $0xFFFFF086;
	s6 =	sadd.s32 @!p0 s3, s7;
	s7 =	simm.s32 @!p0 $0x108  }
0x21: {  	s3 =	sadd.s32 s3, s9;
	s6 =	sadd.s32 @!p0 $0x88, s6;
	s7 =	simm.s32 @p2 $0x1082  }
0x22: {  	[simem:s7], [sflag:s8] =	dma.local @!p0 [hbm:s6], $0xF7A  }
0x23: {  	s9 =	sor.u32 $0xD0000000, s2;
	s6 =	simm.s32 $0x108;
	_ =	swait.ge @!p0 [sflag:s8], $0x0  }
0x24: {  	s3 =	sadd.s32 $0x88, s3;
	s6 =	simm.s32 @!p1 $0x1082;
	[sflag:s4] =	ssyncset.s32 $0xFFFFF086  }
0x25: {  	[simem:s6], [sflag:s4] =	dma.local [hbm:s3], $0xF7A  }
0x26: {  	[smem:$0x3F99] =	sst s1;
	(tag) =	ssettag s2;
	_ =	strace s9  }
0x27: {  	s1 =	sld [smem:$0x3FA9]  }
0x28: {  	s2 =	sld [smem:$0x3FAA]  }
0x29: {  	s4 =	sld [smem:$0x3FAC]  }
0x2a: {  	p0 =	seq.s32 s5, $0x0;
	s5 =	sld [smem:$0x3FAD]  }
0x2b: {  	s6 =	sld [smem:$0x3FAE]  }
0x2c: {  	s7 =	sld [smem:$0x3FAF]  }
0x2d: {  	s3 =	simm.s32 $0x108;
	s8 =	sld [smem:$0x3FB0]  }
0x2e: {  	s3 =	simm.s32 @!p0 $0x1082;
	s9 =	sld [smem:$0x3FB1]  }
0x2f: {  	lr =	sadd.s32 s0, s3;
	s0 =	sld [smem:$0x3FA8]  }
0x30: {  	s3 =	sld [smem:$0x3FAB]  }
0x31: {  	[smem:$0x3FB4] =	sst s10  }
0x32: {  	s10 =	sld [smem:$0x3FB2];
	_ =	sdelay $0x3  }
0x33: {  	p0 =	seq.s32 s10, $0x1;
	s10 =	sld [smem:$0x3FB4];
	_ =	sdelay $0x3  }
0x34: {  	[smem:$0x3FB4] =	sst s10  }
0x35: {  	s10 =	sld [smem:$0x3FB3];
	_ =	sdelay $0x3  }
0x36: {  	p1 =	seq.s32 s10, $0x1;
	s10 =	sld [smem:$0x3FB4];
	_ =	sdelay $0x3  }
0x37: {  	[smem:$0x3FB4] =	sst s10  }
0x38: {  	s10 =	sld [smem:$0x3FB5]  }
0x39: {  	_ = 	snop;
	(pc) =	sbr.ind lr, $3  }
0x3a: {  	_ = 	snop  }
0x3b: {  	_ = 	snop  }
0x3c: {  	p2 =	seq.s32 s10, $0x1;
	s10 =	sld [smem:$0x3FB4]  }
0x3d: {  	_ =	shalt  }
0x3e: {  	_ =	shalt  }
0x3f: {  	_ =	shalt  }
0x40: {  	_ =	shalt  }
0x41: {  	_ =	shalt  }
0x42: {  	_ =	shalt  }
0x43: {  	_ =	shalt  }
0x44: {  	_ =	shalt  }
0x45: {  	_ =	shalt  }
0x46: {  	_ =	shalt  }
0x47: {  	_ =	shalt  }
0x48: {  	_ =	shalt  }
0x49: {  	_ =	shalt  }
0x4a: {  	_ =	shalt  }
0x4b: {  	_ =	shalt  }
0x4c: {  	_ =	shalt  }
0x4d: {  	_ =	shalt  }
0x4e: {  	_ =	shalt  }
0x4f: {  	_ =	shalt  }
0x50: {  	_ =	shalt  }
0x51: {  	_ =	shalt  }
0x52: {  	_ =	shalt  }
0x53: {  	_ =	shalt  }
0x54: {  	_ =	shalt  }
0x55: {  	_ =	shalt  }
0x56: {  	_ =	shalt  }
0x57: {  	_ =	shalt  }
0x58: {  	_ =	shalt  }
0x59: {  	_ =	shalt  }
0x5a: {  	_ =	shalt  }
0x5b: {  	_ =	shalt  }
0x5c: {  	_ =	shalt  }
0x5d: {  	_ =	shalt  }
0x5e: {  	_ =	shalt  }
0x5f: {  	_ =	shalt  }
0x60: {  	_ =	shalt  }
0x61: {  	_ =	shalt  }
0x62: {  	_ =	shalt  }
0x63: {  	_ =	shalt  }
0x64: {  	_ =	shalt  }
0x65: {  	_ =	shalt  }
0x66: {  	_ =	shalt  }
0x67: {  	_ =	shalt  }
0x68: {  	_ =	shalt  }
0x69: {  	_ =	shalt  }
0x6a: {  	_ =	shalt  }
0x6b: {  	_ =	shalt  }
0x6c: {  	_ =	shalt  }
0x6d: {  	_ =	shalt  }
0x6e: {  	_ =	shalt  }
0x6f: {  	_ =	shalt  }
0x70: {  	_ =	shalt  }
0x71: {  	_ =	shalt  }
0x72: {  	_ =	shalt  }
0x73: {  	_ =	shalt  }
0x74: {  	_ =	shalt  }
0x75: {  	_ =	shalt  }
0x76: {  	_ =	shalt  }
0x77: {  	_ =	shalt  }
0x78: {  	_ =	shalt  }
0x79: {  	_ =	shalt  }
0x7a: {  	_ =	shalt  }
0x7b: {  	_ =	shalt  }
0x7c: {  	_ =	shalt  }
0x7d: {  	_ =	shalt  }
0x7e: {  	_ =	shalt  }
0x7f: {  	_ =	shalt  }
0x80: {  	_ =	shalt  }
0x81: {  	_ =	shalt  }
0x82: {  	_ =	shalt  }
0x83: {  	_ =	shalt  }
0x84: {  	_ =	shalt  }
0x85: {  	_ =	shalt  }
0x86: {  	_ =	shalt  }
0x87: {  	_ =	shalt  }
.Lfunc_end0:
.L_simem_size_0:
called_computation.2_lowered:
.L_overlay_start_0:
0x88: {  	s2 =	sld [smem:$0x3FD9]  }
0x89: {  	s3 =	sld [smem:$0x3FFE];
	_ =	sdelay $0x1  }
0x8a: {  	s1 =	srdreg.scid  }
0x8b: {  	s0 =	sand.u32 $0x1, s1  }
0x8c: {  	s16 =	sshll.u32 s0, $0xA;
	s2 =	sadd.s32 s3, s2  }
0x8d: {  	s2 =	sadd.s32 s2, s16  }
0x8e: {  	[smem:$0x3FC0] =	sst s2  }
0x8f: {  	_ = 	snop  }
0x90: {  	(tm) =	ssettm $0x1  }
0x91: {  	s17 =	sld [smem:$0x3FFB];
	_ =	sdelay $0x3  }
0x92: {  	_ =	strace s17  }
0x93: {  	s2 =	sld [smem:$0x3FFC];
	_ =	sdelay $0x3  }
0x94: {  	_ =	strace s2  }
0x95: {  	s2 =	sld [smem:$0x3FFD];
	_ =	sdelay $0x3  }
0x96: {  	_ =	strace s2  }
0x97: {  	_ =	strace $0x8FFFFFFF  }
0x98: {  	s18 =	sld [smem:$0x3FDB];
	_ =	sdelay $0x1  }
0x99: {  	s19 =	simm.s32 $_scs_section_size  }
0x9a: {  	s4 =	simm.s32 $_size__tile_overlayer_lowered;
	s5 =	simm.s32 $_tile_overlayer_lowered  }
0x9b: {  	s22 =	simm.s32 $0x1BFF;
	s21 =	sshll.u32 s5, $0x1;
	s2 =	sadd.s32 s19, s18  }
0x9c: {  	s6 =	simm.s32 $0x0;
	s20 =	sshll.u32 s4, $0x1;
	s4 =	sadd.s32 s21, s2  }
0x9d: {  	[timem:s6], [sflag:s22] =	dma.local [hbm:s4], s20  }
0x9e: {  	_ =	swait.ge [sflag:s22], s20  }
0x9f: {  	s3 =	ssub.s32 $0x0, s20;
	[sflag:s22] =	ssyncset.done $0x0  }
0xa0: {  	[sflag:s22] =	ssyncadd.s32 s3;
	_ =	sdelay $0x1  }
0xa1: {  	s23 =	simm.s32 $0x1B8B  }
0xa2: {  	_ =	swait.ge [sflag:s23], $0x1  }
0xa3: {  	[sflag:s23] =	ssyncset.done $0x0  }
0xa4: {  	s25 =	simm.s32 $0x1B8E;
	s24 =	sld [smem:$0x3FFE];
	[sflag:s23] =	ssyncadd.s32 $0xFFFFFFFF  }
0xa5: {  	s26 =	simm.s32 $execute0_lowered;
	[smem:$0x3FD2] =	sst s25  }
0xa6: {  	s4 =	sshll.u32 s26, $0x1;
	_ =	strace $0x8000004C;
	[dreg:$0x1] =	wrdreg $0xFFFFFFFF  }
0xa7: {  	s28 =	simm.s32 $_size_execute0_lowered;
	s2 =	sadd.s32 s2, s4;
	[dreg:$0x0] =	wrdreg $0x0  }
0xa8: {  	s4 =	sshll.u32 s28, $0x1;
	[dreg:$0x2] =	wrdreg s2  }
0xa9: {  	[dreg:$0x3] =	wrdreg s4  }
0xaa: {  	[dreg:$0x4] =	wrdreg $0xC0  }
0xab: {  	_ =	task [dreg:s6], $0x5FFFF  }
0xac: {  	[dreg:$0x1] =	wrdreg $0xFFFFFFFF  }
0xad: {  	[dreg:$0x0] =	wrdreg $0x60  }
0xae: {  	[dreg:$0x2] =	wrdreg s24  }
0xaf: {  	[dreg:$0x3] =	wrdreg $0xA4000  }
0xb0: {  	[dreg:$0x4] =	wrdreg $0x9  }
0xb1: {  	_ =	task.clear_ibuf [dreg:s6], $0x5FFFF;
	_ =	strace $0x9000004C  }
0xb2: {  	s29 =	simm.s32 $0x9;
	_ =	strace $0x8000004E  }
0xb3: {  	_ =	swait.ge [sflag:s29], $0x1  }
0xb4: {  	[sflag:s29] =	ssyncadd.s32 $0xFFFFFFFF  }
0xb5: {  	_ =	strace $0x9000004E  }
0xb6: {  	_ =	sfence  }
0xb7: {  	s30 =	sld [smem:$0x0];
	_ =	sdelay $0x2  }
0xb8: {  	s31 =	sshll.u32 s1, $0xD;
	s1 =	sshrl.u32 s1, $0x2  }
0xb9: {  	s3 =	sand.u32 $0x4000, s31;
	s1 =	sadd.s32 s1, s30  }
0xba: {  	s0 =	sor.u32 s3, s0;
	s1 =	sshll.u32 s1, $0x11  }
0xbb: {  	s0 =	sor.u32 s1, s0  }
0xbc: {  	s0 =	sadd.s32 $0x8F2B, s0  }
0xbd: {  	[sflag:s0] =	ssyncadd.remote.s32 $0x1  }
0xbe: {  	_ =	sfence.sel $0xFFFF  }
0xbf: {  	[dreg:$0x0] =	wrdreg $0xFFFFFFFF;
	(pc) =	sbr.abs _section_cstart, $3  }
0xc0: {  	[dreg:$0x1] =	wrdreg $0xFFFFFFFF  }
0xc1: {  	_ =	task.clear_ibuf [dreg:s6], $0x2FFFF;
	_ =	strace $0x9FFFFFFF  }
0xc2: {  	(tm) =	ssettm $0x7FFFFFFF  }
0xc3: {  	_ =	shalt  }
tec
execute0_lowered:
.L_overlay_start_1:
0x0: {  	(tag) =	ssettag $0x1  }
0x1: {  	s0 =	srdreg.scid;
	s1 =	rddreg [dreg:$0x0]  }
0x2: {  	s11 =	stileid.u32;
	s2 =	rddreg [dreg:$0x1];
	s5 =	simm.s32 $0x0  }
0x3: {  	s20 =	simm.s32 $0x400;
	s21 =	simm.s32 $0x1;
	s22 =	simm.s32 $0x80  }
0x4: {  	s28 =	simm.s32 $0x50;
	s29 =	simm.s32 $0x2;
	s4 =	smul.u32 $0x14000, s11  }
0x5: {  	s31 =	simm.s32 $0x3;
	s0 =	sand.u32 $0x1, s0;
	s23 =	smul.u32 $0x50000, s11  }
0x6: {  	[smem:$0x7FF] =	sst s5;
	s6 =	sadd.s32 $0x2600, s1;
	s15 =	smul.u32 $0x3E80, s11  }
0x7: {  	s3 =	smul.u32 $0x140000, s0;
	_ =	strace $0x8000004D;
	s24 =	ssub.s32 $0x2, s0  }
0x8: {  	s7 =	sshll.u32 s0, $0x4;
	s0 =	smul.u32 $0x3E800, s0;
	s5 =	sshrl.u32 s23, $0x2  }
0x9: {  	s8 =	sshrl.u32 s24, $0x1;
	s7 =	sor.u32 s11, s7;
	s23 =	simm.s32 $0x7D000  }
0xa: {  	s3 =	sadd.s32 s4, s3;
	s4 =	sadd.s32 $0x21A00, s1;
	s5 =	sadd.s32 s5, s2  }
0xb: {  	s10 =	smul.u32 $0x3E80, s7;
	s0 =	sadd.s32 s15, s0;
	s3 =	sshrl.u32 s3, $0x3  }
0xc: {  	s25 =	sadd.s32 $0x2800, s5;
	s26 =	sadd.s32 $0x5000, s5;
	s30 =	sadd.s32 $0x7800, s5  }
0xd: {  	s9 =	sadd.s32 $0xA000, s5;
	s11 =	sadd.s32 $0xF000, s5;
	[dreg:$0x3] =	wrdreg s25  }
0xe: {  	s13 =	sadd.s32 $0x11800, s5;
	s0 =	sadd.s32 $0x200, s0;
	[dreg:$0x4] =	wrdreg s26  }
0xf: {  	s1 =	sadd.s32 s3, s1;
	s3 =	ssub.s32 s24, s8;
	[dreg:$0x5] =	wrdreg s30  }
.Ltmp0:
0x10: {  	s12 =	sshrl.u32 s10, $0x3;
	s10 =	sadd.s32 $0xC800, s5;
	(pc) =	sbr.rel .LBB2_1-.Ltmp0, $4  }
0x11: {  	s0 =	sshrl.u32 s0, $0x3;
	s24 =	simm.s32 $0x100;
	s25 =	simm.s32 $0x200  }
0x12: {  	s26 =	simm.s32 $0x0;
	s12 =	sadd.s32 s6, s12;
	s17 =	sadd.s32 $0x48C00, s1  }
0x13: {  	s18 =	smax.u32 s3, $0x1;
	s1 =	sadd.s32 s0, s6;
	s0 =	simm.s32 $0x9  }
0x14: {  	v0 =	vimm.f32 $0.0e+00;
	s14 =	sadd.s32 $0x10, s12;
	s15 =	sadd.s32 $0x20, s12;
	s16 =	sadd.s32 $0x30, s12  }
.LBB2_9:
0x15: {  	s3 =	stileid.u32;
	s26 =	sadd.s32 $0x1, s26  }
0x16: {  	[bflag:$0x0] =	sbarrier.arrive $0xFFFF;
	s3 =	sshll.u32 s3, $0x6;
	p0 =	sne.s32 s26, s18  }
.Ltmp1:
0x17: {  	s6 =	sshrl.u32 s5, $0x3;
	s3 =	sor.u32 $0x1C09, s3;
	(pc) =	sbr.rel @!p0 .LBB2_10-.Ltmp1, $4  }
0x18: {  	[hbm:s17], [sflag:s3] =	dma.local [spmem:s6], $0x2800  }
0x19: {  	_ =	swait.ge [sflag:s0], $0x2800  }
0x1a: {  	[sflag:s0] =	ssyncset.done $0x0  }
0x1b: {  	[sflag:s0] =	ssyncadd.s32 $0xFFFFD800  }
.LBB2_1:
0x1c: {  	s6 =	simm.s32 $0x0  }
0x1d: {  	s3 =	sand.u32 $0xFE00, s6  }
0x1e: {  	s6 =	sand.u32 $0x70, s6;
	s3 =	sshrl.u32 s3, $0x2  }
0x1f: {  	s19 =	simm.s32 $0x40;
	s30 =	simm.s32 $0x0;
	s3 =	sor.u32 s6, s3  }
.LBB2_2:
0x20: {  	p0 =	sne.s32 s19, $0x9FC0  }
0x21: {  	[tilespmem:s3+$0x400] =	vst v0;
	s30 =	sadd.s32 $0x10, s30;
	s3 =	smov.u32 s19;
	s19 =	sadd.s32 $0x40, s19  }
.Ltmp2:
0x22: {  	(pc) =	sbr.rel @p0 .LBB2_2-.Ltmp2, $4  }
0x23: {  	_ = 	snop  }
0x24: {  	s3 =	sand.u32 $0xFE00, s3  }
0x25: {  	s6 =	sand.u32 $0x70, s30;
	s3 =	sshrl.u32 s3, $0x2  }
0x26: {  	s3 =	sor.u32 s6, s3  }
0x27: {  	[tilespmem:s3+$0x400] =	vst v0  }
0x28: {  	[spmem:s5] =	stream.linear.scatter [tilespmem:s20], [sflag:$0x1], $0x2800, $0x38;
	[tilespmem:$0x1E400] =	vst v63  }
0x29: {  	s8 =	rddreg [dreg:$0x3]  }
0x2a: {  	[spmem:s8] =	stream.linear.scatter [tilespmem:s20], [sflag:$0x1], $0x2800, $0x38;
	[tilespmem:$0x1E400] =	vst v63  }
0x2b: {  	s19 =	rddreg [dreg:$0x4]  }
0x2c: {  	[spmem:s19] =	stream.linear.scatter [tilespmem:s20], [sflag:$0x1], $0x2800, $0x38;
	[tilespmem:$0x1E400] =	vst v63  }
0x2d: {  	s6 =	rddreg [dreg:$0x5]  }
0x2e: {  	[spmem:s6] =	stream.linear.scatter [tilespmem:s20], [sflag:$0x1], $0x2800, $0x38;
	[tilespmem:$0x1E400] =	vst v63  }
0x2f: {  	_ = 	snop  }
0x30: {  	[spmem:s9] =	stream.linear.scatter [tilespmem:s20], [sflag:$0x1], $0x2800, $0x38;
	[tilespmem:$0x1E400] =	vst v63  }
0x31: {  	_ = 	snop  }
0x32: {  	[spmem:s10] =	stream.linear.scatter [tilespmem:s20], [sflag:$0x1], $0x2800, $0x38;
	[tilespmem:$0x1E400] =	vst v63  }
0x33: {  	_ = 	snop  }
0x34: {  	[spmem:s11] =	stream.linear.scatter [tilespmem:s20], [sflag:$0x1], $0x2800, $0x38;
	[tilespmem:$0x1E400] =	vst v63  }
0x35: {  	_ = 	snop  }
0x36: {  	[spmem:s13] =	stream.linear.scatter [tilespmem:s20], [sflag:$0x1], $0x2800, $0x38;
	[tilespmem:$0x1E400] =	vst v63  }
0x37: {  	_ =	swait.ge [sflag:s21], $0x2800  }
0x38: {  	[sflag:s21] =	ssyncset.done $0x0  }
0x39: {  	[sflag:s21] =	ssyncadd.s32 $0xFFFFD800  }
0x3a: {  	_ =	swait.ge [sflag:s21], $0x2800  }
0x3b: {  	[sflag:s21] =	ssyncset.done $0x0  }
0x3c: {  	[sflag:s21] =	ssyncadd.s32 $0xFFFFD800  }
0x3d: {  	_ =	swait.ge [sflag:s21], $0x2800  }
0x3e: {  	[sflag:s21] =	ssyncset.done $0x0  }
0x3f: {  	[sflag:s21] =	ssyncadd.s32 $0xFFFFD800  }
0x40: {  	_ =	swait.ge [sflag:s21], $0x2800  }
0x41: {  	[sflag:s21] =	ssyncset.done $0x0  }
0x42: {  	[sflag:s21] =	ssyncadd.s32 $0xFFFFD800  }
0x43: {  	_ =	swait.ge [sflag:s21], $0x2800  }
0x44: {  	[sflag:s21] =	ssyncset.done $0x0  }
0x45: {  	[sflag:s21] =	ssyncadd.s32 $0xFFFFD800  }
0x46: {  	_ =	swait.ge [sflag:s21], $0x2800  }
0x47: {  	[sflag:s21] =	ssyncset.done $0x0  }
0x48: {  	[sflag:s21] =	ssyncadd.s32 $0xFFFFD800  }
0x49: {  	_ =	swait.ge [sflag:s21], $0x2800  }
0x4a: {  	[sflag:s21] =	ssyncset.done $0x0  }
0x4b: {  	[sflag:s21] =	ssyncadd.s32 $0xFFFFD800  }
0x4c: {  	_ =	swait.ge [sflag:s21], $0x2800  }
0x4d: {  	[sflag:s21] =	ssyncset.done $0x0  }
0x4e: {  	[sflag:s21] =	ssyncadd.s32 $0xFFFFD800  }
0x4f: {  	s30 =	simm.s32 $0x0;
	[bflag:$0x0] =	sbarrier.arrive $0xFFFF  }
0x50: {  	[tilespmem:s30], [sflag:$0x1] =	stream.strided.gather [hbm4b:s12+s22], $0x100, s23, s22, $0x38;
	[tilespmem:$0x1E400] =	vst v63  }
0x51: {  	_ = 	snop  }
0x52: {  	[tilespmem:s24], [sflag:$0x2] =	stream.strided.gather [hbm4b:s14+s22], $0x100, s23, s22, $0x38;
	[tilespmem:$0x1E400] =	vst v63  }
0x53: {  	_ = 	snop  }
0x54: {  	[tilespmem:s25], [sflag:$0x3] =	stream.strided.gather [hbm4b:s15+s22], $0x100, s23, s22, $0x38;
	[tilespmem:$0x1E400] =	vst v63  }
0x55: {  	s7 =	simm.s32 $0x300  }
0x56: {  	[tilespmem:s7], [sflag:$0x4] =	stream.strided.gather [hbm4b:s16+s22], $0x100, s23, s22, $0x38;
	[tilespmem:$0x1E400] =	vst v63  }
0x57: {  	_ =	swait.ge [sflag:s21], $0x100  }
0x58: {  	[sflag:s21] =	ssyncset.done $0x0  }
0x59: {  	[sflag:s21] =	ssyncadd.s32 $0xFFFFFF00  }
0x5a: {  	[tilespmem:s20], [sflag:$0x5] =	stream.indirect.gather [hbm4b:s4+s28], $0x80, s30, s28, $0xb8;
	[tilespmem:$0x1E400] =	vst v63  }
0x5b: {  	_ =	swait.ge [sflag:s29], $0x100  }
0x5c: {  	[sflag:s29] =	ssyncset.done $0x0  }
0x5d: {  	s8 =	simm.s32 $0x2C00;
	[sflag:s29] =	ssyncadd.s32 $0xFFFFFF00  }
0x5e: {  	[tilespmem:s8], [sflag:$0x6] =	stream.indirect.gather [hbm4b:s4+s28], $0x80, s24, s28, $0xb8;
	[tilespmem:$0x1E400] =	vst v63  }
.Ltmp3:
0x5f: {  	_ =	swait.ge [sflag:s31], $0x100;
	(pc) =	sbr.rel .LBB2_4-.Ltmp3, $4  }
0x60: {  	[sflag:s31] =	ssyncset.done $0x0  }
0x61: {  	s19 =	simm.s32 $0x5400;
	[sflag:s31] =	ssyncadd.s32 $0xFFFFFF00  }
0x62: {  	[tilespmem:s19], [sflag:$0x7] =	stream.indirect.gather [hbm4b:s4+s28], $0x80, s25, s28, $0xb8;
	[tilespmem:$0x1E400] =	vst v63  }
0x63: {  	s19 =	smov.u32 s1  }
.LBB2_5:
0x64: {  	s3 =	sadd.s32 $0x1, s3  }
0x65: {  	[tilespmem:s6], [sflag:s3] =	stream.strided.gather [hbm4b:s19+s22], $0x100, s23, s22, $0x38;
	[tilespmem:$0x1E400] =	vst v63  }
.LBB2_7:
0x66: {  	s3 =	sadd.s32 $0xFFFFFFFF, s30  }
0x67: {  	s3 =	sand.u32 $0x3, s3  }
0x68: {  	s6 =	sadd.s32 $0x1, s3;
	s7 =	smul.u32 $0xA000, s3  }
0x69: {  	_ =	swait.ge [sflag:s6], $0x100  }
0x6a: {  	s8 =	sshll.u32 s3, $0x8;
	[sflag:s6] =	ssyncset.done $0x0;
	s7 =	sshrl.u32 s7, $0x2  }
0x6b: {  	s3 =	sadd.s32 $0x5, s3;
	[sflag:s6] =	ssyncadd.s32 $0xFFFFFF00;
	s6 =	sor.u32 $0x400, s7  }
0x6c: {  	[tilespmem:s6], [sflag:s3] =	stream.indirect.gather [hbm4b:s4+s28], $0x80, s8, s28, $0xb8;
	[tilespmem:$0x1E400] =	vst v63  }
.LBB2_8:
0x6d: {  	s30 =	sadd.s32 $0x1, s30  }
0x6e: {  	p0 =	sne.s32 s30, $0x7D  }
.Ltmp4:
0x6f: {  	_ = 	snop;
	(pc) =	sbr.rel @!p0 .LBB2_9-.Ltmp4, $2  }
0x70: {  	_ =	sdelay $0x2  }
0x71: {  	s19 =	sadd.s32 $0x10, s19  }
.LBB2_4:
0x72: {  	s3 =	sand.u32 $0x3, s30  }
0x73: {  	s7 =	sadd.s32 $0x5, s3  }
0x74: {  	s6 =	smul.u32 $0xA000, s3;
	_ =	swait.ge [sflag:s7], $0x2800  }
0x75: {  	p0 =	sgt.u32 s30, $0x78;
	[sflag:s7] =	ssyncset.done $0x0  }
0x76: {  	s8 =	sshrl.u32 s6, $0x2;
	s6 =	sshll.u32 s3, $0x8;
	[sflag:s7] =	ssyncadd.s32 $0xFFFFD800  }
.Ltmp5:
0x77: {  	s7 =	sor.u32 $0x400, s8;
	s8 =	sor.u32 $0x80, s6;
	(pc) =	sbr.rel @!p0 .LBB2_5-.Ltmp5, $4  }
0x78: {  	[spmem:s2] =	stream.indirect.scatter.add.f32 [tilespmem:s7], [sflag:$0x9], $0x80, s8, s28, $0xb8;
	[tilespmem:$0x1E400] =	vst v63  }
0x79: {  	_ =	swait.ge [sflag:s0], $0x2800  }
0x7a: {  	[sflag:s0] =	ssyncset.done $0x0  }
0x7b: {  	[sflag:s0] =	ssyncadd.s32 $0xFFFFD800  }
0x7c: {  	p0 =	sne.s32 s30, $0x79  }
.Ltmp6:
0x7d: {  	_ = 	snop;
	(pc) =	sbr.rel @p0 .LBB2_8-.Ltmp6, $4  }
.Ltmp7:
0x7e: {  	_ = 	snop;
	(pc) =	sbr.rel @!p0 .LBB2_7-.Ltmp7, $4  }
0x7f: {  	_ = 	snop  }
0x80: {  	_ = 	snop  }
0x81: {  	_ = 	snop  }
0x82: {  	_ = 	snop  }
.LBB2_10:
0x83: {  	_ =	sfence.sel $0x180000  }
0x84: {  	[bflag:$0x0] =	sbarrier.arrive $0xFFFF  }
0x85: {  	_ =	strace $0x9000004D  }
0x86: {  	s0 =	stileid.u32;
	[bflag:$0x2] =	sbarrier.arrive $0xFFFF  }
0x87: {  	p0 =	sne.s32 s0, $0x0;
	s0 =	rddreg [dreg:$0x2]  }
0x88: {  	s0 =	sadd.s32 @!p0 $0x100000, s0  }
0x89: {  	[sflag:s0] =	ssyncadd.tile.s32 @!p0 $0x1;
	_ =	shalt  }
.Lfunc_end2:
_tile_overlayer_lowered:
.L_overlay_start_2:
0x8a: {  	(tag) =	ssettag $0x2  }
0x8b: {  	s0 =	rddreg [dreg:$0x0];
	s2 =	stileid.u32  }
0x8c: {  	s1 =	rddreg [dreg:$0x1];
	p0 =	sne.s32 s2, $0x0  }
0x8d: {  	s3 =	rddreg [dreg:$0x2];
	[bflag:$0x3] =	sbarrier.arrive $0xFFFF;
	s2 =	simm.s32 @!p0 $0x1C09  }
0x8e: {  	[timem:s3], [sflag:s2] =	dma.local @!p0 [hbm:s0], s1  }
0x8f: {  	s0 =	simm.s32 @!p0 $0x9  }
0x90: {  	_ =	swait.ge @!p0 [sflag:s0], s1  }
0x91: {  	s1 =	ssub.s32 @!p0 $0x0, s1;
	[sflag:s0] =	ssyncset.done @!p0 $0x0  }
0x92: {  	[sflag:s0] =	ssyncadd.s32 @!p0 s1  }
0x93: {  	[bflag:$0x3] =	sbarrier.arrive $0xFFFF  }
0x94: {  	_ =	shalt  }

// kernel: kernel.8.cloned.1.call-start
scs
__scs_entry_jumppad:
0x0: {  	(pc) =	sbr.rel $0x88, $3  }
0x1: {  	(tag) =	ssettag $0x0;
	lr =	simm.s32 $0x1  }
0x2: {  	[smem:$0x3F99] =	sst lr;
	_ =	strace $0xD0000000  }
0x3: {  	_ = 	snop  }
0x4: {  	_ = 	snop  }
0x5: {  	_ = 	snop  }
0x6: {  	_ = 	snop  }
0x7: {  	_ = 	snop  }
__scs_overlays_trampoline_lowered:
0x8: {  	[smem:$0x3FA8] =	sst s0  }
0x9: {  	[smem:$0x3FA9] =	sst s1  }
0xa: {  	[smem:$0x3FAA] =	sst s2  }
0xb: {  	[smem:$0x3FAB] =	sst s3  }
0xc: {  	[smem:$0x3FAC] =	sst s4  }
0xd: {  	[smem:$0x3FAD] =	sst s5  }
0xe: {  	[smem:$0x3FAE] =	sst s6  }
0xf: {  	[smem:$0x3FAF] =	sst s7  }
0x10: {  	[smem:$0x3FB0] =	sst s8  }
0x11: {  	[smem:$0x3FB1] =	sst s9;
	s0 =	simm.s32 @!p0 $0x0  }
0x12: {  	s1 =	sld [smem:$0x3F97];
	s0 =	simm.s32 @p0 $0x1  }
0x13: {  	[smem:$0x3FB2] =	sst s0;
	s0 =	simm.s32 @!p1 $0x0  }
0x14: {  	s2 =	sld [smem:$0x3F96];
	s0 =	simm.s32 @p1 $0x1  }
0x15: {  	[smem:$0x3FB3] =	sst s0;
	s0 =	simm.s32 @!p2 $0x0  }
0x16: {  	s3 =	sld [smem:$0x3FDB];
	s0 =	simm.s32 @p2 $0x1  }
0x17: {  	s4 =	simm.s32 $0x1BF5;
	[smem:$0x3FB5] =	sst s0  }
0x18: {  	s0 =	sld [smem:$0x3F98];
	_ =	swait.ge [sflag:s4], $0x0  }
0x19: {  	s7 =	sld [smem:$0x3F99]  }
0x1a: {  	s8 =	sadd.s32 $0xFFFFE003, lr  }
0x1b: {  	s9 =	sadd.s32 $0xFFFFFEF7, lr;
	s5 =	simm.s32 $0xFFFFFFFF;
	p2 =	slt.u32 s8, $0xFFFFF086  }
0x1c: {  	p1 =	slt.u32 s9, $0xF7A;
	s5 =	simm.s32 @!p2 $0x0  }
0x1d: {  	s5 =	simm.s32 @p1 $0x1;
	p0 =	seq.s32 s7, s2  }
0x1e: {  	s7 =	smul.u32 @!p0 $0xF7A, s2;
	p2 =	seq.s32 @!p0 s5, $0x0  }
0x1f: {  	s9 =	smul.u32 $0xF7A, s1;
	s8 =	simm.s32 @!p0 $0x1BF5;
	p2 =	por !p2, p0  }
0x20: {  	[sflag:s8] =	ssyncset.s32 @!p0 $0xFFFFF086;
	s6 =	sadd.s32 @!p0 s3, s7;
	s7 =	simm.s32 @!p0 $0x108  }
0x21: {  	s3 =	sadd.s32 s3, s9;
	s6 =	sadd.s32 @!p0 $0x88, s6;
	s7 =	simm.s32 @p2 $0x1082  }
0x22: {  	[simem:s7], [sflag:s8] =	dma.local @!p0 [hbm:s6], $0xF7A  }
0x23: {  	s9 =	sor.u32 $0xD0000000, s2;
	s6 =	simm.s32 $0x108;
	_ =	swait.ge @!p0 [sflag:s8], $0x0  }
0x24: {  	s3 =	sadd.s32 $0x88, s3;
	s6 =	simm.s32 @!p1 $0x1082;
	[sflag:s4] =	ssyncset.s32 $0xFFFFF086  }
0x25: {  	[simem:s6], [sflag:s4] =	dma.local [hbm:s3], $0xF7A  }
0x26: {  	[smem:$0x3F99] =	sst s1;
	(tag) =	ssettag s2;
	_ =	strace s9  }
0x27: {  	s1 =	sld [smem:$0x3FA9]  }
0x28: {  	s2 =	sld [smem:$0x3FAA]  }
0x29: {  	s4 =	sld [smem:$0x3FAC]  }
0x2a: {  	p0 =	seq.s32 s5, $0x0;
	s5 =	sld [smem:$0x3FAD]  }
0x2b: {  	s6 =	sld [smem:$0x3FAE]  }
0x2c: {  	s7 =	sld [smem:$0x3FAF]  }
0x2d: {  	s3 =	simm.s32 $0x108;
	s8 =	sld [smem:$0x3FB0]  }
0x2e: {  	s3 =	simm.s32 @!p0 $0x1082;
	s9 =	sld [smem:$0x3FB1]  }
0x2f: {  	lr =	sadd.s32 s0, s3;
	s0 =	sld [smem:$0x3FA8]  }
0x30: {  	s3 =	sld [smem:$0x3FAB]  }
0x31: {  	[smem:$0x3FB4] =	sst s10  }
0x32: {  	s10 =	sld [smem:$0x3FB2];
	_ =	sdelay $0x3  }
0x33: {  	p0 =	seq.s32 s10, $0x1;
	s10 =	sld [smem:$0x3FB4];
	_ =	sdelay $0x3  }
0x34: {  	[smem:$0x3FB4] =	sst s10  }
0x35: {  	s10 =	sld [smem:$0x3FB3];
	_ =	sdelay $0x3  }
0x36: {  	p1 =	seq.s32 s10, $0x1;
	s10 =	sld [smem:$0x3FB4];
	_ =	sdelay $0x3  }
0x37: {  	[smem:$0x3FB4] =	sst s10  }
0x38: {  	s10 =	sld [smem:$0x3FB5]  }
0x39: {  	_ = 	snop;
	(pc) =	sbr.ind lr, $3  }
0x3a: {  	_ = 	snop  }
0x3b: {  	_ = 	snop  }
0x3c: {  	p2 =	seq.s32 s10, $0x1;
	s10 =	sld [smem:$0x3FB4]  }
0x3d: {  	_ =	shalt  }
0x3e: {  	_ =	shalt  }
0x3f: {  	_ =	shalt  }
0x40: {  	_ =	shalt  }
0x41: {  	_ =	shalt  }
0x42: {  	_ =	shalt  }
0x43: {  	_ =	shalt  }
0x44: {  	_ =	shalt  }
0x45: {  	_ =	shalt  }
0x46: {  	_ =	shalt  }
0x47: {  	_ =	shalt  }
0x48: {  	_ =	shalt  }
0x49: {  	_ =	shalt  }
0x4a: {  	_ =	shalt  }
0x4b: {  	_ =	shalt  }
0x4c: {  	_ =	shalt  }
0x4d: {  	_ =	shalt  }
0x4e: {  	_ =	shalt  }
0x4f: {  	_ =	shalt  }
0x50: {  	_ =	shalt  }
0x51: {  	_ =	shalt  }
0x52: {  	_ =	shalt  }
0x53: {  	_ =	shalt  }
0x54: {  	_ =	shalt  }
0x55: {  	_ =	shalt  }
0x56: {  	_ =	shalt  }
0x57: {  	_ =	shalt  }
0x58: {  	_ =	shalt  }
0x59: {  	_ =	shalt  }
0x5a: {  	_ =	shalt  }
0x5b: {  	_ =	shalt  }
0x5c: {  	_ =	shalt  }
0x5d: {  	_ =	shalt  }
0x5e: {  	_ =	shalt  }
0x5f: {  	_ =	shalt  }
0x60: {  	_ =	shalt  }
0x61: {  	_ =	shalt  }
0x62: {  	_ =	shalt  }
0x63: {  	_ =	shalt  }
0x64: {  	_ =	shalt  }
0x65: {  	_ =	shalt  }
0x66: {  	_ =	shalt  }
0x67: {  	_ =	shalt  }
0x68: {  	_ =	shalt  }
0x69: {  	_ =	shalt  }
0x6a: {  	_ =	shalt  }
0x6b: {  	_ =	shalt  }
0x6c: {  	_ =	shalt  }
0x6d: {  	_ =	shalt  }
0x6e: {  	_ =	shalt  }
0x6f: {  	_ =	shalt  }
0x70: {  	_ =	shalt  }
0x71: {  	_ =	shalt  }
0x72: {  	_ =	shalt  }
0x73: {  	_ =	shalt  }
0x74: {  	_ =	shalt  }
0x75: {  	_ =	shalt  }
0x76: {  	_ =	shalt  }
0x77: {  	_ =	shalt  }
0x78: {  	_ =	shalt  }
0x79: {  	_ =	shalt  }
0x7a: {  	_ =	shalt  }
0x7b: {  	_ =	shalt  }
0x7c: {  	_ =	shalt  }
0x7d: {  	_ =	shalt  }
0x7e: {  	_ =	shalt  }
0x7f: {  	_ =	shalt  }
0x80: {  	_ =	shalt  }
0x81: {  	_ =	shalt  }
0x82: {  	_ =	shalt  }
0x83: {  	_ =	shalt  }
0x84: {  	_ =	shalt  }
0x85: {  	_ =	shalt  }
0x86: {  	_ =	shalt  }
0x87: {  	_ =	shalt  }
.Lfunc_end0:
.L_simem_size_0:
called_computation_lowered:
.L_overlay_start_0:
0x88: {  	s2 =	sld [smem:$0x3FD9]  }
0x89: {  	s3 =	sld [smem:$0x3FFE];
	_ =	sdelay $0x1  }
0x8a: {  	s1 =	srdreg.scid  }
0x8b: {  	s0 =	sand.u32 $0x1, s1  }
0x8c: {  	s17 =	sshll.u32 s0, $0xA;
	s2 =	sadd.s32 s3, s2  }
0x8d: {  	s2 =	sadd.s32 s2, s17  }
0x8e: {  	[smem:$0x3FC0] =	sst s2  }
0x8f: {  	_ = 	snop  }
0x90: {  	s2 =	sld [smem:$0x3FD0];
	(tm) =	ssettm $0x1  }
0x91: {  	s18 =	sld [smem:$0x3FFB];
	_ =	sdelay $0x3  }
0x92: {  	_ =	strace s18  }
0x93: {  	s3 =	sld [smem:$0x3FFC];
	_ =	sdelay $0x3  }
0x94: {  	_ =	strace s3  }
0x95: {  	s3 =	sld [smem:$0x3FFD];
	_ =	sdelay $0x3  }
0x96: {  	_ =	strace s3  }
0x97: {  	_ =	strace $0x8FFFFFFF  }
0x98: {  	s19 =	sld [smem:$0x3FDB];
	_ =	sdelay $0x1  }
0x99: {  	s4 =	simm.s32 $_scs_section_size  }
0x9a: {  	s5 =	simm.s32 $_size__tile_overlayer_lowered;
	s6 =	simm.s32 $_tile_overlayer_lowered  }
0x9b: {  	s22 =	simm.s32 $0x1BFF;
	s21 =	sshll.u32 s6, $0x1;
	s3 =	sadd.s32 s4, s19  }
0x9c: {  	s7 =	simm.s32 $0x0;
	s20 =	sshll.u32 s5, $0x1;
	s5 =	sadd.s32 s21, s3  }
0x9d: {  	[timem:s7], [sflag:s22] =	dma.local [hbm:s5], s20  }
0x9e: {  	_ =	swait.ge [sflag:s22], s20  }
0x9f: {  	s4 =	ssub.s32 $0x0, s20;
	[sflag:s22] =	ssyncset.done $0x0  }
0xa0: {  	[sflag:s22] =	ssyncadd.s32 s4;
	_ =	sdelay $0x1  }
0xa1: {  	s23 =	simm.s32 $0x1B8B  }
0xa2: {  	_ =	swait.ge [sflag:s23], $0x1  }
0xa3: {  	[sflag:s23] =	ssyncset.done $0x0  }
0xa4: {  	s25 =	simm.s32 $0x1B8E;
	s24 =	sld [smem:$0x3FFE];
	[sflag:s23] =	ssyncadd.s32 $0xFFFFFFFF  }
0xa5: {  	s26 =	simm.s32 $execute0_lowered;
	[smem:$0x3FD2] =	sst s25  }
0xa6: {  	s5 =	sshll.u32 s26, $0x1;
	_ =	strace $0x80000046;
	[dreg:$0x1] =	wrdreg $0xFFFFFFFF  }
0xa7: {  	s28 =	simm.s32 $_size_execute0_lowered;
	s3 =	sadd.s32 s3, s5;
	[dreg:$0x0] =	wrdreg $0x0  }
0xa8: {  	s5 =	sshll.u32 s28, $0x1;
	[dreg:$0x2] =	wrdreg s3  }
0xa9: {  	[dreg:$0x3] =	wrdreg s5  }
0xaa: {  	[dreg:$0x4] =	wrdreg $0xC0  }
0xab: {  	_ =	task [dreg:s7], $0x5FFFF  }
0xac: {  	[dreg:$0x1] =	wrdreg $0xFFFFFFFF  }
0xad: {  	[dreg:$0x0] =	wrdreg $0x60  }
0xae: {  	[dreg:$0x2] =	wrdreg s24  }
0xaf: {  	[dreg:$0x3] =	wrdreg s2  }
0xb0: {  	[dreg:$0x4] =	wrdreg $0x9  }
0xb1: {  	_ =	task.clear_ibuf [dreg:s7], $0x5FFFF;
	_ =	strace $0x90000046  }
0xb2: {  	s29 =	simm.s32 $0x9;
	_ =	strace $0x80000048  }
0xb3: {  	_ =	swait.ge [sflag:s29], $0x1  }
0xb4: {  	[sflag:s29] =	ssyncadd.s32 $0xFFFFFFFF  }
0xb5: {  	_ =	strace $0x90000048  }
0xb6: {  	_ =	sfence  }
0xb7: {  	s30 =	sld [smem:$0x0];
	_ =	sdelay $0x2  }
0xb8: {  	s31 =	sshll.u32 s1, $0xD;
	s1 =	sshrl.u32 s1, $0x2  }
0xb9: {  	s3 =	sand.u32 $0x4000, s31;
	s1 =	sadd.s32 s1, s30  }
0xba: {  	s0 =	sor.u32 s3, s0;
	s1 =	sshll.u32 s1, $0x11  }
0xbb: {  	s0 =	sor.u32 s1, s0  }
0xbc: {  	s0 =	sadd.s32 $0x8F2B, s0  }
0xbd: {  	[sflag:s0] =	ssyncadd.remote.s32 $0x1  }
0xbe: {  	_ =	sfence.sel $0xFFFF  }
0xbf: {  	[dreg:$0x0] =	wrdreg $0xFFFFFFFF;
	(pc) =	sbr.abs _section_cstart, $3  }
0xc0: {  	[dreg:$0x1] =	wrdreg $0xFFFFFFFF  }
0xc1: {  	_ =	task.clear_ibuf [dreg:s7], $0x2FFFF;
	_ =	strace $0x9FFFFFFF  }
0xc2: {  	(tm) =	ssettm $0x7FFFFFFF  }
0xc3: {  	_ =	shalt  }
tec
execute0_lowered:
.L_overlay_start_1:
0x0: {  	(tag) =	ssettag $0x1  }
0x1: {  	s0 =	srdreg.scid  }
0x2: {  	s3 =	sand.u32 $0x1, s0  }
0x3: {  	s4 =	rddreg [dreg:$0x0];
	s0 =	stileid.u32;
	s1 =	sshll.u32 s3, $0x4  }
0x4: {  	s5 =	rddreg [dreg:$0x1];
	s2 =	simm.s32 $0x0;
	s6 =	sor.u32 s0, s1  }
0x5: {  	[smem:$0x7FF] =	sst s2;
	s7 =	smul.u32 $0x3E80, s6  }
0x6: {  	s3 =	ssub.s32 $0x2, s3;
	s1 =	rddreg [dreg:$0x2]  }
0x7: {  	s8 =	sshrl.u32 s3, $0x1;
	s6 =	smul.u32 $0x500, s6;
	s7 =	sshrl.u32 s7, $0x3  }
0x8: {  	_ =	strace $0x80000047;
	s8 =	ssub.s32 s3, s8;
	s31 =	sadd.s32 s4, s7  }
0x9: {  	s4 =	sadd.s32 s5, s6;
	s5 =	smax.u32 s8, $0x1;
	s6 =	simm.s32 $0x1  }
0xa: {  	v0 =	vimm.f32 $0.0e+00;
	v1 =	vimm.f32 $1.000000000e+00;
	s7 =	simm.s32 $0x3E80;
	s8 =	simm.s32 $0x0;
	s3 =	sadd.s32 $0x12000, s31  }
.LBB2_1:
0xb: {  	[tilespmem:s2], [sflag:$0x1] =	stream.linear.gather [hbm4b:s3+s2], $0x3E80, $0x38;
	[tilespmem:$0x6680] =	vst v63  }
0xc: {  	s9 =	simm.s32 $0x0  }
0xd: {  	s10 =	sand.u32 $0x400, s2;
	s11 =	simm.s32 $0x0;
	s9 =	sand.u32 $0x3800, s9  }
0xe: {  	_ =	swait.ge [sflag:s6], $0x3E80;
	s11 =	sand.u32 $0x380, s11;
	s9 =	sor.u32 s10, s9  }
0xf: {  	s31 =	sand.u32 $0x70, s2;
	[sflag:s6] =	ssyncset.done $0x0;
	s9 =	sor.u32 s11, s9  }
0x10: {  	[sflag:s6] =	ssyncadd.s32 $0xFFFFC180;
	s10 =	sor.u32 s31, s9  }
0x11: {  	s11 =	simm.s32 $0x0;
	s9 =	simm.s32 $0x1;
	[tilespmem:s10+$0x3E80] =	vst v0;
	s10 =	simm.s32 $0x80  }
.LBB2_2:
0x12: {  	s12 =	sshll.u32 s9, $0x4;
	p0 =	sne.s32 s9, $0x27F  }
0x13: {  	s13 =	smov.u32 s9;
	s9 =	sadd.s32 $0x1, s9;
	s14 =	sand.u32 $0x400, s10  }
.Ltmp0:
0x14: {  	s12 =	sand.u32 $0x3800, s12;
	s13 =	sshll.u32 s13, $0x3;
	(pc) =	sbr.rel @p0 .LBB2_2-.Ltmp0, $4  }
0x15: {  	s11 =	sadd.s32 $0x10, s11;
	s13 =	sand.u32 $0x380, s13;
	s12 =	sor.u32 s14, s12  }
0x16: {  	s14 =	sand.u32 $0x70, s11;
	s12 =	sor.u32 s13, s12  }
0x17: {  	s12 =	sor.u32 s14, s12  }
0x18: {  	s10 =	sadd.s32 $0x80, s10;
	[tilespmem:s12+$0x3E80] =	vst v0  }
0x19: {  	s9 =	simm.s32 $0x0  }
.LBB2_4:
0x1a: {  	s10 =	sshra.s32 s9, $0x2  }
0x1b: {  	v2 =	vld [tilespmem:s10+$0x0];
	_ =	sdelay $0x4  }
0x1c: {  	v3 =	vshll.u32 v2, $0x3  }
0x1d: {  	v4 =	vshrl.u32 v2, $0x1;
	v2 =	vand.u32 $0xFFFFF87F, v2;
	v3 =	vand.u32 $0x400, v3  }
0x1e: {  	v4 =	vand.u32 $0x380, v4;
	v2 =	vor.u32 v3, v2  }
0x1f: {  	v2 =	vor.u32 v4, v2;
	_ =	sdelay $0x4  }
0x20: {  	[tilespmem:v2+s7+$0x0] =	vst.idx.add.f32.msk $0xffff, v1  }
0x21: {  	v2 =	vld [tilespmem:s10+$0x10];
	_ =	sdelay $0x4  }
0x22: {  	v3 =	vshll.u32 v2, $0x3  }
0x23: {  	v60 =	vshrl.u32 v2, $0x1;
	v2 =	vand.u32 $0xFFFFF87F, v2;
	v3 =	vand.u32 $0x400, v3  }
0x24: {  	v4 =	vand.u32 $0x380, v60;
	v2 =	vor.u32 v3, v2  }
0x25: {  	v2 =	vor.u32 v4, v2;
	_ =	sdelay $0x4  }
0x26: {  	[tilespmem:v2+s7+$0x0] =	vst.idx.add.f32.msk $0xffff, v1  }
0x27: {  	v2 =	vld [tilespmem:s10+$0x20];
	_ =	sdelay $0x4  }
0x28: {  	v3 =	vshll.u32 v2, $0x3  }
0x29: {  	v61 =	vshrl.u32 v2, $0x1;
	v2 =	vand.u32 $0xFFFFF87F, v2;
	v3 =	vand.u32 $0x400, v3  }
0x2a: {  	v4 =	vand.u32 $0x380, v61;
	v2 =	vor.u32 v3, v2  }
0x2b: {  	v2 =	vor.u32 v4, v2;
	_ =	sdelay $0x4  }
0x2c: {  	[tilespmem:v2+s7+$0x0] =	vst.idx.add.f32.msk $0xffff, v1  }
0x2d: {  	v2 =	vld [tilespmem:s10+$0x30];
	_ =	sdelay $0x4  }
0x2e: {  	v3 =	vshll.u32 v2, $0x3  }
0x2f: {  	v62 =	vshrl.u32 v2, $0x1;
	v2 =	vand.u32 $0xFFFFF87F, v2;
	v3 =	vand.u32 $0x400, v3  }
0x30: {  	v4 =	vand.u32 $0x380, v62;
	v2 =	vor.u32 v3, v2  }
0x31: {  	v2 =	vor.u32 v4, v2;
	_ =	sdelay $0x4  }
0x32: {  	[tilespmem:v2+s7+$0x0] =	vst.idx.add.f32.msk $0xffff, v1  }
0x33: {  	v2 =	vld [tilespmem:s10+$0x40];
	_ =	sdelay $0x4  }
0x34: {  	v3 =	vshll.u32 v2, $0x3  }
0x35: {  	v63 =	vshrl.u32 v2, $0x1;
	v2 =	vand.u32 $0xFFFFF87F, v2;
	v3 =	vand.u32 $0x400, v3  }
0x36: {  	v4 =	vand.u32 $0x380, v63;
	v2 =	vor.u32 v3, v2  }
0x37: {  	p0 =	sne.s32 s9, $0xF800;
	v2 =	vor.u32 v4, v2  }
.Ltmp1:
0x38: {  	_ = 	snop;
	(pc) =	sbr.rel @p0 .LBB2_4-.Ltmp1, $2  }
0x39: {  	_ =	sdelay $0x2  }
0x3a: {  	s9 =	sadd.s32 $0x200, s9;
	[tilespmem:v2+s7+$0x0] =	vst.idx.add.f32.msk $0xffff, v1  }
0x3b: {  	s8 =	sadd.s32 $0x1, s8  }
0x3c: {  	p0 =	sne.s32 s8, s5  }
.Ltmp2:
0x3d: {  	_ = 	snop;
	(pc) =	sbr.rel @p0 .LBB2_1-.Ltmp2, $4  }
0x3e: {  	[hbm4b:s4+s2] =	stream.linear.scatter [tilespmem:s7], [sflag:$0x1], $0x2800, $0x38;
	[tilespmem:$0x6680] =	vst v63  }
0x3f: {  	_ =	swait.ge [sflag:s6], $0x2800  }
0x40: {  	[sflag:s6] =	ssyncset.done $0x0  }
0x41: {  	[sflag:s6] =	ssyncadd.s32 $0xFFFFD800  }
0x42: {  	_ =	sfence.sel $0x180000  }
0x43: {  	[bflag:$0x0] =	sbarrier.arrive $0xFFFF  }
0x44: {  	p0 =	sne.s32 s0, $0x0;
	_ =	strace $0x90000047  }
0x45: {  	s0 =	sadd.s32 @!p0 $0x100000, s1;
	[bflag:$0x2] =	sbarrier.arrive $0xFFFF  }
0x46: {  	[sflag:s0] =	ssyncadd.tile.s32 @!p0 $0x1;
	_ =	shalt  }
.Lfunc_end2:
_tile_overlayer_lowered:
.L_overlay_start_2:
0x47: {  	(tag) =	ssettag $0x2  }
0x48: {  	s0 =	rddreg [dreg:$0x0];
	s2 =	stileid.u32  }
0x49: {  	s1 =	rddreg [dreg:$0x1];
	p0 =	sne.s32 s2, $0x0  }
0x4a: {  	s3 =	rddreg [dreg:$0x2];
	[bflag:$0x3] =	sbarrier.arrive $0xFFFF;
	s2 =	simm.s32 @!p0 $0x1C01  }
0x4b: {  	[timem:s3], [sflag:s2] =	dma.local @!p0 [hbm:s0], s1  }
0x4c: {  	s0 =	simm.s32 @!p0 $0x1  }
0x4d: {  	_ =	swait.ge @!p0 [sflag:s0], s1  }
0x4e: {  	s1 =	ssub.s32 @!p0 $0x0, s1;
	[sflag:s0] =	ssyncset.done @!p0 $0x0  }
0x4f: {  	[sflag:s0] =	ssyncadd.s32 @!p0 s1  }
0x50: {  	[bflag:$0x3] =	sbarrier.arrive $0xFFFF  }
0x51: {  	_ =	shalt  }

</sc_bundles>
